<compile_context>
chip_gen: v7x
topology: tpu7x:2x2x1
jax: 0.10.2.dev20260603
libtpu: 0.0.44.dev20260713+nightly
codegen_flags: <defaults>
</compile_context>

<pallas_src>
import functools

import jax
import jax.numpy as jnp
from jax import lax
from jax.experimental import pallas as pl
from jax.experimental.pallas import tpu as pltpu
from jax.experimental.pallas import tpu_sc as plsc

N = 10000
E = 320000
D = 128
NC = 2
NS = 16
NW = NC * NS
EC = 128
NP = 10240
AR = NP // NS
REP = 2560
REPH = 5120

F32 = jnp.float32


def _mesh():
    return plsc.VectorSubcoreMesh(core_axis_name="c", subcore_axis_name="s",
                                  num_cores=NC, num_subcores=NS)



CHI = 40

SLOW_T = 40
FAST_T = 120


def _sc_segment_sum(values, idx_in, idx_out, zeros_rows):

    @functools.partial(
        pl.kernel,
        out_type=jax.ShapeDtypeStruct((NC, NP, D), F32),
        mesh=_mesh(),
        scratch_types=[
            pltpu.VMEM((CHI, EC), jnp.int32),
            pltpu.VMEM((CHI, EC), jnp.int32),
            pltpu.VMEM((2, EC, D), F32),
            pltpu.VMEM_SHARED((NP, D), F32),
            pltpu.SemaphoreType.DMA,
            pltpu.SemaphoreType.DMA,
        ],
    )
    def body(vals_hbm, iin_hbm, iout_hbm, z_hbm, out_hbm,
             iin_v, iout_v, rows_v, acc, sem, sem2):
        c = lax.axis_index("c")
        s = lax.axis_index("s")
        slow = c == 0
        nch = jnp.where(slow, SLOW_T // CHI, FAST_T // CHI)
        rbase = jnp.where(slow, NS * FAST_T + s * SLOW_T, s * FAST_T)
        zoff = pl.multiple_of(s * AR, 8)
        pltpu.sync_copy(z_hbm, acc.at[pl.ds(zoff, AR)])
        plsc.subcore_barrier()

        def chunk(ci, carry):
            eoff = pl.multiple_of(rbase + ci * CHI, 8)
            pltpu.sync_copy(iin_hbm.at[pl.ds(eoff, CHI)], iin_v)
            pltpu.sync_copy(iout_hbm.at[pl.ds(eoff, CHI)], iout_v)
            pltpu.async_copy(vals_hbm.at[iin_v.at[0]], rows_v.at[0], sem)
            pltpu.async_copy(vals_hbm.at[iin_v.at[1]], rows_v.at[1], sem2)

            def pair(t, carry2):
                pltpu.make_async_copy(vals_hbm.at[iin_v.at[0]],
                                      rows_v.at[0], sem).wait()
                pltpu.sync_copy(rows_v.at[0], acc.at[iout_v.at[2 * t]],
                                add=True)

                @pl.when(t < CHI // 2 - 1)
                def _():
                    pltpu.async_copy(vals_hbm.at[iin_v.at[2 * t + 2]],
                                     rows_v.at[0], sem)

                pltpu.make_async_copy(vals_hbm.at[iin_v.at[1]],
                                      rows_v.at[1], sem2).wait()
                pltpu.sync_copy(rows_v.at[1], acc.at[iout_v.at[2 * t + 1]],
                                add=True)

                @pl.when(t < CHI // 2 - 1)
                def _():
                    pltpu.async_copy(vals_hbm.at[iin_v.at[2 * t + 3]],
                                     rows_v.at[1], sem2)

                return carry2

            lax.fori_loop(0, CHI // 2, pair, 0)
            return carry

        lax.fori_loop(0, nch, chunk, 0)
        plsc.subcore_barrier()
        pltpu.sync_copy(acc.at[pl.ds(zoff, AR)],
                        out_hbm.at[c, pl.ds(zoff, AR)])

    return body(values, idx_in, idx_out, zeros_rows)


RH = 2560
RPWH = RH // NW


def _sc_histogram(ones_tab, idx_out, zeros_rows):

    @functools.partial(
        pl.kernel,
        out_type=jax.ShapeDtypeStruct((NC, NP, D), F32),
        mesh=_mesh(),
        scratch_types=[
            pltpu.VMEM((CHI, EC), jnp.int32),
            pltpu.VMEM((EC, D), F32),
            pltpu.VMEM_SHARED((NP, D), F32),
        ],
    )
    def body(ones_hbm, iout_hbm, z_hbm, out_hbm, iout_v, rows_v, acc):
        c = lax.axis_index("c")
        s = lax.axis_index("s")
        w = s * NC + c
        zoff = pl.multiple_of(s * AR, 8)
        pltpu.sync_copy(z_hbm, acc.at[pl.ds(zoff, AR)])
        plsc.subcore_barrier()
        for p in range(2):
            pltpu.sync_copy(ones_hbm.at[pl.ds(p * EC, EC)], rows_v)

            def chunk(ci, carry):
                eoff = pl.multiple_of(p * RH + w * RPWH + ci * CHI, 8)
                pltpu.sync_copy(iout_hbm.at[pl.ds(eoff, CHI)], iout_v)

                def step(j, carry2):
                    pltpu.sync_copy(rows_v, acc.at[iout_v.at[j]], add=True)
                    return carry2

                lax.fori_loop(0, CHI, step, 0)
                return carry

            lax.fori_loop(0, RPWH // CHI, chunk, 0)
        plsc.subcore_barrier()
        pltpu.sync_copy(acc.at[pl.ds(zoff, AR)],
                        out_hbm.at[c, pl.ds(zoff, AR)])

    return body(ones_tab, idx_out, zeros_rows)



BLK = 1000
GRID = N // BLK


def _degs_from(hist_blk):
    indeg = jnp.sum(hist_blk[:, :, :64], axis=(0, 2)) * (1.0 / 64.0)
    outdeg = jnp.sum(hist_blk[:, :, 64:], axis=(0, 2)) * (1.0 / 64.0)
    return indeg, outdeg


def _dot(a, b):
    return jnp.dot(a, b, preferred_element_type=F32,
                   precision=lax.Precision.HIGHEST)


def _t1_body(x_ref, w1_ref, hist_ref, xw_ref, u_ref):
    xw = _dot(x_ref[...], w1_ref[...])
    indeg, _ = _degs_from(hist_ref[...])
    dinv = lax.rsqrt(indeg + 1.0)
    xw_ref[...] = xw
    u_ref[...] = xw * dinv[:, None]


def _t2_body(t1_ref, xw_ref, hist_ref, b1_ref, h_ref):
    indeg, _ = _degs_from(hist_ref[...])
    dinv = lax.rsqrt(indeg + 1.0)
    t1 = t1_ref[0] + t1_ref[1]
    h = t1 * dinv[:, None] + xw_ref[...] * (dinv * dinv)[:, None] + b1_ref[...]
    h_ref[...] = jnp.maximum(h, 0.0)


def _t3_body(ks_ref, h_ref, w2_ref, hist_ref, y_ref, v_ref):
    indeg, rs = _degs_from(hist_ref[...])
    rsinv = 1.0 / jnp.where(rs == 0.0, 1.0, rs)
    khf = (ks_ref[0] + ks_ref[1]) * rsinv[:, None]
    w2a = w2_ref[:D]
    w2d = w2_ref[D:] - w2a
    y = _dot(h_ref[...], w2a) + _dot(khf, w2d)
    dinv = lax.rsqrt(indeg + 1.0)
    y_ref[...] = y
    v_ref[...] = y * dinv[:, None]


def _t4_body(t2_ref, y_ref, hist_ref, b2_ref, out_ref):
    indeg, _ = _degs_from(hist_ref[...])
    dinv = lax.rsqrt(indeg + 1.0)
    t2 = t2_ref[0] + t2_ref[1]
    out_ref[...] = (t2 * dinv[:, None]
                    + y_ref[...] * (dinv * dinv)[:, None] + b2_ref[...])


def _rows(i):
    return (0, i, 0)


_SPEC_NODE = pl.BlockSpec((BLK, D), lambda i: (i, 0))
_SPEC_PART = pl.BlockSpec((NC, BLK, D), _rows)
_SPEC_B = pl.BlockSpec((D,), lambda i: (0,))
_SPEC_W = pl.BlockSpec((D, D), lambda i: (0, 0))
_SPEC_W2 = pl.BlockSpec((2 * D, D), lambda i: (0, 0))

_ND = jax.ShapeDtypeStruct((N, D), F32)


def _tc(body, in_specs, out_specs, out_shape):
    return pl.pallas_call(body, grid=(GRID,), in_specs=in_specs,
                          out_specs=out_specs, out_shape=out_shape)



def kernel(x, edge_index, W1, b1, W2, b2):
    src = edge_index[0]
    dst = edge_index[1]
    i32 = jnp.int32
    pad_trash = jnp.full((REP * EC - E,), NP - 1, i32)
    pad_zero = jnp.zeros((REP * EC - E,), i32)
    src_in = jnp.concatenate([src, pad_zero]).reshape(REP, EC)
    dst_out = jnp.concatenate([dst, pad_trash]).reshape(REP, EC)
    dst_in = jnp.concatenate([dst, pad_zero]).reshape(REP, EC)
    src_out = jnp.concatenate([src, pad_trash]).reshape(REP, EC)
    hpad = jnp.full((RH * EC - E,), NP - 1, i32)
    hist_out = jnp.concatenate([dst, hpad, src, hpad]).reshape(2 * RH, EC)
    half = jnp.concatenate([jnp.ones((EC, 64), F32),
                            jnp.zeros((EC, 64), F32)], axis=1)
    ones_tab = jnp.concatenate([half, 1.0 - half], axis=0)
    zeros_w = jnp.zeros((AR, D), F32)

    hist = _sc_histogram(ones_tab, hist_out, zeros_w)

    xw, u = _tc(_t1_body,
                [_SPEC_NODE, _SPEC_W, _SPEC_PART],
                (_SPEC_NODE, _SPEC_NODE), (_ND, _ND))(x, W1, hist)

    t1p = _sc_segment_sum(u, src_in, dst_out, zeros_w)

    h = _tc(_t2_body,
            [_SPEC_PART, _SPEC_NODE, _SPEC_PART, _SPEC_B],
            _SPEC_NODE, _ND)(t1p, xw, hist, b1)

    ksp = _sc_segment_sum(h, dst_in, src_out, zeros_w)

    y, v = _tc(_t3_body,
               [_SPEC_PART, _SPEC_NODE, _SPEC_W2, _SPEC_PART],
               (_SPEC_NODE, _SPEC_NODE), (_ND, _ND))(ksp, h, W2, hist)

    t2p = _sc_segment_sum(v, src_in, dst_out, zeros_w)

    out = _tc(_t4_body,
              [_SPEC_PART, _SPEC_NODE, _SPEC_PART, _SPEC_B],
              _SPEC_NODE, _ND)(t2p, y, hist, b2)
    return out

# --- scband reference (transcript-rebuilt; emitter-appended) ---
"""Pipeline reference for scband-gcn-avg-khop-anchored-29643864277065 (READ-ONLY COPY).

The authoritative reference and input builder live on the scoring server;
editing this copy changes nothing except your own understanding.
"""

import jax, jax.numpy as jnp
import numpy as np

N = 10000
E = 320000
D = 128
H = 128
O = 128


def setup_inputs(seed: int = 0):
    key = jax.random.key(seed)
    k1, k2, k3, k4 = jax.random.split(key, 4)
    x = jax.random.normal(k1, (N, D), dtype=jnp.float32)
    edge_index = jax.random.randint(k2, (2, E), 0, N, dtype=jnp.int32)
    # GCNConv learned params (PyG convention: out = norm_agg(x @ W) + b)
    W1 = jax.random.normal(k3, (D, H), dtype=jnp.float32) * 0.05
    b1 = jnp.zeros((H,), dtype=jnp.float32)
    W2 = jax.random.normal(k4, (2 * H, O), dtype=jnp.float32) * 0.05
    b2 = jnp.zeros((O,), dtype=jnp.float32)
    return {"x": x, "edge_index": edge_index, "W1": W1, "b1": b1, "W2": W2, "b2": b2}


def gcn_conv(x, src, dst, W, b, n):
    # PyG GCNConv: add self-loops, symmetric D^-1/2 A D^-1/2 normalization
    loop = jnp.arange(n, dtype=src.dtype)
    s = jnp.concatenate([src, loop])
    d = jnp.concatenate([dst, loop])
    deg = jax.ops.segment_sum(jnp.ones(s.shape[0], dtype=x.dtype), d, num_segments=n)
    dinv = jnp.where(deg > 0, jax.lax.rsqrt(jnp.maximum(deg, 1e-12)), 0.0)
    norm = dinv[s] * dinv[d]
    xw = x @ W
    out = jax.ops.segment_sum(xw[s] * norm[:, None], d, num_segments=n)
    return out + b


def reference(x, edge_index, W1, b1, W2, b2):
    n = x.shape[0]
    src = edge_index[0]
    dst = edge_index[1]
    # conv1 + relu (dropout disabled)
    h = jax.nn.relu(gcn_conv(x, src, dst, W1, b1, n))
    # k_hop = 1: k_hop_adj = D^-1 A (row-normalized adjacency, duplicates summed)
    row_sum = jax.ops.segment_sum(jnp.ones(src.shape[0], dtype=x.dtype), src, num_segments=n)
    row_sum = jnp.where(row_sum == 0, 1.0, row_sum)
    k_hop_features = jax.ops.segment_sum(h[dst], src, num_segments=n) / row_sum[:, None]
    hcat = jnp.concatenate([h - k_hop_features, k_hop_features], axis=1)
    return gcn_conv(hcat, src, dst, W2, b2, n)

if __name__ == "__main__":
    import jax
    _d = setup_inputs()
    print(jax.jit(kernel)(*tuple(_d.values())))

</pallas_src>

<mosaic_0001>
#map = affine_map<(d0, d1) -> (0, 0)>
#map1 = affine_map<(d0, d1) -> (0, 0, 0)>
module attributes {stable_mosaic.version = 14 : i64} {
  func.func @body(%arg0: i32, %arg1: i32, %arg2: memref<256x128xf32, #tpu.memory_space<hbm>>, %arg3: memref<5120x128xi32, #tpu.memory_space<hbm>>, %arg4: memref<640x128xf32, #tpu.memory_space<hbm>>, %arg5: memref<2x10240x128xf32, #tpu.memory_space<hbm>>, %arg6: memref<40x128xi32, #tpu.memory_space<vmem>>, %arg7: memref<128x128xf32, #tpu.memory_space<vmem>>, %arg8: memref<10240x128xf32, #tpu.memory_space<vmem_shared>>) attributes {dimension_semantics = [#tpu.dimension_semantics<core_parallel>, #tpu.dimension_semantics<subcore_parallel>], iteration_bounds = array<i64: 2, 16>, scalar_prefetch = 0 : i64, scratch_operands = 3 : i64, tpu.core_type = #tpu.core_type<sc_vector_subcore>, window_params = [{transform_indices = #map}, {transform_indices = #map}, {transform_indices = #map}, {transform_indices = #map1}]} {
    %mul3A = arith.constant 2 : i32
    %mul3A_0 = arith.muli %arg1, %mul3A : i32
    %add3A = arith.addi %mul3A_0, %arg0 : i32
    %mul3A_1 = arith.constant 640 : i32
    %mul3A_2 = arith.muli %arg1, %mul3A_1 : i32
    %multiple_of3A = tpu.assume_multiple %mul3A_2, 8 : i32
    "tpu.region"() ({
      %run_scoped3A = tpu.sem_alloc : memref<!tpu.dma_semaphore, #tpu.memory_space<semaphore_mem>>
      %dma_start3A = arith.constant 0 : i32
      %dma_start3A_15 = tpu.memref_slice %arg8[%multiple_of3A, %dma_start3A] : memref<10240x128xf32, #tpu.memory_space<vmem_shared>> -> memref<640x128xf32, #tpu.memory_space<vmem_shared>>
      tpu.enqueue_dma source(%arg4 : memref<640x128xf32, #tpu.memory_space<hbm>>) target(%dma_start3A_15 : memref<640x128xf32, #tpu.memory_space<vmem_shared>>) target_semaphore(%run_scoped3A : memref<!tpu.dma_semaphore, #tpu.memory_space<semaphore_mem>>)
      %dma_wait3A = arith.constant 0 : i32
      %dma_wait3A_16 = tpu.memref_slice %arg8[%multiple_of3A, %dma_wait3A] : memref<10240x128xf32, #tpu.memory_space<vmem_shared>> -> memref<640x128xf32, #tpu.memory_space<vmem_shared>>
      tpu.wait_dma2 semaphore(%run_scoped3A : memref<!tpu.dma_semaphore, #tpu.memory_space<semaphore_mem>>) src(%arg4 : memref<640x128xf32, #tpu.memory_space<hbm>>) dst(%dma_wait3A_16 : memref<640x128xf32, #tpu.memory_space<vmem_shared>>)
      tpu.yield
    }) : () -> ()
    %barrier3A = arith.constant 0 : index
    tpu.barrier barrier_id(%barrier3A)
    "tpu.region"() ({
      %run_scoped3A = tpu.sem_alloc : memref<!tpu.dma_semaphore, #tpu.memory_space<semaphore_mem>>
      %dma_start3A = arith.constant 0 : i32
      %dma_start3A_15 = arith.constant 0 : i32
      %dma_start3A_16 = tpu.memref_slice %arg2[%dma_start3A, %dma_start3A_15] : memref<256x128xf32, #tpu.memory_space<hbm>> -> memref<128x128xf32, #tpu.memory_space<hbm>>
      %dma_start3A_17 = arith.constant 0 : i32
      %dma_start3A_18 = arith.constant 0 : i32
      %dma_start3A_19 = tpu.memref_slice %arg2[%dma_start3A_17, %dma_start3A_18] : memref<256x128xf32, #tpu.memory_space<hbm>> -> memref<128x128xf32, #tpu.memory_space<hbm>>
      tpu.enqueue_dma source(%dma_start3A_19 : memref<128x128xf32, #tpu.memory_space<hbm>>) target(%arg7 : memref<128x128xf32, #tpu.memory_space<vmem>>) target_semaphore(%run_scoped3A : memref<!tpu.dma_semaphore, #tpu.memory_space<semaphore_mem>>)
      %dma_wait3A = arith.constant 0 : i32
      %dma_wait3A_20 = arith.constant 0 : i32
      %dma_wait3A_21 = tpu.memref_slice %arg2[%dma_wait3A, %dma_wait3A_20] : memref<256x128xf32, #tpu.memory_space<hbm>> -> memref<128x128xf32, #tpu.memory_space<hbm>>
      %dma_wait3A_22 = arith.constant 0 : i32
      %dma_wait3A_23 = arith.constant 0 : i32
      %dma_wait3A_24 = tpu.memref_slice %arg2[%dma_wait3A_22, %dma_wait3A_23] : memref<256x128xf32, #tpu.memory_space<hbm>> -> memref<128x128xf32, #tpu.memory_space<hbm>>
      tpu.wait_dma2 semaphore(%run_scoped3A : memref<!tpu.dma_semaphore, #tpu.memory_space<semaphore_mem>>) src(%dma_wait3A_24 : memref<128x128xf32, #tpu.memory_space<hbm>>) dst(%arg7 : memref<128x128xf32, #tpu.memory_space<vmem>>)
      tpu.yield
    }) : () -> ()
    %scan3A = arith.constant 0 : i32
    %scan3A_3 = arith.constant 0 : i32
    %scan3A_4 = arith.constant 2 : i32
    %scan3A_5 = arith.addi %scan3A_3, %scan3A_4 : i32
    %scan3A_6 = arith.constant 1 : i32
    scf.for %scan3A_15 = %scan3A_3 to %scan3A_5 step %scan3A_6  : i32 {
      %mul3A_16 = arith.constant 80 : i32
      %mul3A_17 = arith.muli %add3A, %mul3A_16 : i32
      %add3A_18 = arith.constant 0 : i32
      %add3A_19 = arith.addi %add3A_18, %mul3A_17 : i32
      %mul3A_20 = arith.constant 40 : i32
      %mul3A_21 = arith.muli %scan3A_15, %mul3A_20 : i32
      %add3A_22 = arith.addi %add3A_19, %mul3A_21 : i32
      %multiple_of3A_23 = tpu.assume_multiple %add3A_22, 8 : i32
      "tpu.region"() ({
        %run_scoped3A = tpu.sem_alloc : memref<!tpu.dma_semaphore, #tpu.memory_space<semaphore_mem>>
        %dma_start3A = arith.constant 0 : i32
        %dma_start3A_30 = tpu.memref_slice %arg3[%multiple_of3A_23, %dma_start3A] : memref<5120x128xi32, #tpu.memory_space<hbm>> -> memref<40x128xi32, #tpu.memory_space<hbm>>
        %dma_start3A_31 = arith.constant 0 : i32
        %dma_start3A_32 = tpu.memref_slice %arg3[%multiple_of3A_23, %dma_start3A_31] : memref<5120x128xi32, #tpu.memory_space<hbm>> -> memref<40x128xi32, #tpu.memory_space<hbm>>
        tpu.enqueue_dma source(%dma_start3A_32 : memref<40x128xi32, #tpu.memory_space<hbm>>) target(%arg6 : memref<40x128xi32, #tpu.memory_space<vmem>>) target_semaphore(%run_scoped3A : memref<!tpu.dma_semaphore, #tpu.memory_space<semaphore_mem>>)
        %dma_wait3A = arith.constant 0 : i32
        %dma_wait3A_33 = tpu.memref_slice %arg3[%multiple_of3A_23, %dma_wait3A] : memref<5120x128xi32, #tpu.memory_space<hbm>> -> memref<40x128xi32, #tpu.memory_space<hbm>>
        %dma_wait3A_34 = arith.constant 0 : i32
        %dma_wait3A_35 = tpu.memref_slice %arg3[%multiple_of3A_23, %dma_wait3A_34] : memref<5120x128xi32, #tpu.memory_space<hbm>> -> memref<40x128xi32, #tpu.memory_space<hbm>>
        tpu.wait_dma2 semaphore(%run_scoped3A : memref<!tpu.dma_semaphore, #tpu.memory_space<semaphore_mem>>) src(%dma_wait3A_35 : memref<40x128xi32, #tpu.memory_space<hbm>>) dst(%arg6 : memref<40x128xi32, #tpu.memory_space<vmem>>)
        tpu.yield
      }) : () -> ()
      %scan3A_24 = arith.constant 0 : i32
      %scan3A_25 = arith.constant 0 : i32
      %scan3A_26 = arith.constant 40 : i32
      %scan3A_27 = arith.addi %scan3A_25, %scan3A_26 : i32
      %scan3A_28 = arith.constant 1 : i32
      scf.for %scan3A_30 = %scan3A_25 to %scan3A_27 step %scan3A_28  : i32 {
        "tpu.region"() ({
          %run_scoped3A = tpu.sem_alloc : memref<!tpu.dma_semaphore, #tpu.memory_space<semaphore_mem>>
          %dma_start3A = arith.constant 0 : i32
          %dma_start3A_31 = tpu.memref_slice %arg6[%scan3A_30, %dma_start3A] : memref<40x128xi32, #tpu.memory_space<vmem>> -> memref<1x128xi32, #tpu.memory_space<vmem>>
          %dma_start3A_32 = tpu.memref_squeeze %dma_start3A_31 : memref<1x128xi32, #tpu.memory_space<vmem>> -> memref<128xi32, #tpu.memory_space<vmem>>
          %dma_start3A_33 = arith.constant 0 : i32
          %dma_start3A_34 = arith.constant 0 : i32
          %dma_start3A_35 = tpu.memref_slice %arg8[%dma_start3A_33, %dma_start3A_34] : memref<10240x128xf32, #tpu.memory_space<vmem_shared>> -> memref<10240x128xf32, #tpu.memory_space<vmem_shared>>
          tpu.enqueue_indirect_dma source(%arg7 : memref<128x128xf32, #tpu.memory_space<vmem>>) target(%dma_start3A_35 : memref<10240x128xf32, #tpu.memory_space<vmem_shared>>) offsets(%dma_start3A_32 : memref<128xi32, #tpu.memory_space<vmem>>) semaphore(%run_scoped3A : memref<!tpu.dma_semaphore, #tpu.memory_space<semaphore_mem>>) {add = true}
          %dma_wait3A = arith.constant 0 : i32
          %dma_wait3A_36 = tpu.memref_slice %arg6[%scan3A_30, %dma_wait3A] : memref<40x128xi32, #tpu.memory_space<vmem>> -> memref<1x128xi32, #tpu.memory_space<vmem>>
          %dma_wait3A_37 = tpu.memref_squeeze %dma_wait3A_36 : memref<1x128xi32, #tpu.memory_space<vmem>> -> memref<128xi32, #tpu.memory_space<vmem>>
          %dma_wait3A_38 = arith.constant 0 : i32
          %dma_wait3A_39 = arith.constant 0 : i32
          %dma_wait3A_40 = tpu.memref_slice %arg8[%dma_wait3A_38, %dma_wait3A_39] : memref<10240x128xf32, #tpu.memory_space<vmem_shared>> -> memref<10240x128xf32, #tpu.memory_space<vmem_shared>>
          tpu.wait_indirect_dma semaphore(%run_scoped3A : memref<!tpu.dma_semaphore, #tpu.memory_space<semaphore_mem>>) src(%arg7 : memref<128x128xf32, #tpu.memory_space<vmem>>) dst(%dma_wait3A_40 : memref<10240x128xf32, #tpu.memory_space<vmem_shared>>)
          tpu.yield
        }) : () -> ()
      }
      %scan3A_29 = arith.constant 40 : i32
    }
    %scan3A_7 = arith.constant 2 : i32
    "tpu.region"() ({
      %run_scoped3A = tpu.sem_alloc : memref<!tpu.dma_semaphore, #tpu.memory_space<semaphore_mem>>
      %dma_start3A = arith.constant 128 : i32
      %dma_start3A_15 = arith.constant 0 : i32
      %dma_start3A_16 = tpu.memref_slice %arg2[%dma_start3A, %dma_start3A_15] : memref<256x128xf32, #tpu.memory_space<hbm>> -> memref<128x128xf32, #tpu.memory_space<hbm>>
      %dma_start3A_17 = arith.constant 128 : i32
      %dma_start3A_18 = arith.constant 0 : i32
      %dma_start3A_19 = tpu.memref_slice %arg2[%dma_start3A_17, %dma_start3A_18] : memref<256x128xf32, #tpu.memory_space<hbm>> -> memref<128x128xf32, #tpu.memory_space<hbm>>
      tpu.enqueue_dma source(%dma_start3A_19 : memref<128x128xf32, #tpu.memory_space<hbm>>) target(%arg7 : memref<128x128xf32, #tpu.memory_space<vmem>>) target_semaphore(%run_scoped3A : memref<!tpu.dma_semaphore, #tpu.memory_space<semaphore_mem>>)
      %dma_wait3A = arith.constant 128 : i32
      %dma_wait3A_20 = arith.constant 0 : i32
      %dma_wait3A_21 = tpu.memref_slice %arg2[%dma_wait3A, %dma_wait3A_20] : memref<256x128xf32, #tpu.memory_space<hbm>> -> memref<128x128xf32, #tpu.memory_space<hbm>>
      %dma_wait3A_22 = arith.constant 128 : i32
      %dma_wait3A_23 = arith.constant 0 : i32
      %dma_wait3A_24 = tpu.memref_slice %arg2[%dma_wait3A_22, %dma_wait3A_23] : memref<256x128xf32, #tpu.memory_space<hbm>> -> memref<128x128xf32, #tpu.memory_space<hbm>>
      tpu.wait_dma2 semaphore(%run_scoped3A : memref<!tpu.dma_semaphore, #tpu.memory_space<semaphore_mem>>) src(%dma_wait3A_24 : memref<128x128xf32, #tpu.memory_space<hbm>>) dst(%arg7 : memref<128x128xf32, #tpu.memory_space<vmem>>)
      tpu.yield
    }) : () -> ()
    %scan3A_8 = arith.constant 0 : i32
    %scan3A_9 = arith.constant 0 : i32
    %scan3A_10 = arith.constant 2 : i32
    %scan3A_11 = arith.addi %scan3A_9, %scan3A_10 : i32
    %scan3A_12 = arith.constant 1 : i32
    scf.for %scan3A_15 = %scan3A_9 to %scan3A_11 step %scan3A_12  : i32 {
      %mul3A_16 = arith.constant 80 : i32
      %mul3A_17 = arith.muli %add3A, %mul3A_16 : i32
      %add3A_18 = arith.constant 2560 : i32
      %add3A_19 = arith.addi %add3A_18, %mul3A_17 : i32
      %mul3A_20 = arith.constant 40 : i32
      %mul3A_21 = arith.muli %scan3A_15, %mul3A_20 : i32
      %add3A_22 = arith.addi %add3A_19, %mul3A_21 : i32
      %multiple_of3A_23 = tpu.assume_multiple %add3A_22, 8 : i32
      "tpu.region"() ({
        %run_scoped3A = tpu.sem_alloc : memref<!tpu.dma_semaphore, #tpu.memory_space<semaphore_mem>>
        %dma_start3A = arith.constant 0 : i32
        %dma_start3A_30 = tpu.memref_slice %arg3[%multiple_of3A_23, %dma_start3A] : memref<5120x128xi32, #tpu.memory_space<hbm>> -> memref<40x128xi32, #tpu.memory_space<hbm>>
        %dma_start3A_31 = arith.constant 0 : i32
        %dma_start3A_32 = tpu.memref_slice %arg3[%multiple_of3A_23, %dma_start3A_31] : memref<5120x128xi32, #tpu.memory_space<hbm>> -> memref<40x128xi32, #tpu.memory_space<hbm>>
        tpu.enqueue_dma source(%dma_start3A_32 : memref<40x128xi32, #tpu.memory_space<hbm>>) target(%arg6 : memref<40x128xi32, #tpu.memory_space<vmem>>) target_semaphore(%run_scoped3A : memref<!tpu.dma_semaphore, #tpu.memory_space<semaphore_mem>>)
        %dma_wait3A = arith.constant 0 : i32
        %dma_wait3A_33 = tpu.memref_slice %arg3[%multiple_of3A_23, %dma_wait3A] : memref<5120x128xi32, #tpu.memory_space<hbm>> -> memref<40x128xi32, #tpu.memory_space<hbm>>
        %dma_wait3A_34 = arith.constant 0 : i32
        %dma_wait3A_35 = tpu.memref_slice %arg3[%multiple_of3A_23, %dma_wait3A_34] : memref<5120x128xi32, #tpu.memory_space<hbm>> -> memref<40x128xi32, #tpu.memory_space<hbm>>
        tpu.wait_dma2 semaphore(%run_scoped3A : memref<!tpu.dma_semaphore, #tpu.memory_space<semaphore_mem>>) src(%dma_wait3A_35 : memref<40x128xi32, #tpu.memory_space<hbm>>) dst(%arg6 : memref<40x128xi32, #tpu.memory_space<vmem>>)
        tpu.yield
      }) : () -> ()
      %scan3A_24 = arith.constant 0 : i32
      %scan3A_25 = arith.constant 0 : i32
      %scan3A_26 = arith.constant 40 : i32
      %scan3A_27 = arith.addi %scan3A_25, %scan3A_26 : i32
      %scan3A_28 = arith.constant 1 : i32
      scf.for %scan3A_30 = %scan3A_25 to %scan3A_27 step %scan3A_28  : i32 {
        "tpu.region"() ({
          %run_scoped3A = tpu.sem_alloc : memref<!tpu.dma_semaphore, #tpu.memory_space<semaphore_mem>>
          %dma_start3A = arith.constant 0 : i32
          %dma_start3A_31 = tpu.memref_slice %arg6[%scan3A_30, %dma_start3A] : memref<40x128xi32, #tpu.memory_space<vmem>> -> memref<1x128xi32, #tpu.memory_space<vmem>>
          %dma_start3A_32 = tpu.memref_squeeze %dma_start3A_31 : memref<1x128xi32, #tpu.memory_space<vmem>> -> memref<128xi32, #tpu.memory_space<vmem>>
          %dma_start3A_33 = arith.constant 0 : i32
          %dma_start3A_34 = arith.constant 0 : i32
          %dma_start3A_35 = tpu.memref_slice %arg8[%dma_start3A_33, %dma_start3A_34] : memref<10240x128xf32, #tpu.memory_space<vmem_shared>> -> memref<10240x128xf32, #tpu.memory_space<vmem_shared>>
          tpu.enqueue_indirect_dma source(%arg7 : memref<128x128xf32, #tpu.memory_space<vmem>>) target(%dma_start3A_35 : memref<10240x128xf32, #tpu.memory_space<vmem_shared>>) offsets(%dma_start3A_32 : memref<128xi32, #tpu.memory_space<vmem>>) semaphore(%run_scoped3A : memref<!tpu.dma_semaphore, #tpu.memory_space<semaphore_mem>>) {add = true}
          %dma_wait3A = arith.constant 0 : i32
          %dma_wait3A_36 = tpu.memref_slice %arg6[%scan3A_30, %dma_wait3A] : memref<40x128xi32, #tpu.memory_space<vmem>> -> memref<1x128xi32, #tpu.memory_space<vmem>>
          %dma_wait3A_37 = tpu.memref_squeeze %dma_wait3A_36 : memref<1x128xi32, #tpu.memory_space<vmem>> -> memref<128xi32, #tpu.memory_space<vmem>>
          %dma_wait3A_38 = arith.constant 0 : i32
          %dma_wait3A_39 = arith.constant 0 : i32
          %dma_wait3A_40 = tpu.memref_slice %arg8[%dma_wait3A_38, %dma_wait3A_39] : memref<10240x128xf32, #tpu.memory_space<vmem_shared>> -> memref<10240x128xf32, #tpu.memory_space<vmem_shared>>
          tpu.wait_indirect_dma semaphore(%run_scoped3A : memref<!tpu.dma_semaphore, #tpu.memory_space<semaphore_mem>>) src(%arg7 : memref<128x128xf32, #tpu.memory_space<vmem>>) dst(%dma_wait3A_40 : memref<10240x128xf32, #tpu.memory_space<vmem_shared>>)
          tpu.yield
        }) : () -> ()
      }
      %scan3A_29 = arith.constant 40 : i32
    }
    %scan3A_13 = arith.constant 2 : i32
    %barrier3A_14 = arith.constant 0 : index
    tpu.barrier barrier_id(%barrier3A_14)
    "tpu.region"() ({
      %run_scoped3A = tpu.sem_alloc : memref<!tpu.dma_semaphore, #tpu.memory_space<semaphore_mem>>
      %dma_start3A = arith.constant 0 : i32
      %dma_start3A_15 = tpu.memref_slice %arg5[%arg0, %multiple_of3A, %dma_start3A] : memref<2x10240x128xf32, #tpu.memory_space<hbm>> -> memref<1x640x128xf32, #tpu.memory_space<hbm>>
      %dma_start3A_16 = tpu.memref_squeeze %dma_start3A_15 : memref<1x640x128xf32, #tpu.memory_space<hbm>> -> memref<640x128xf32, #tpu.memory_space<hbm>>
      %dma_start3A_17 = arith.constant 0 : i32
      %dma_start3A_18 = tpu.memref_slice %arg8[%multiple_of3A, %dma_start3A_17] : memref<10240x128xf32, #tpu.memory_space<vmem_shared>> -> memref<640x128xf32, #tpu.memory_space<vmem_shared>>
      tpu.enqueue_dma source(%dma_start3A_18 : memref<640x128xf32, #tpu.memory_space<vmem_shared>>) target(%dma_start3A_16 : memref<640x128xf32, #tpu.memory_space<hbm>>) target_semaphore(%run_scoped3A : memref<!tpu.dma_semaphore, #tpu.memory_space<semaphore_mem>>)
      %dma_wait3A = arith.constant 0 : i32
      %dma_wait3A_19 = tpu.memref_slice %arg5[%arg0, %multiple_of3A, %dma_wait3A] : memref<2x10240x128xf32, #tpu.memory_space<hbm>> -> memref<1x640x128xf32, #tpu.memory_space<hbm>>
      %dma_wait3A_20 = tpu.memref_squeeze %dma_wait3A_19 : memref<1x640x128xf32, #tpu.memory_space<hbm>> -> memref<640x128xf32, #tpu.memory_space<hbm>>
      %dma_wait3A_21 = arith.constant 0 : i32
      %dma_wait3A_22 = tpu.memref_slice %arg8[%multiple_of3A, %dma_wait3A_21] : memref<10240x128xf32, #tpu.memory_space<vmem_shared>> -> memref<640x128xf32, #tpu.memory_space<vmem_shared>>
      tpu.wait_dma2 semaphore(%run_scoped3A : memref<!tpu.dma_semaphore, #tpu.memory_space<semaphore_mem>>) src(%dma_wait3A_22 : memref<640x128xf32, #tpu.memory_space<vmem_shared>>) dst(%dma_wait3A_20 : memref<640x128xf32, #tpu.memory_space<hbm>>)
      tpu.yield
    }) : () -> ()
    return
  }
}

#map = affine_map<(d0, d1) -> (0, 0)>
#map1 = affine_map<(d0, d1) -> (0, 0, 0)>
module attributes {stable_mosaic.version = 14 : i64} {
  func.func @body(%arg0: i32, %arg1: i32, %arg2: memref<10000x128xf32, #tpu.memory_space<hbm>>, %arg3: memref<2560x128xi32, #tpu.memory_space<hbm>>, %arg4: memref<2560x128xi32, #tpu.memory_space<hbm>>, %arg5: memref<640x128xf32, #tpu.memory_space<hbm>>, %arg6: memref<2x10240x128xf32, #tpu.memory_space<hbm>>, %arg7: memref<40x128xi32, #tpu.memory_space<vmem>>, %arg8: memref<40x128xi32, #tpu.memory_space<vmem>>, %arg9: memref<2x128x128xf32, #tpu.memory_space<vmem>>, %arg10: memref<10240x128xf32, #tpu.memory_space<vmem_shared>>, %arg11: memref<!tpu.dma_semaphore, #tpu.memory_space<semaphore_mem>>, %arg12: memref<!tpu.dma_semaphore, #tpu.memory_space<semaphore_mem>>) attributes {dimension_semantics = [#tpu.dimension_semantics<core_parallel>, #tpu.dimension_semantics<subcore_parallel>], iteration_bounds = array<i64: 2, 16>, scalar_prefetch = 0 : i64, scratch_operands = 6 : i64, tpu.core_type = #tpu.core_type<sc_vector_subcore>, window_params = [{transform_indices = #map}, {transform_indices = #map}, {transform_indices = #map}, {transform_indices = #map}, {transform_indices = #map1}]} {
    %eq3A = arith.constant 0 : i32
    %eq3A_0 = arith.cmpi eq, %arg0, %eq3A : i32
    %jit3A = arith.constant 1 : i32
    %jit3A_1 = arith.constant 3 : i32
    %select_n3A = arith.select %eq3A_0, %jit3A, %jit3A_1 : i32
    %mul3A = arith.constant 40 : i32
    %mul3A_2 = arith.muli %arg1, %mul3A : i32
    %add3A = arith.constant 1920 : i32
    %add3A_3 = arith.addi %add3A, %mul3A_2 : i32
    %mul3A_4 = arith.constant 120 : i32
    %mul3A_5 = arith.muli %arg1, %mul3A_4 : i32
    %select_n3A_6 = arith.select %eq3A_0, %add3A_3, %mul3A_5 : i32
    %mul3A_7 = arith.constant 640 : i32
    %mul3A_8 = arith.muli %arg1, %mul3A_7 : i32
    %multiple_of3A = tpu.assume_multiple %mul3A_8, 8 : i32
    "tpu.region"() ({
      %run_scoped3A = tpu.sem_alloc : memref<!tpu.dma_semaphore, #tpu.memory_space<semaphore_mem>>
      %dma_start3A = arith.constant 0 : i32
      %dma_start3A_19 = tpu.memref_slice %arg10[%multiple_of3A, %dma_start3A] : memref<10240x128xf32, #tpu.memory_space<vmem_shared>> -> memref<640x128xf32, #tpu.memory_space<vmem_shared>>
      tpu.enqueue_dma source(%arg5 : memref<640x128xf32, #tpu.memory_space<hbm>>) target(%dma_start3A_19 : memref<640x128xf32, #tpu.memory_space<vmem_shared>>) target_semaphore(%run_scoped3A : memref<!tpu.dma_semaphore, #tpu.memory_space<semaphore_mem>>)
      %dma_wait3A = arith.constant 0 : i32
      %dma_wait3A_20 = tpu.memref_slice %arg10[%multiple_of3A, %dma_wait3A] : memref<10240x128xf32, #tpu.memory_space<vmem_shared>> -> memref<640x128xf32, #tpu.memory_space<vmem_shared>>
      tpu.wait_dma2 semaphore(%run_scoped3A : memref<!tpu.dma_semaphore, #tpu.memory_space<semaphore_mem>>) src(%arg5 : memref<640x128xf32, #tpu.memory_space<hbm>>) dst(%dma_wait3A_20 : memref<640x128xf32, #tpu.memory_space<vmem_shared>>)
      tpu.yield
    }) : () -> ()
    %barrier3A = arith.constant 0 : index
    tpu.barrier barrier_id(%barrier3A)
    %while3A = arith.constant 0 : i32
    %while3A_9 = arith.constant 0 : i32
    %while3A_10 = arith.subi %select_n3A, %while3A_9 : i32
    %while3A_11 = arith.addi %while3A_9, %while3A_10 : i32
    %while3A_12 = arith.constant 1 : i32
    %while3A_13 = arith.divsi %while3A_10, %while3A_12 : i32
    %while3A_14 = arith.muli %while3A_13, %while3A_12 : i32
    %while3A_15 = arith.addi %while3A_9, %while3A_14 : i32
    %while3A_16 = arith.constant 1 : i32
    scf.for %while3A_19 = %while3A_9 to %while3A_15 step %while3A_16  : i32 {
      %mul3A_20 = arith.constant 40 : i32
      %mul3A_21 = arith.muli %while3A_19, %mul3A_20 : i32
      %add3A_22 = arith.addi %select_n3A_6, %mul3A_21 : i32
      %multiple_of3A_23 = tpu.assume_multiple %add3A_22, 8 : i32
      "tpu.region"() ({
        %run_scoped3A = tpu.sem_alloc : memref<!tpu.dma_semaphore, #tpu.memory_space<semaphore_mem>>
        %dma_start3A_52 = arith.constant 0 : i32
        %dma_start3A_53 = tpu.memref_slice %arg3[%multiple_of3A_23, %dma_start3A_52] : memref<2560x128xi32, #tpu.memory_space<hbm>> -> memref<40x128xi32, #tpu.memory_space<hbm>>
        %dma_start3A_54 = arith.constant 0 : i32
        %dma_start3A_55 = tpu.memref_slice %arg3[%multiple_of3A_23, %dma_start3A_54] : memref<2560x128xi32, #tpu.memory_space<hbm>> -> memref<40x128xi32, #tpu.memory_space<hbm>>
        tpu.enqueue_dma source(%dma_start3A_55 : memref<40x128xi32, #tpu.memory_space<hbm>>) target(%arg7 : memref<40x128xi32, #tpu.memory_space<vmem>>) target_semaphore(%run_scoped3A : memref<!tpu.dma_semaphore, #tpu.memory_space<semaphore_mem>>)
        %dma_wait3A = arith.constant 0 : i32
        %dma_wait3A_56 = tpu.memref_slice %arg3[%multiple_of3A_23, %dma_wait3A] : memref<2560x128xi32, #tpu.memory_space<hbm>> -> memref<40x128xi32, #tpu.memory_space<hbm>>
        %dma_wait3A_57 = arith.constant 0 : i32
        %dma_wait3A_58 = tpu.memref_slice %arg3[%multiple_of3A_23, %dma_wait3A_57] : memref<2560x128xi32, #tpu.memory_space<hbm>> -> memref<40x128xi32, #tpu.memory_space<hbm>>
        tpu.wait_dma2 semaphore(%run_scoped3A : memref<!tpu.dma_semaphore, #tpu.memory_space<semaphore_mem>>) src(%dma_wait3A_58 : memref<40x128xi32, #tpu.memory_space<hbm>>) dst(%arg7 : memref<40x128xi32, #tpu.memory_space<vmem>>)
        tpu.yield
      }) : () -> ()
      "tpu.region"() ({
        %run_scoped3A = tpu.sem_alloc : memref<!tpu.dma_semaphore, #tpu.memory_space<semaphore_mem>>
        %dma_start3A_52 = arith.constant 0 : i32
        %dma_start3A_53 = tpu.memref_slice %arg4[%multiple_of3A_23, %dma_start3A_52] : memref<2560x128xi32, #tpu.memory_space<hbm>> -> memref<40x128xi32, #tpu.memory_space<hbm>>
        %dma_start3A_54 = arith.constant 0 : i32
        %dma_start3A_55 = tpu.memref_slice %arg4[%multiple_of3A_23, %dma_start3A_54] : memref<2560x128xi32, #tpu.memory_space<hbm>> -> memref<40x128xi32, #tpu.memory_space<hbm>>
        tpu.enqueue_dma source(%dma_start3A_55 : memref<40x128xi32, #tpu.memory_space<hbm>>) target(%arg8 : memref<40x128xi32, #tpu.memory_space<vmem>>) target_semaphore(%run_scoped3A : memref<!tpu.dma_semaphore, #tpu.memory_space<semaphore_mem>>)
        %dma_wait3A = arith.constant 0 : i32
        %dma_wait3A_56 = tpu.memref_slice %arg4[%multiple_of3A_23, %dma_wait3A] : memref<2560x128xi32, #tpu.memory_space<hbm>> -> memref<40x128xi32, #tpu.memory_space<hbm>>
        %dma_wait3A_57 = arith.constant 0 : i32
        %dma_wait3A_58 = tpu.memref_slice %arg4[%multiple_of3A_23, %dma_wait3A_57] : memref<2560x128xi32, #tpu.memory_space<hbm>> -> memref<40x128xi32, #tpu.memory_space<hbm>>
        tpu.wait_dma2 semaphore(%run_scoped3A : memref<!tpu.dma_semaphore, #tpu.memory_space<semaphore_mem>>) src(%dma_wait3A_58 : memref<40x128xi32, #tpu.memory_space<hbm>>) dst(%arg8 : memref<40x128xi32, #tpu.memory_space<vmem>>)
        tpu.yield
      }) : () -> ()
      %dma_start3A = arith.constant 0 : i32
      %dma_start3A_24 = arith.constant 0 : i32
      %dma_start3A_25 = arith.constant 0 : i32
      %dma_start3A_26 = arith.constant 0 : i32
      %dma_start3A_27 = tpu.memref_slice %arg9[%dma_start3A_24, %dma_start3A_25, %dma_start3A_26] : memref<2x128x128xf32, #tpu.memory_space<vmem>> -> memref<1x128x128xf32, #tpu.memory_space<vmem>>
      %dma_start3A_28 = tpu.memref_squeeze %dma_start3A_27 : memref<1x128x128xf32, #tpu.memory_space<vmem>> -> memref<128x128xf32, #tpu.memory_space<vmem>>
      %dma_start3A_29 = arith.constant 0 : i32
      %dma_start3A_30 = tpu.memref_slice %arg7[%dma_start3A, %dma_start3A_29] : memref<40x128xi32, #tpu.memory_space<vmem>> -> memref<1x128xi32, #tpu.memory_space<vmem>>
      %dma_start3A_31 = tpu.memref_squeeze %dma_start3A_30 : memref<1x128xi32, #tpu.memory_space<vmem>> -> memref<128xi32, #tpu.memory_space<vmem>>
      %dma_start3A_32 = arith.constant 0 : i32
      %dma_start3A_33 = arith.constant 0 : i32
      %dma_start3A_34 = tpu.memref_slice %arg2[%dma_start3A_32, %dma_start3A_33] : memref<10000x128xf32, #tpu.memory_space<hbm>> -> memref<10000x128xf32, #tpu.memory_space<hbm>>
      tpu.enqueue_indirect_dma source(%dma_start3A_34 : memref<10000x128xf32, #tpu.memory_space<hbm>>) target(%dma_start3A_28 : memref<128x128xf32, #tpu.memory_space<vmem>>) offsets(%dma_start3A_31 : memref<128xi32, #tpu.memory_space<vmem>>) semaphore(%arg11 : memref<!tpu.dma_semaphore, #tpu.memory_space<semaphore_mem>>)
      %dma_start3A_35 = arith.constant 1 : i32
      %dma_start3A_36 = arith.constant 1 : i32
      %dma_start3A_37 = arith.constant 0 : i32
      %dma_start3A_38 = arith.constant 0 : i32
      %dma_start3A_39 = tpu.memref_slice %arg9[%dma_start3A_36, %dma_start3A_37, %dma_start3A_38] : memref<2x128x128xf32, #tpu.memory_space<vmem>> -> memref<1x128x128xf32, #tpu.memory_space<vmem>>
      %dma_start3A_40 = tpu.memref_squeeze %dma_start3A_39 : memref<1x128x128xf32, #tpu.memory_space<vmem>> -> memref<128x128xf32, #tpu.memory_space<vmem>>
      %dma_start3A_41 = arith.constant 0 : i32
      %dma_start3A_42 = tpu.memref_slice %arg7[%dma_start3A_35, %dma_start3A_41] : memref<40x128xi32, #tpu.memory_space<vmem>> -> memref<1x128xi32, #tpu.memory_space<vmem>>
      %dma_start3A_43 = tpu.memref_squeeze %dma_start3A_42 : memref<1x128xi32, #tpu.memory_space<vmem>> -> memref<128xi32, #tpu.memory_space<vmem>>
      %dma_start3A_44 = arith.constant 0 : i32
      %dma_start3A_45 = arith.constant 0 : i32
      %dma_start3A_46 = tpu.memref_slice %arg2[%dma_start3A_44, %dma_start3A_45] : memref<10000x128xf32, #tpu.memory_space<hbm>> -> memref<10000x128xf32, #tpu.memory_space<hbm>>
      tpu.enqueue_indirect_dma source(%dma_start3A_46 : memref<10000x128xf32, #tpu.memory_space<hbm>>) target(%dma_start3A_40 : memref<128x128xf32, #tpu.memory_space<vmem>>) offsets(%dma_start3A_43 : memref<128xi32, #tpu.memory_space<vmem>>) semaphore(%arg12 : memref<!tpu.dma_semaphore, #tpu.memory_space<semaphore_mem>>)
      %scan3A = arith.constant 0 : i32
      %scan3A_47 = arith.constant 0 : i32
      %scan3A_48 = arith.constant 20 : i32
      %scan3A_49 = arith.addi %scan3A_47, %scan3A_48 : i32
      %scan3A_50 = arith.constant 1 : i32
      scf.for %scan3A_52 = %scan3A_47 to %scan3A_49 step %scan3A_50  : i32 {
        %dma_wait3A = arith.constant 0 : i32
        %dma_wait3A_53 = arith.constant 0 : i32
        %dma_wait3A_54 = arith.constant 0 : i32
        %dma_wait3A_55 = arith.constant 0 : i32
        %dma_wait3A_56 = tpu.memref_slice %arg9[%dma_wait3A_53, %dma_wait3A_54, %dma_wait3A_55] : memref<2x128x128xf32, #tpu.memory_space<vmem>> -> memref<1x128x128xf32, #tpu.memory_space<vmem>>
        %dma_wait3A_57 = tpu.memref_squeeze %dma_wait3A_56 : memref<1x128x128xf32, #tpu.memory_space<vmem>> -> memref<128x128xf32, #tpu.memory_space<vmem>>
        %dma_wait3A_58 = arith.constant 0 : i32
        %dma_wait3A_59 = tpu.memref_slice %arg7[%dma_wait3A, %dma_wait3A_58] : memref<40x128xi32, #tpu.memory_space<vmem>> -> memref<1x128xi32, #tpu.memory_space<vmem>>
        %dma_wait3A_60 = tpu.memref_squeeze %dma_wait3A_59 : memref<1x128xi32, #tpu.memory_space<vmem>> -> memref<128xi32, #tpu.memory_space<vmem>>
        %dma_wait3A_61 = arith.constant 0 : i32
        %dma_wait3A_62 = arith.constant 0 : i32
        %dma_wait3A_63 = tpu.memref_slice %arg2[%dma_wait3A_61, %dma_wait3A_62] : memref<10000x128xf32, #tpu.memory_space<hbm>> -> memref<10000x128xf32, #tpu.memory_space<hbm>>
        tpu.wait_indirect_dma semaphore(%arg11 : memref<!tpu.dma_semaphore, #tpu.memory_space<semaphore_mem>>) src(%dma_wait3A_63 : memref<10000x128xf32, #tpu.memory_space<hbm>>) dst(%dma_wait3A_57 : memref<128x128xf32, #tpu.memory_space<vmem>>)
        %mul3A_64 = arith.constant 2 : i32
        %mul3A_65 = arith.muli %mul3A_64, %scan3A_52 : i32
        %run_scoped3A = arith.constant 0 : i32
        "tpu.region"() ({
          %run_scoped3A_90 = tpu.sem_alloc : memref<!tpu.dma_semaphore, #tpu.memory_space<semaphore_mem>>
          %dma_start3A_91 = arith.constant 0 : i32
          %dma_start3A_92 = arith.constant 0 : i32
          %dma_start3A_93 = tpu.memref_slice %arg9[%run_scoped3A, %dma_start3A_91, %dma_start3A_92] : memref<2x128x128xf32, #tpu.memory_space<vmem>> -> memref<1x128x128xf32, #tpu.memory_space<vmem>>
          %dma_start3A_94 = tpu.memref_squeeze %dma_start3A_93 : memref<1x128x128xf32, #tpu.memory_space<vmem>> -> memref<128x128xf32, #tpu.memory_space<vmem>>
          %dma_start3A_95 = arith.constant 0 : i32
          %dma_start3A_96 = tpu.memref_slice %arg8[%mul3A_65, %dma_start3A_95] : memref<40x128xi32, #tpu.memory_space<vmem>> -> memref<1x128xi32, #tpu.memory_space<vmem>>
          %dma_start3A_97 = tpu.memref_squeeze %dma_start3A_96 : memref<1x128xi32, #tpu.memory_space<vmem>> -> memref<128xi32, #tpu.memory_space<vmem>>
          %dma_start3A_98 = arith.constant 0 : i32
          %dma_start3A_99 = arith.constant 0 : i32
          %dma_start3A_100 = tpu.memref_slice %arg10[%dma_start3A_98, %dma_start3A_99] : memref<10240x128xf32, #tpu.memory_space<vmem_shared>> -> memref<10240x128xf32, #tpu.memory_space<vmem_shared>>
          tpu.enqueue_indirect_dma source(%dma_start3A_94 : memref<128x128xf32, #tpu.memory_space<vmem>>) target(%dma_start3A_100 : memref<10240x128xf32, #tpu.memory_space<vmem_shared>>) offsets(%dma_start3A_97 : memref<128xi32, #tpu.memory_space<vmem>>) semaphore(%run_scoped3A_90 : memref<!tpu.dma_semaphore, #tpu.memory_space<semaphore_mem>>) {add = true}
          %dma_wait3A_101 = arith.constant 0 : i32
          %dma_wait3A_102 = arith.constant 0 : i32
          %dma_wait3A_103 = tpu.memref_slice %arg9[%run_scoped3A, %dma_wait3A_101, %dma_wait3A_102] : memref<2x128x128xf32, #tpu.memory_space<vmem>> -> memref<1x128x128xf32, #tpu.memory_space<vmem>>
          %dma_wait3A_104 = tpu.memref_squeeze %dma_wait3A_103 : memref<1x128x128xf32, #tpu.memory_space<vmem>> -> memref<128x128xf32, #tpu.memory_space<vmem>>
          %dma_wait3A_105 = arith.constant 0 : i32
          %dma_wait3A_106 = tpu.memref_slice %arg8[%mul3A_65, %dma_wait3A_105] : memref<40x128xi32, #tpu.memory_space<vmem>> -> memref<1x128xi32, #tpu.memory_space<vmem>>
          %dma_wait3A_107 = tpu.memref_squeeze %dma_wait3A_106 : memref<1x128xi32, #tpu.memory_space<vmem>> -> memref<128xi32, #tpu.memory_space<vmem>>
          %dma_wait3A_108 = arith.constant 0 : i32
          %dma_wait3A_109 = arith.constant 0 : i32
          %dma_wait3A_110 = tpu.memref_slice %arg10[%dma_wait3A_108, %dma_wait3A_109] : memref<10240x128xf32, #tpu.memory_space<vmem_shared>> -> memref<10240x128xf32, #tpu.memory_space<vmem_shared>>
          tpu.wait_indirect_dma semaphore(%run_scoped3A_90 : memref<!tpu.dma_semaphore, #tpu.memory_space<semaphore_mem>>) src(%dma_wait3A_104 : memref<128x128xf32, #tpu.memory_space<vmem>>) dst(%dma_wait3A_110 : memref<10240x128xf32, #tpu.memory_space<vmem_shared>>)
          tpu.yield
        }) : () -> ()
        %lt3A = arith.constant 19 : i32
        %lt3A_66 = arith.cmpi slt, %scan3A_52, %lt3A : i32
        %convert_element_type3A = arith.extui %lt3A_66 : i1 to i32
        %cond3A = arith.constant 0 : i32
        %cond3A_67 = arith.cmpi ne, %convert_element_type3A, %cond3A : i32
        scf.if %cond3A_67 {
          %mul3A_90 = arith.constant 2 : i32
          %mul3A_91 = arith.muli %mul3A_90, %scan3A_52 : i32
          %add3A_92 = arith.constant 2 : i32
          %add3A_93 = arith.addi %mul3A_91, %add3A_92 : i32
          %dma_start3A_94 = arith.constant 0 : i32
          %dma_start3A_95 = arith.constant 0 : i32
          %dma_start3A_96 = arith.constant 0 : i32
          %dma_start3A_97 = tpu.memref_slice %arg9[%dma_start3A_94, %dma_start3A_95, %dma_start3A_96] : memref<2x128x128xf32, #tpu.memory_space<vmem>> -> memref<1x128x128xf32, #tpu.memory_space<vmem>>
          %dma_start3A_98 = tpu.memref_squeeze %dma_start3A_97 : memref<1x128x128xf32, #tpu.memory_space<vmem>> -> memref<128x128xf32, #tpu.memory_space<vmem>>
          %dma_start3A_99 = arith.constant 0 : i32
          %dma_start3A_100 = tpu.memref_slice %arg7[%add3A_93, %dma_start3A_99] : memref<40x128xi32, #tpu.memory_space<vmem>> -> memref<1x128xi32, #tpu.memory_space<vmem>>
          %dma_start3A_101 = tpu.memref_squeeze %dma_start3A_100 : memref<1x128xi32, #tpu.memory_space<vmem>> -> memref<128xi32, #tpu.memory_space<vmem>>
          %dma_start3A_102 = arith.constant 0 : i32
          %dma_start3A_103 = arith.constant 0 : i32
          %dma_start3A_104 = tpu.memref_slice %arg2[%dma_start3A_102, %dma_start3A_103] : memref<10000x128xf32, #tpu.memory_space<hbm>> -> memref<10000x128xf32, #tpu.memory_space<hbm>>
          tpu.enqueue_indirect_dma source(%dma_start3A_104 : memref<10000x128xf32, #tpu.memory_space<hbm>>) target(%dma_start3A_98 : memref<128x128xf32, #tpu.memory_space<vmem>>) offsets(%dma_start3A_101 : memref<128xi32, #tpu.memory_space<vmem>>) semaphore(%arg11 : memref<!tpu.dma_semaphore, #tpu.memory_space<semaphore_mem>>)
        } else {
        }
        %dma_wait3A_68 = arith.constant 1 : i32
        %dma_wait3A_69 = arith.constant 1 : i32
        %dma_wait3A_70 = arith.constant 0 : i32
        %dma_wait3A_71 = arith.constant 0 : i32
        %dma_wait3A_72 = tpu.memref_slice %arg9[%dma_wait3A_69, %dma_wait3A_70, %dma_wait3A_71] : memref<2x128x128xf32, #tpu.memory_space<vmem>> -> memref<1x128x128xf32, #tpu.memory_space<vmem>>
        %dma_wait3A_73 = tpu.memref_squeeze %dma_wait3A_72 : memref<1x128x128xf32, #tpu.memory_space<vmem>> -> memref<128x128xf32, #tpu.memory_space<vmem>>
        %dma_wait3A_74 = arith.constant 0 : i32
        %dma_wait3A_75 = tpu.memref_slice %arg7[%dma_wait3A_68, %dma_wait3A_74] : memref<40x128xi32, #tpu.memory_space<vmem>> -> memref<1x128xi32, #tpu.memory_space<vmem>>
        %dma_wait3A_76 = tpu.memref_squeeze %dma_wait3A_75 : memref<1x128xi32, #tpu.memory_space<vmem>> -> memref<128xi32, #tpu.memory_space<vmem>>
        %dma_wait3A_77 = arith.constant 0 : i32
        %dma_wait3A_78 = arith.constant 0 : i32
        %dma_wait3A_79 = tpu.memref_slice %arg2[%dma_wait3A_77, %dma_wait3A_78] : memref<10000x128xf32, #tpu.memory_space<hbm>> -> memref<10000x128xf32, #tpu.memory_space<hbm>>
        tpu.wait_indirect_dma semaphore(%arg12 : memref<!tpu.dma_semaphore, #tpu.memory_space<semaphore_mem>>) src(%dma_wait3A_79 : memref<10000x128xf32, #tpu.memory_space<hbm>>) dst(%dma_wait3A_73 : memref<128x128xf32, #tpu.memory_space<vmem>>)
        %mul3A_80 = arith.constant 2 : i32
        %mul3A_81 = arith.muli %mul3A_80, %scan3A_52 : i32
        %add3A_82 = arith.constant 1 : i32
        %add3A_83 = arith.addi %mul3A_81, %add3A_82 : i32
        %run_scoped3A_84 = arith.constant 1 : i32
        "tpu.region"() ({
          %run_scoped3A_90 = tpu.sem_alloc : memref<!tpu.dma_semaphore, #tpu.memory_space<semaphore_mem>>
          %dma_start3A_91 = arith.constant 0 : i32
          %dma_start3A_92 = arith.constant 0 : i32
          %dma_start3A_93 = tpu.memref_slice %arg9[%run_scoped3A_84, %dma_start3A_91, %dma_start3A_92] : memref<2x128x128xf32, #tpu.memory_space<vmem>> -> memref<1x128x128xf32, #tpu.memory_space<vmem>>
          %dma_start3A_94 = tpu.memref_squeeze %dma_start3A_93 : memref<1x128x128xf32, #tpu.memory_space<vmem>> -> memref<128x128xf32, #tpu.memory_space<vmem>>
          %dma_start3A_95 = arith.constant 0 : i32
          %dma_start3A_96 = tpu.memref_slice %arg8[%add3A_83, %dma_start3A_95] : memref<40x128xi32, #tpu.memory_space<vmem>> -> memref<1x128xi32, #tpu.memory_space<vmem>>
          %dma_start3A_97 = tpu.memref_squeeze %dma_start3A_96 : memref<1x128xi32, #tpu.memory_space<vmem>> -> memref<128xi32, #tpu.memory_space<vmem>>
          %dma_start3A_98 = arith.constant 0 : i32
          %dma_start3A_99 = arith.constant 0 : i32
          %dma_start3A_100 = tpu.memref_slice %arg10[%dma_start3A_98, %dma_start3A_99] : memref<10240x128xf32, #tpu.memory_space<vmem_shared>> -> memref<10240x128xf32, #tpu.memory_space<vmem_shared>>
          tpu.enqueue_indirect_dma source(%dma_start3A_94 : memref<128x128xf32, #tpu.memory_space<vmem>>) target(%dma_start3A_100 : memref<10240x128xf32, #tpu.memory_space<vmem_shared>>) offsets(%dma_start3A_97 : memref<128xi32, #tpu.memory_space<vmem>>) semaphore(%run_scoped3A_90 : memref<!tpu.dma_semaphore, #tpu.memory_space<semaphore_mem>>) {add = true}
          %dma_wait3A_101 = arith.constant 0 : i32
          %dma_wait3A_102 = arith.constant 0 : i32
          %dma_wait3A_103 = tpu.memref_slice %arg9[%run_scoped3A_84, %dma_wait3A_101, %dma_wait3A_102] : memref<2x128x128xf32, #tpu.memory_space<vmem>> -> memref<1x128x128xf32, #tpu.memory_space<vmem>>
          %dma_wait3A_104 = tpu.memref_squeeze %dma_wait3A_103 : memref<1x128x128xf32, #tpu.memory_space<vmem>> -> memref<128x128xf32, #tpu.memory_space<vmem>>
          %dma_wait3A_105 = arith.constant 0 : i32
          %dma_wait3A_106 = tpu.memref_slice %arg8[%add3A_83, %dma_wait3A_105] : memref<40x128xi32, #tpu.memory_space<vmem>> -> memref<1x128xi32, #tpu.memory_space<vmem>>
          %dma_wait3A_107 = tpu.memref_squeeze %dma_wait3A_106 : memref<1x128xi32, #tpu.memory_space<vmem>> -> memref<128xi32, #tpu.memory_space<vmem>>
          %dma_wait3A_108 = arith.constant 0 : i32
          %dma_wait3A_109 = arith.constant 0 : i32
          %dma_wait3A_110 = tpu.memref_slice %arg10[%dma_wait3A_108, %dma_wait3A_109] : memref<10240x128xf32, #tpu.memory_space<vmem_shared>> -> memref<10240x128xf32, #tpu.memory_space<vmem_shared>>
          tpu.wait_indirect_dma semaphore(%run_scoped3A_90 : memref<!tpu.dma_semaphore, #tpu.memory_space<semaphore_mem>>) src(%dma_wait3A_104 : memref<128x128xf32, #tpu.memory_space<vmem>>) dst(%dma_wait3A_110 : memref<10240x128xf32, #tpu.memory_space<vmem_shared>>)
          tpu.yield
        }) : () -> ()
        %lt3A_85 = arith.constant 19 : i32
        %lt3A_86 = arith.cmpi slt, %scan3A_52, %lt3A_85 : i32
        %convert_element_type3A_87 = arith.extui %lt3A_86 : i1 to i32
        %cond3A_88 = arith.constant 0 : i32
        %cond3A_89 = arith.cmpi ne, %convert_element_type3A_87, %cond3A_88 : i32
        scf.if %cond3A_89 {
          %mul3A_90 = arith.constant 2 : i32
          %mul3A_91 = arith.muli %mul3A_90, %scan3A_52 : i32
          %add3A_92 = arith.constant 3 : i32
          %add3A_93 = arith.addi %mul3A_91, %add3A_92 : i32
          %dma_start3A_94 = arith.constant 1 : i32
          %dma_start3A_95 = arith.constant 0 : i32
          %dma_start3A_96 = arith.constant 0 : i32
          %dma_start3A_97 = tpu.memref_slice %arg9[%dma_start3A_94, %dma_start3A_95, %dma_start3A_96] : memref<2x128x128xf32, #tpu.memory_space<vmem>> -> memref<1x128x128xf32, #tpu.memory_space<vmem>>
          %dma_start3A_98 = tpu.memref_squeeze %dma_start3A_97 : memref<1x128x128xf32, #tpu.memory_space<vmem>> -> memref<128x128xf32, #tpu.memory_space<vmem>>
          %dma_start3A_99 = arith.constant 0 : i32
          %dma_start3A_100 = tpu.memref_slice %arg7[%add3A_93, %dma_start3A_99] : memref<40x128xi32, #tpu.memory_space<vmem>> -> memref<1x128xi32, #tpu.memory_space<vmem>>
          %dma_start3A_101 = tpu.memref_squeeze %dma_start3A_100 : memref<1x128xi32, #tpu.memory_space<vmem>> -> memref<128xi32, #tpu.memory_space<vmem>>
          %dma_start3A_102 = arith.constant 0 : i32
          %dma_start3A_103 = arith.constant 0 : i32
          %dma_start3A_104 = tpu.memref_slice %arg2[%dma_start3A_102, %dma_start3A_103] : memref<10000x128xf32, #tpu.memory_space<hbm>> -> memref<10000x128xf32, #tpu.memory_space<hbm>>
          tpu.enqueue_indirect_dma source(%dma_start3A_104 : memref<10000x128xf32, #tpu.memory_space<hbm>>) target(%dma_start3A_98 : memref<128x128xf32, #tpu.memory_space<vmem>>) offsets(%dma_start3A_101 : memref<128xi32, #tpu.memory_space<vmem>>) semaphore(%arg12 : memref<!tpu.dma_semaphore, #tpu.memory_space<semaphore_mem>>)
        } else {
        }
      }
      %scan3A_51 = arith.constant 20 : i32
    }
    %while3A_17 = arith.constant 1 : i32
    scf.for %while3A_19 = %while3A_15 to %while3A_11 step %while3A_17  : i32 {
      %mul3A_20 = arith.constant 40 : i32
      %mul3A_21 = arith.muli %while3A_19, %mul3A_20 : i32
      %add3A_22 = arith.addi %select_n3A_6, %mul3A_21 : i32
      %multiple_of3A_23 = tpu.assume_multiple %add3A_22, 8 : i32
      "tpu.region"() ({
        %run_scoped3A = tpu.sem_alloc : memref<!tpu.dma_semaphore, #tpu.memory_space<semaphore_mem>>
        %dma_start3A_52 = arith.constant 0 : i32
        %dma_start3A_53 = tpu.memref_slice %arg3[%multiple_of3A_23, %dma_start3A_52] : memref<2560x128xi32, #tpu.memory_space<hbm>> -> memref<40x128xi32, #tpu.memory_space<hbm>>
        %dma_start3A_54 = arith.constant 0 : i32
        %dma_start3A_55 = tpu.memref_slice %arg3[%multiple_of3A_23, %dma_start3A_54] : memref<2560x128xi32, #tpu.memory_space<hbm>> -> memref<40x128xi32, #tpu.memory_space<hbm>>
        tpu.enqueue_dma source(%dma_start3A_55 : memref<40x128xi32, #tpu.memory_space<hbm>>) target(%arg7 : memref<40x128xi32, #tpu.memory_space<vmem>>) target_semaphore(%run_scoped3A : memref<!tpu.dma_semaphore, #tpu.memory_space<semaphore_mem>>)
        %dma_wait3A = arith.constant 0 : i32
        %dma_wait3A_56 = tpu.memref_slice %arg3[%multiple_of3A_23, %dma_wait3A] : memref<2560x128xi32, #tpu.memory_space<hbm>> -> memref<40x128xi32, #tpu.memory_space<hbm>>
        %dma_wait3A_57 = arith.constant 0 : i32
        %dma_wait3A_58 = tpu.memref_slice %arg3[%multiple_of3A_23, %dma_wait3A_57] : memref<2560x128xi32, #tpu.memory_space<hbm>> -> memref<40x128xi32, #tpu.memory_space<hbm>>
        tpu.wait_dma2 semaphore(%run_scoped3A : memref<!tpu.dma_semaphore, #tpu.memory_space<semaphore_mem>>) src(%dma_wait3A_58 : memref<40x128xi32, #tpu.memory_space<hbm>>) dst(%arg7 : memref<40x128xi32, #tpu.memory_space<vmem>>)
        tpu.yield
      }) : () -> ()
      "tpu.region"() ({
        %run_scoped3A = tpu.sem_alloc : memref<!tpu.dma_semaphore, #tpu.memory_space<semaphore_mem>>
        %dma_start3A_52 = arith.constant 0 : i32
        %dma_start3A_53 = tpu.memref_slice %arg4[%multiple_of3A_23, %dma_start3A_52] : memref<2560x128xi32, #tpu.memory_space<hbm>> -> memref<40x128xi32, #tpu.memory_space<hbm>>
        %dma_start3A_54 = arith.constant 0 : i32
        %dma_start3A_55 = tpu.memref_slice %arg4[%multiple_of3A_23, %dma_start3A_54] : memref<2560x128xi32, #tpu.memory_space<hbm>> -> memref<40x128xi32, #tpu.memory_space<hbm>>
        tpu.enqueue_dma source(%dma_start3A_55 : memref<40x128xi32, #tpu.memory_space<hbm>>) target(%arg8 : memref<40x128xi32, #tpu.memory_space<vmem>>) target_semaphore(%run_scoped3A : memref<!tpu.dma_semaphore, #tpu.memory_space<semaphore_mem>>)
        %dma_wait3A = arith.constant 0 : i32
        %dma_wait3A_56 = tpu.memref_slice %arg4[%multiple_of3A_23, %dma_wait3A] : memref<2560x128xi32, #tpu.memory_space<hbm>> -> memref<40x128xi32, #tpu.memory_space<hbm>>
        %dma_wait3A_57 = arith.constant 0 : i32
        %dma_wait3A_58 = tpu.memref_slice %arg4[%multiple_of3A_23, %dma_wait3A_57] : memref<2560x128xi32, #tpu.memory_space<hbm>> -> memref<40x128xi32, #tpu.memory_space<hbm>>
        tpu.wait_dma2 semaphore(%run_scoped3A : memref<!tpu.dma_semaphore, #tpu.memory_space<semaphore_mem>>) src(%dma_wait3A_58 : memref<40x128xi32, #tpu.memory_space<hbm>>) dst(%arg8 : memref<40x128xi32, #tpu.memory_space<vmem>>)
        tpu.yield
      }) : () -> ()
      %dma_start3A = arith.constant 0 : i32
      %dma_start3A_24 = arith.constant 0 : i32
      %dma_start3A_25 = arith.constant 0 : i32
      %dma_start3A_26 = arith.constant 0 : i32
      %dma_start3A_27 = tpu.memref_slice %arg9[%dma_start3A_24, %dma_start3A_25, %dma_start3A_26] : memref<2x128x128xf32, #tpu.memory_space<vmem>> -> memref<1x128x128xf32, #tpu.memory_space<vmem>>
      %dma_start3A_28 = tpu.memref_squeeze %dma_start3A_27 : memref<1x128x128xf32, #tpu.memory_space<vmem>> -> memref<128x128xf32, #tpu.memory_space<vmem>>
      %dma_start3A_29 = arith.constant 0 : i32
      %dma_start3A_30 = tpu.memref_slice %arg7[%dma_start3A, %dma_start3A_29] : memref<40x128xi32, #tpu.memory_space<vmem>> -> memref<1x128xi32, #tpu.memory_space<vmem>>
      %dma_start3A_31 = tpu.memref_squeeze %dma_start3A_30 : memref<1x128xi32, #tpu.memory_space<vmem>> -> memref<128xi32, #tpu.memory_space<vmem>>
      %dma_start3A_32 = arith.constant 0 : i32
      %dma_start3A_33 = arith.constant 0 : i32
      %dma_start3A_34 = tpu.memref_slice %arg2[%dma_start3A_32, %dma_start3A_33] : memref<10000x128xf32, #tpu.memory_space<hbm>> -> memref<10000x128xf32, #tpu.memory_space<hbm>>
      tpu.enqueue_indirect_dma source(%dma_start3A_34 : memref<10000x128xf32, #tpu.memory_space<hbm>>) target(%dma_start3A_28 : memref<128x128xf32, #tpu.memory_space<vmem>>) offsets(%dma_start3A_31 : memref<128xi32, #tpu.memory_space<vmem>>) semaphore(%arg11 : memref<!tpu.dma_semaphore, #tpu.memory_space<semaphore_mem>>)
      %dma_start3A_35 = arith.constant 1 : i32
      %dma_start3A_36 = arith.constant 1 : i32
      %dma_start3A_37 = arith.constant 0 : i32
      %dma_start3A_38 = arith.constant 0 : i32
      %dma_start3A_39 = tpu.memref_slice %arg9[%dma_start3A_36, %dma_start3A_37, %dma_start3A_38] : memref<2x128x128xf32, #tpu.memory_space<vmem>> -> memref<1x128x128xf32, #tpu.memory_space<vmem>>
      %dma_start3A_40 = tpu.memref_squeeze %dma_start3A_39 : memref<1x128x128xf32, #tpu.memory_space<vmem>> -> memref<128x128xf32, #tpu.memory_space<vmem>>
      %dma_start3A_41 = arith.constant 0 : i32
      %dma_start3A_42 = tpu.memref_slice %arg7[%dma_start3A_35, %dma_start3A_41] : memref<40x128xi32, #tpu.memory_space<vmem>> -> memref<1x128xi32, #tpu.memory_space<vmem>>
      %dma_start3A_43 = tpu.memref_squeeze %dma_start3A_42 : memref<1x128xi32, #tpu.memory_space<vmem>> -> memref<128xi32, #tpu.memory_space<vmem>>
      %dma_start3A_44 = arith.constant 0 : i32
      %dma_start3A_45 = arith.constant 0 : i32
      %dma_start3A_46 = tpu.memref_slice %arg2[%dma_start3A_44, %dma_start3A_45] : memref<10000x128xf32, #tpu.memory_space<hbm>> -> memref<10000x128xf32, #tpu.memory_space<hbm>>
      tpu.enqueue_indirect_dma source(%dma_start3A_46 : memref<10000x128xf32, #tpu.memory_space<hbm>>) target(%dma_start3A_40 : memref<128x128xf32, #tpu.memory_space<vmem>>) offsets(%dma_start3A_43 : memref<128xi32, #tpu.memory_space<vmem>>) semaphore(%arg12 : memref<!tpu.dma_semaphore, #tpu.memory_space<semaphore_mem>>)
      %scan3A = arith.constant 0 : i32
      %scan3A_47 = arith.constant 0 : i32
      %scan3A_48 = arith.constant 20 : i32
      %scan3A_49 = arith.addi %scan3A_47, %scan3A_48 : i32
      %scan3A_50 = arith.constant 1 : i32
      scf.for %scan3A_52 = %scan3A_47 to %scan3A_49 step %scan3A_50  : i32 {
        %dma_wait3A = arith.constant 0 : i32
        %dma_wait3A_53 = arith.constant 0 : i32
        %dma_wait3A_54 = arith.constant 0 : i32
        %dma_wait3A_55 = arith.constant 0 : i32
        %dma_wait3A_56 = tpu.memref_slice %arg9[%dma_wait3A_53, %dma_wait3A_54, %dma_wait3A_55] : memref<2x128x128xf32, #tpu.memory_space<vmem>> -> memref<1x128x128xf32, #tpu.memory_space<vmem>>
        %dma_wait3A_57 = tpu.memref_squeeze %dma_wait3A_56 : memref<1x128x128xf32, #tpu.memory_space<vmem>> -> memref<128x128xf32, #tpu.memory_space<vmem>>
        %dma_wait3A_58 = arith.constant 0 : i32
        %dma_wait3A_59 = tpu.memref_slice %arg7[%dma_wait3A, %dma_wait3A_58] : memref<40x128xi32, #tpu.memory_space<vmem>> -> memref<1x128xi32, #tpu.memory_space<vmem>>
        %dma_wait3A_60 = tpu.memref_squeeze %dma_wait3A_59 : memref<1x128xi32, #tpu.memory_space<vmem>> -> memref<128xi32, #tpu.memory_space<vmem>>
        %dma_wait3A_61 = arith.constant 0 : i32
        %dma_wait3A_62 = arith.constant 0 : i32
        %dma_wait3A_63 = tpu.memref_slice %arg2[%dma_wait3A_61, %dma_wait3A_62] : memref<10000x128xf32, #tpu.memory_space<hbm>> -> memref<10000x128xf32, #tpu.memory_space<hbm>>
        tpu.wait_indirect_dma semaphore(%arg11 : memref<!tpu.dma_semaphore, #tpu.memory_space<semaphore_mem>>) src(%dma_wait3A_63 : memref<10000x128xf32, #tpu.memory_space<hbm>>) dst(%dma_wait3A_57 : memref<128x128xf32, #tpu.memory_space<vmem>>)
        %mul3A_64 = arith.constant 2 : i32
        %mul3A_65 = arith.muli %mul3A_64, %scan3A_52 : i32
        %run_scoped3A = arith.constant 0 : i32
        "tpu.region"() ({
          %run_scoped3A_90 = tpu.sem_alloc : memref<!tpu.dma_semaphore, #tpu.memory_space<semaphore_mem>>
          %dma_start3A_91 = arith.constant 0 : i32
          %dma_start3A_92 = arith.constant 0 : i32
          %dma_start3A_93 = tpu.memref_slice %arg9[%run_scoped3A, %dma_start3A_91, %dma_start3A_92] : memref<2x128x128xf32, #tpu.memory_space<vmem>> -> memref<1x128x128xf32, #tpu.memory_space<vmem>>
          %dma_start3A_94 = tpu.memref_squeeze %dma_start3A_93 : memref<1x128x128xf32, #tpu.memory_space<vmem>> -> memref<128x128xf32, #tpu.memory_space<vmem>>
          %dma_start3A_95 = arith.constant 0 : i32
          %dma_start3A_96 = tpu.memref_slice %arg8[%mul3A_65, %dma_start3A_95] : memref<40x128xi32, #tpu.memory_space<vmem>> -> memref<1x128xi32, #tpu.memory_space<vmem>>
          %dma_start3A_97 = tpu.memref_squeeze %dma_start3A_96 : memref<1x128xi32, #tpu.memory_space<vmem>> -> memref<128xi32, #tpu.memory_space<vmem>>
          %dma_start3A_98 = arith.constant 0 : i32
          %dma_start3A_99 = arith.constant 0 : i32
          %dma_start3A_100 = tpu.memref_slice %arg10[%dma_start3A_98, %dma_start3A_99] : memref<10240x128xf32, #tpu.memory_space<vmem_shared>> -> memref<10240x128xf32, #tpu.memory_space<vmem_shared>>
          tpu.enqueue_indirect_dma source(%dma_start3A_94 : memref<128x128xf32, #tpu.memory_space<vmem>>) target(%dma_start3A_100 : memref<10240x128xf32, #tpu.memory_space<vmem_shared>>) offsets(%dma_start3A_97 : memref<128xi32, #tpu.memory_space<vmem>>) semaphore(%run_scoped3A_90 : memref<!tpu.dma_semaphore, #tpu.memory_space<semaphore_mem>>) {add = true}
          %dma_wait3A_101 = arith.constant 0 : i32
          %dma_wait3A_102 = arith.constant 0 : i32
          %dma_wait3A_103 = tpu.memref_slice %arg9[%run_scoped3A, %dma_wait3A_101, %dma_wait3A_102] : memref<2x128x128xf32, #tpu.memory_space<vmem>> -> memref<1x128x128xf32, #tpu.memory_space<vmem>>
          %dma_wait3A_104 = tpu.memref_squeeze %dma_wait3A_103 : memref<1x128x128xf32, #tpu.memory_space<vmem>> -> memref<128x128xf32, #tpu.memory_space<vmem>>
          %dma_wait3A_105 = arith.constant 0 : i32
          %dma_wait3A_106 = tpu.memref_slice %arg8[%mul3A_65, %dma_wait3A_105] : memref<40x128xi32, #tpu.memory_space<vmem>> -> memref<1x128xi32, #tpu.memory_space<vmem>>
          %dma_wait3A_107 = tpu.memref_squeeze %dma_wait3A_106 : memref<1x128xi32, #tpu.memory_space<vmem>> -> memref<128xi32, #tpu.memory_space<vmem>>
          %dma_wait3A_108 = arith.constant 0 : i32
          %dma_wait3A_109 = arith.constant 0 : i32
          %dma_wait3A_110 = tpu.memref_slice %arg10[%dma_wait3A_108, %dma_wait3A_109] : memref<10240x128xf32, #tpu.memory_space<vmem_shared>> -> memref<10240x128xf32, #tpu.memory_space<vmem_shared>>
          tpu.wait_indirect_dma semaphore(%run_scoped3A_90 : memref<!tpu.dma_semaphore, #tpu.memory_space<semaphore_mem>>) src(%dma_wait3A_104 : memref<128x128xf32, #tpu.memory_space<vmem>>) dst(%dma_wait3A_110 : memref<10240x128xf32, #tpu.memory_space<vmem_shared>>)
          tpu.yield
        }) : () -> ()
        %lt3A = arith.constant 19 : i32
        %lt3A_66 = arith.cmpi slt, %scan3A_52, %lt3A : i32
        %convert_element_type3A = arith.extui %lt3A_66 : i1 to i32
        %cond3A = arith.constant 0 : i32
        %cond3A_67 = arith.cmpi ne, %convert_element_type3A, %cond3A : i32
        scf.if %cond3A_67 {
          %mul3A_90 = arith.constant 2 : i32
          %mul3A_91 = arith.muli %mul3A_90, %scan3A_52 : i32
          %add3A_92 = arith.constant 2 : i32
          %add3A_93 = arith.addi %mul3A_91, %add3A_92 : i32
          %dma_start3A_94 = arith.constant 0 : i32
          %dma_start3A_95 = arith.constant 0 : i32
          %dma_start3A_96 = arith.constant 0 : i32
          %dma_start3A_97 = tpu.memref_slice %arg9[%dma_start3A_94, %dma_start3A_95, %dma_start3A_96] : memref<2x128x128xf32, #tpu.memory_space<vmem>> -> memref<1x128x128xf32, #tpu.memory_space<vmem>>
          %dma_start3A_98 = tpu.memref_squeeze %dma_start3A_97 : memref<1x128x128xf32, #tpu.memory_space<vmem>> -> memref<128x128xf32, #tpu.memory_space<vmem>>
          %dma_start3A_99 = arith.constant 0 : i32
          %dma_start3A_100 = tpu.memref_slice %arg7[%add3A_93, %dma_start3A_99] : memref<40x128xi32, #tpu.memory_space<vmem>> -> memref<1x128xi32, #tpu.memory_space<vmem>>
          %dma_start3A_101 = tpu.memref_squeeze %dma_start3A_100 : memref<1x128xi32, #tpu.memory_space<vmem>> -> memref<128xi32, #tpu.memory_space<vmem>>
          %dma_start3A_102 = arith.constant 0 : i32
          %dma_start3A_103 = arith.constant 0 : i32
          %dma_start3A_104 = tpu.memref_slice %arg2[%dma_start3A_102, %dma_start3A_103] : memref<10000x128xf32, #tpu.memory_space<hbm>> -> memref<10000x128xf32, #tpu.memory_space<hbm>>
          tpu.enqueue_indirect_dma source(%dma_start3A_104 : memref<10000x128xf32, #tpu.memory_space<hbm>>) target(%dma_start3A_98 : memref<128x128xf32, #tpu.memory_space<vmem>>) offsets(%dma_start3A_101 : memref<128xi32, #tpu.memory_space<vmem>>) semaphore(%arg11 : memref<!tpu.dma_semaphore, #tpu.memory_space<semaphore_mem>>)
        } else {
        }
        %dma_wait3A_68 = arith.constant 1 : i32
        %dma_wait3A_69 = arith.constant 1 : i32
        %dma_wait3A_70 = arith.constant 0 : i32
        %dma_wait3A_71 = arith.constant 0 : i32
        %dma_wait3A_72 = tpu.memref_slice %arg9[%dma_wait3A_69, %dma_wait3A_70, %dma_wait3A_71] : memref<2x128x128xf32, #tpu.memory_space<vmem>> -> memref<1x128x128xf32, #tpu.memory_space<vmem>>
        %dma_wait3A_73 = tpu.memref_squeeze %dma_wait3A_72 : memref<1x128x128xf32, #tpu.memory_space<vmem>> -> memref<128x128xf32, #tpu.memory_space<vmem>>
        %dma_wait3A_74 = arith.constant 0 : i32
        %dma_wait3A_75 = tpu.memref_slice %arg7[%dma_wait3A_68, %dma_wait3A_74] : memref<40x128xi32, #tpu.memory_space<vmem>> -> memref<1x128xi32, #tpu.memory_space<vmem>>
        %dma_wait3A_76 = tpu.memref_squeeze %dma_wait3A_75 : memref<1x128xi32, #tpu.memory_space<vmem>> -> memref<128xi32, #tpu.memory_space<vmem>>
        %dma_wait3A_77 = arith.constant 0 : i32
        %dma_wait3A_78 = arith.constant 0 : i32
        %dma_wait3A_79 = tpu.memref_slice %arg2[%dma_wait3A_77, %dma_wait3A_78] : memref<10000x128xf32, #tpu.memory_space<hbm>> -> memref<10000x128xf32, #tpu.memory_space<hbm>>
        tpu.wait_indirect_dma semaphore(%arg12 : memref<!tpu.dma_semaphore, #tpu.memory_space<semaphore_mem>>) src(%dma_wait3A_79 : memref<10000x128xf32, #tpu.memory_space<hbm>>) dst(%dma_wait3A_73 : memref<128x128xf32, #tpu.memory_space<vmem>>)
        %mul3A_80 = arith.constant 2 : i32
        %mul3A_81 = arith.muli %mul3A_80, %scan3A_52 : i32
        %add3A_82 = arith.constant 1 : i32
        %add3A_83 = arith.addi %mul3A_81, %add3A_82 : i32
        %run_scoped3A_84 = arith.constant 1 : i32
        "tpu.region"() ({
          %run_scoped3A_90 = tpu.sem_alloc : memref<!tpu.dma_semaphore, #tpu.memory_space<semaphore_mem>>
          %dma_start3A_91 = arith.constant 0 : i32
          %dma_start3A_92 = arith.constant 0 : i32
          %dma_start3A_93 = tpu.memref_slice %arg9[%run_scoped3A_84, %dma_start3A_91, %dma_start3A_92] : memref<2x128x128xf32, #tpu.memory_space<vmem>> -> memref<1x128x128xf32, #tpu.memory_space<vmem>>
          %dma_start3A_94 = tpu.memref_squeeze %dma_start3A_93 : memref<1x128x128xf32, #tpu.memory_space<vmem>> -> memref<128x128xf32, #tpu.memory_space<vmem>>
          %dma_start3A_95 = arith.constant 0 : i32
          %dma_start3A_96 = tpu.memref_slice %arg8[%add3A_83, %dma_start3A_95] : memref<40x128xi32, #tpu.memory_space<vmem>> -> memref<1x128xi32, #tpu.memory_space<vmem>>
          %dma_start3A_97 = tpu.memref_squeeze %dma_start3A_96 : memref<1x128xi32, #tpu.memory_space<vmem>> -> memref<128xi32, #tpu.memory_space<vmem>>
          %dma_start3A_98 = arith.constant 0 : i32
          %dma_start3A_99 = arith.constant 0 : i32
          %dma_start3A_100 = tpu.memref_slice %arg10[%dma_start3A_98, %dma_start3A_99] : memref<10240x128xf32, #tpu.memory_space<vmem_shared>> -> memref<10240x128xf32, #tpu.memory_space<vmem_shared>>
          tpu.enqueue_indirect_dma source(%dma_start3A_94 : memref<128x128xf32, #tpu.memory_space<vmem>>) target(%dma_start3A_100 : memref<10240x128xf32, #tpu.memory_space<vmem_shared>>) offsets(%dma_start3A_97 : memref<128xi32, #tpu.memory_space<vmem>>) semaphore(%run_scoped3A_90 : memref<!tpu.dma_semaphore, #tpu.memory_space<semaphore_mem>>) {add = true}
          %dma_wait3A_101 = arith.constant 0 : i32
          %dma_wait3A_102 = arith.constant 0 : i32
          %dma_wait3A_103 = tpu.memref_slice %arg9[%run_scoped3A_84, %dma_wait3A_101, %dma_wait3A_102] : memref<2x128x128xf32, #tpu.memory_space<vmem>> -> memref<1x128x128xf32, #tpu.memory_space<vmem>>
          %dma_wait3A_104 = tpu.memref_squeeze %dma_wait3A_103 : memref<1x128x128xf32, #tpu.memory_space<vmem>> -> memref<128x128xf32, #tpu.memory_space<vmem>>
          %dma_wait3A_105 = arith.constant 0 : i32
          %dma_wait3A_106 = tpu.memref_slice %arg8[%add3A_83, %dma_wait3A_105] : memref<40x128xi32, #tpu.memory_space<vmem>> -> memref<1x128xi32, #tpu.memory_space<vmem>>
          %dma_wait3A_107 = tpu.memref_squeeze %dma_wait3A_106 : memref<1x128xi32, #tpu.memory_space<vmem>> -> memref<128xi32, #tpu.memory_space<vmem>>
          %dma_wait3A_108 = arith.constant 0 : i32
          %dma_wait3A_109 = arith.constant 0 : i32
          %dma_wait3A_110 = tpu.memref_slice %arg10[%dma_wait3A_108, %dma_wait3A_109] : memref<10240x128xf32, #tpu.memory_space<vmem_shared>> -> memref<10240x128xf32, #tpu.memory_space<vmem_shared>>
          tpu.wait_indirect_dma semaphore(%run_scoped3A_90 : memref<!tpu.dma_semaphore, #tpu.memory_space<semaphore_mem>>) src(%dma_wait3A_104 : memref<128x128xf32, #tpu.memory_space<vmem>>) dst(%dma_wait3A_110 : memref<10240x128xf32, #tpu.memory_space<vmem_shared>>)
          tpu.yield
        }) : () -> ()
        %lt3A_85 = arith.constant 19 : i32
        %lt3A_86 = arith.cmpi slt, %scan3A_52, %lt3A_85 : i32
        %convert_element_type3A_87 = arith.extui %lt3A_86 : i1 to i32
        %cond3A_88 = arith.constant 0 : i32
        %cond3A_89 = arith.cmpi ne, %convert_element_type3A_87, %cond3A_88 : i32
        scf.if %cond3A_89 {
          %mul3A_90 = arith.constant 2 : i32
          %mul3A_91 = arith.muli %mul3A_90, %scan3A_52 : i32
          %add3A_92 = arith.constant 3 : i32
          %add3A_93 = arith.addi %mul3A_91, %add3A_92 : i32
          %dma_start3A_94 = arith.constant 1 : i32
          %dma_start3A_95 = arith.constant 0 : i32
          %dma_start3A_96 = arith.constant 0 : i32
          %dma_start3A_97 = tpu.memref_slice %arg9[%dma_start3A_94, %dma_start3A_95, %dma_start3A_96] : memref<2x128x128xf32, #tpu.memory_space<vmem>> -> memref<1x128x128xf32, #tpu.memory_space<vmem>>
          %dma_start3A_98 = tpu.memref_squeeze %dma_start3A_97 : memref<1x128x128xf32, #tpu.memory_space<vmem>> -> memref<128x128xf32, #tpu.memory_space<vmem>>
          %dma_start3A_99 = arith.constant 0 : i32
          %dma_start3A_100 = tpu.memref_slice %arg7[%add3A_93, %dma_start3A_99] : memref<40x128xi32, #tpu.memory_space<vmem>> -> memref<1x128xi32, #tpu.memory_space<vmem>>
          %dma_start3A_101 = tpu.memref_squeeze %dma_start3A_100 : memref<1x128xi32, #tpu.memory_space<vmem>> -> memref<128xi32, #tpu.memory_space<vmem>>
          %dma_start3A_102 = arith.constant 0 : i32
          %dma_start3A_103 = arith.constant 0 : i32
          %dma_start3A_104 = tpu.memref_slice %arg2[%dma_start3A_102, %dma_start3A_103] : memref<10000x128xf32, #tpu.memory_space<hbm>> -> memref<10000x128xf32, #tpu.memory_space<hbm>>
          tpu.enqueue_indirect_dma source(%dma_start3A_104 : memref<10000x128xf32, #tpu.memory_space<hbm>>) target(%dma_start3A_98 : memref<128x128xf32, #tpu.memory_space<vmem>>) offsets(%dma_start3A_101 : memref<128xi32, #tpu.memory_space<vmem>>) semaphore(%arg12 : memref<!tpu.dma_semaphore, #tpu.memory_space<semaphore_mem>>)
        } else {
        }
      }
      %scan3A_51 = arith.constant 20 : i32
    }
    %barrier3A_18 = arith.constant 0 : index
    tpu.barrier barrier_id(%barrier3A_18)
    "tpu.region"() ({
      %run_scoped3A = tpu.sem_alloc : memref<!tpu.dma_semaphore, #tpu.memory_space<semaphore_mem>>
      %dma_start3A = arith.constant 0 : i32
      %dma_start3A_19 = tpu.memref_slice %arg6[%arg0, %multiple_of3A, %dma_start3A] : memref<2x10240x128xf32, #tpu.memory_space<hbm>> -> memref<1x640x128xf32, #tpu.memory_space<hbm>>
      %dma_start3A_20 = tpu.memref_squeeze %dma_start3A_19 : memref<1x640x128xf32, #tpu.memory_space<hbm>> -> memref<640x128xf32, #tpu.memory_space<hbm>>
      %dma_start3A_21 = arith.constant 0 : i32
      %dma_start3A_22 = tpu.memref_slice %arg10[%multiple_of3A, %dma_start3A_21] : memref<10240x128xf32, #tpu.memory_space<vmem_shared>> -> memref<640x128xf32, #tpu.memory_space<vmem_shared>>
      tpu.enqueue_dma source(%dma_start3A_22 : memref<640x128xf32, #tpu.memory_space<vmem_shared>>) target(%dma_start3A_20 : memref<640x128xf32, #tpu.memory_space<hbm>>) target_semaphore(%run_scoped3A : memref<!tpu.dma_semaphore, #tpu.memory_space<semaphore_mem>>)
      %dma_wait3A = arith.constant 0 : i32
      %dma_wait3A_23 = tpu.memref_slice %arg6[%arg0, %multiple_of3A, %dma_wait3A] : memref<2x10240x128xf32, #tpu.memory_space<hbm>> -> memref<1x640x128xf32, #tpu.memory_space<hbm>>
      %dma_wait3A_24 = tpu.memref_squeeze %dma_wait3A_23 : memref<1x640x128xf32, #tpu.memory_space<hbm>> -> memref<640x128xf32, #tpu.memory_space<hbm>>
      %dma_wait3A_25 = arith.constant 0 : i32
      %dma_wait3A_26 = tpu.memref_slice %arg10[%multiple_of3A, %dma_wait3A_25] : memref<10240x128xf32, #tpu.memory_space<vmem_shared>> -> memref<640x128xf32, #tpu.memory_space<vmem_shared>>
      tpu.wait_dma2 semaphore(%run_scoped3A : memref<!tpu.dma_semaphore, #tpu.memory_space<semaphore_mem>>) src(%dma_wait3A_26 : memref<640x128xf32, #tpu.memory_space<vmem_shared>>) dst(%dma_wait3A_24 : memref<640x128xf32, #tpu.memory_space<hbm>>)
      tpu.yield
    }) : () -> ()
    return
  }
}

#map = affine_map<(d0, d1) -> (0, 0)>
#map1 = affine_map<(d0, d1) -> (0, 0, 0)>
module attributes {stable_mosaic.version = 14 : i64} {
  func.func @body(%arg0: i32, %arg1: i32, %arg2: memref<10000x128xf32, #tpu.memory_space<hbm>>, %arg3: memref<2560x128xi32, #tpu.memory_space<hbm>>, %arg4: memref<2560x128xi32, #tpu.memory_space<hbm>>, %arg5: memref<640x128xf32, #tpu.memory_space<hbm>>, %arg6: memref<2x10240x128xf32, #tpu.memory_space<hbm>>, %arg7: memref<40x128xi32, #tpu.memory_space<vmem>>, %arg8: memref<40x128xi32, #tpu.memory_space<vmem>>, %arg9: memref<2x128x128xf32, #tpu.memory_space<vmem>>, %arg10: memref<10240x128xf32, #tpu.memory_space<vmem_shared>>, %arg11: memref<!tpu.dma_semaphore, #tpu.memory_space<semaphore_mem>>, %arg12: memref<!tpu.dma_semaphore, #tpu.memory_space<semaphore_mem>>) attributes {dimension_semantics = [#tpu.dimension_semantics<core_parallel>, #tpu.dimension_semantics<subcore_parallel>], iteration_bounds = array<i64: 2, 16>, scalar_prefetch = 0 : i64, scratch_operands = 6 : i64, tpu.core_type = #tpu.core_type<sc_vector_subcore>, window_params = [{transform_indices = #map}, {transform_indices = #map}, {transform_indices = #map}, {transform_indices = #map}, {transform_indices = #map1}]} {
    %eq3A = arith.constant 0 : i32
    %eq3A_0 = arith.cmpi eq, %arg0, %eq3A : i32
    %jit3A = arith.constant 1 : i32
    %jit3A_1 = arith.constant 3 : i32
    %select_n3A = arith.select %eq3A_0, %jit3A, %jit3A_1 : i32
    %mul3A = arith.constant 40 : i32
    %mul3A_2 = arith.muli %arg1, %mul3A : i32
    %add3A = arith.constant 1920 : i32
    %add3A_3 = arith.addi %add3A, %mul3A_2 : i32
    %mul3A_4 = arith.constant 120 : i32
    %mul3A_5 = arith.muli %arg1, %mul3A_4 : i32
    %select_n3A_6 = arith.select %eq3A_0, %add3A_3, %mul3A_5 : i32
    %mul3A_7 = arith.constant 640 : i32
    %mul3A_8 = arith.muli %arg1, %mul3A_7 : i32
    %multiple_of3A = tpu.assume_multiple %mul3A_8, 8 : i32
    "tpu.region"() ({
      %run_scoped3A = tpu.sem_alloc : memref<!tpu.dma_semaphore, #tpu.memory_space<semaphore_mem>>
      %dma_start3A = arith.constant 0 : i32
      %dma_start3A_19 = tpu.memref_slice %arg10[%multiple_of3A, %dma_start3A] : memref<10240x128xf32, #tpu.memory_space<vmem_shared>> -> memref<640x128xf32, #tpu.memory_space<vmem_shared>>
      tpu.enqueue_dma source(%arg5 : memref<640x128xf32, #tpu.memory_space<hbm>>) target(%dma_start3A_19 : memref<640x128xf32, #tpu.memory_space<vmem_shared>>) target_semaphore(%run_scoped3A : memref<!tpu.dma_semaphore, #tpu.memory_space<semaphore_mem>>)
      %dma_wait3A = arith.constant 0 : i32
      %dma_wait3A_20 = tpu.memref_slice %arg10[%multiple_of3A, %dma_wait3A] : memref<10240x128xf32, #tpu.memory_space<vmem_shared>> -> memref<640x128xf32, #tpu.memory_space<vmem_shared>>
      tpu.wait_dma2 semaphore(%run_scoped3A : memref<!tpu.dma_semaphore, #tpu.memory_space<semaphore_mem>>) src(%arg5 : memref<640x128xf32, #tpu.memory_space<hbm>>) dst(%dma_wait3A_20 : memref<640x128xf32, #tpu.memory_space<vmem_shared>>)
      tpu.yield
    }) : () -> ()
    %barrier3A = arith.constant 0 : index
    tpu.barrier barrier_id(%barrier3A)
    %while3A = arith.constant 0 : i32
    %while3A_9 = arith.constant 0 : i32
    %while3A_10 = arith.subi %select_n3A, %while3A_9 : i32
    %while3A_11 = arith.addi %while3A_9, %while3A_10 : i32
    %while3A_12 = arith.constant 1 : i32
    %while3A_13 = arith.divsi %while3A_10, %while3A_12 : i32
    %while3A_14 = arith.muli %while3A_13, %while3A_12 : i32
    %while3A_15 = arith.addi %while3A_9, %while3A_14 : i32
    %while3A_16 = arith.constant 1 : i32
    scf.for %while3A_19 = %while3A_9 to %while3A_15 step %while3A_16  : i32 {
      %mul3A_20 = arith.constant 40 : i32
      %mul3A_21 = arith.muli %while3A_19, %mul3A_20 : i32
      %add3A_22 = arith.addi %select_n3A_6, %mul3A_21 : i32
      %multiple_of3A_23 = tpu.assume_multiple %add3A_22, 8 : i32
      "tpu.region"() ({
        %run_scoped3A = tpu.sem_alloc : memref<!tpu.dma_semaphore, #tpu.memory_space<semaphore_mem>>
        %dma_start3A_52 = arith.constant 0 : i32
        %dma_start3A_53 = tpu.memref_slice %arg3[%multiple_of3A_23, %dma_start3A_52] : memref<2560x128xi32, #tpu.memory_space<hbm>> -> memref<40x128xi32, #tpu.memory_space<hbm>>
        %dma_start3A_54 = arith.constant 0 : i32
        %dma_start3A_55 = tpu.memref_slice %arg3[%multiple_of3A_23, %dma_start3A_54] : memref<2560x128xi32, #tpu.memory_space<hbm>> -> memref<40x128xi32, #tpu.memory_space<hbm>>
        tpu.enqueue_dma source(%dma_start3A_55 : memref<40x128xi32, #tpu.memory_space<hbm>>) target(%arg7 : memref<40x128xi32, #tpu.memory_space<vmem>>) target_semaphore(%run_scoped3A : memref<!tpu.dma_semaphore, #tpu.memory_space<semaphore_mem>>)
        %dma_wait3A = arith.constant 0 : i32
        %dma_wait3A_56 = tpu.memref_slice %arg3[%multiple_of3A_23, %dma_wait3A] : memref<2560x128xi32, #tpu.memory_space<hbm>> -> memref<40x128xi32, #tpu.memory_space<hbm>>
        %dma_wait3A_57 = arith.constant 0 : i32
        %dma_wait3A_58 = tpu.memref_slice %arg3[%multiple_of3A_23, %dma_wait3A_57] : memref<2560x128xi32, #tpu.memory_space<hbm>> -> memref<40x128xi32, #tpu.memory_space<hbm>>
        tpu.wait_dma2 semaphore(%run_scoped3A : memref<!tpu.dma_semaphore, #tpu.memory_space<semaphore_mem>>) src(%dma_wait3A_58 : memref<40x128xi32, #tpu.memory_space<hbm>>) dst(%arg7 : memref<40x128xi32, #tpu.memory_space<vmem>>)
        tpu.yield
      }) : () -> ()
      "tpu.region"() ({
        %run_scoped3A = tpu.sem_alloc : memref<!tpu.dma_semaphore, #tpu.memory_space<semaphore_mem>>
        %dma_start3A_52 = arith.constant 0 : i32
        %dma_start3A_53 = tpu.memref_slice %arg4[%multiple_of3A_23, %dma_start3A_52] : memref<2560x128xi32, #tpu.memory_space<hbm>> -> memref<40x128xi32, #tpu.memory_space<hbm>>
        %dma_start3A_54 = arith.constant 0 : i32
        %dma_start3A_55 = tpu.memref_slice %arg4[%multiple_of3A_23, %dma_start3A_54] : memref<2560x128xi32, #tpu.memory_space<hbm>> -> memref<40x128xi32, #tpu.memory_space<hbm>>
        tpu.enqueue_dma source(%dma_start3A_55 : memref<40x128xi32, #tpu.memory_space<hbm>>) target(%arg8 : memref<40x128xi32, #tpu.memory_space<vmem>>) target_semaphore(%run_scoped3A : memref<!tpu.dma_semaphore, #tpu.memory_space<semaphore_mem>>)
        %dma_wait3A = arith.constant 0 : i32
        %dma_wait3A_56 = tpu.memref_slice %arg4[%multiple_of3A_23, %dma_wait3A] : memref<2560x128xi32, #tpu.memory_space<hbm>> -> memref<40x128xi32, #tpu.memory_space<hbm>>
        %dma_wait3A_57 = arith.constant 0 : i32
        %dma_wait3A_58 = tpu.memref_slice %arg4[%multiple_of3A_23, %dma_wait3A_57] : memref<2560x128xi32, #tpu.memory_space<hbm>> -> memref<40x128xi32, #tpu.memory_space<hbm>>
        tpu.wait_dma2 semaphore(%run_scoped3A : memref<!tpu.dma_semaphore, #tpu.memory_space<semaphore_mem>>) src(%dma_wait3A_58 : memref<40x128xi32, #tpu.memory_space<hbm>>) dst(%arg8 : memref<40x128xi32, #tpu.memory_space<vmem>>)
        tpu.yield
      }) : () -> ()
      %dma_start3A = arith.constant 0 : i32
      %dma_start3A_24 = arith.constant 0 : i32
      %dma_start3A_25 = arith.constant 0 : i32
      %dma_start3A_26 = arith.constant 0 : i32
      %dma_start3A_27 = tpu.memref_slice %arg9[%dma_start3A_24, %dma_start3A_25, %dma_start3A_26] : memref<2x128x128xf32, #tpu.memory_space<vmem>> -> memref<1x128x128xf32, #tpu.memory_space<vmem>>
      %dma_start3A_28 = tpu.memref_squeeze %dma_start3A_27 : memref<1x128x128xf32, #tpu.memory_space<vmem>> -> memref<128x128xf32, #tpu.memory_space<vmem>>
      %dma_start3A_29 = arith.constant 0 : i32
      %dma_start3A_30 = tpu.memref_slice %arg7[%dma_start3A, %dma_start3A_29] : memref<40x128xi32, #tpu.memory_space<vmem>> -> memref<1x128xi32, #tpu.memory_space<vmem>>
      %dma_start3A_31 = tpu.memref_squeeze %dma_start3A_30 : memref<1x128xi32, #tpu.memory_space<vmem>> -> memref<128xi32, #tpu.memory_space<vmem>>
      %dma_start3A_32 = arith.constant 0 : i32
      %dma_start3A_33 = arith.constant 0 : i32
      %dma_start3A_34 = tpu.memref_slice %arg2[%dma_start3A_32, %dma_start3A_33] : memref<10000x128xf32, #tpu.memory_space<hbm>> -> memref<10000x128xf32, #tpu.memory_space<hbm>>
      tpu.enqueue_indirect_dma source(%dma_start3A_34 : memref<10000x128xf32, #tpu.memory_space<hbm>>) target(%dma_start3A_28 : memref<128x128xf32, #tpu.memory_space<vmem>>) offsets(%dma_start3A_31 : memref<128xi32, #tpu.memory_space<vmem>>) semaphore(%arg11 : memref<!tpu.dma_semaphore, #tpu.memory_space<semaphore_mem>>)
      %dma_start3A_35 = arith.constant 1 : i32
      %dma_start3A_36 = arith.constant 1 : i32
      %dma_start3A_37 = arith.constant 0 : i32
      %dma_start3A_38 = arith.constant 0 : i32
      %dma_start3A_39 = tpu.memref_slice %arg9[%dma_start3A_36, %dma_start3A_37, %dma_start3A_38] : memref<2x128x128xf32, #tpu.memory_space<vmem>> -> memref<1x128x128xf32, #tpu.memory_space<vmem>>
      %dma_start3A_40 = tpu.memref_squeeze %dma_start3A_39 : memref<1x128x128xf32, #tpu.memory_space<vmem>> -> memref<128x128xf32, #tpu.memory_space<vmem>>
      %dma_start3A_41 = arith.constant 0 : i32
      %dma_start3A_42 = tpu.memref_slice %arg7[%dma_start3A_35, %dma_start3A_41] : memref<40x128xi32, #tpu.memory_space<vmem>> -> memref<1x128xi32, #tpu.memory_space<vmem>>
      %dma_start3A_43 = tpu.memref_squeeze %dma_start3A_42 : memref<1x128xi32, #tpu.memory_space<vmem>> -> memref<128xi32, #tpu.memory_space<vmem>>
      %dma_start3A_44 = arith.constant 0 : i32
      %dma_start3A_45 = arith.constant 0 : i32
      %dma_start3A_46 = tpu.memref_slice %arg2[%dma_start3A_44, %dma_start3A_45] : memref<10000x128xf32, #tpu.memory_space<hbm>> -> memref<10000x128xf32, #tpu.memory_space<hbm>>
      tpu.enqueue_indirect_dma source(%dma_start3A_46 : memref<10000x128xf32, #tpu.memory_space<hbm>>) target(%dma_start3A_40 : memref<128x128xf32, #tpu.memory_space<vmem>>) offsets(%dma_start3A_43 : memref<128xi32, #tpu.memory_space<vmem>>) semaphore(%arg12 : memref<!tpu.dma_semaphore, #tpu.memory_space<semaphore_mem>>)
      %scan3A = arith.constant 0 : i32
      %scan3A_47 = arith.constant 0 : i32
      %scan3A_48 = arith.constant 20 : i32
      %scan3A_49 = arith.addi %scan3A_47, %scan3A_48 : i32
      %scan3A_50 = arith.constant 1 : i32
      scf.for %scan3A_52 = %scan3A_47 to %scan3A_49 step %scan3A_50  : i32 {
        %dma_wait3A = arith.constant 0 : i32
        %dma_wait3A_53 = arith.constant 0 : i32
        %dma_wait3A_54 = arith.constant 0 : i32
        %dma_wait3A_55 = arith.constant 0 : i32
        %dma_wait3A_56 = tpu.memref_slice %arg9[%dma_wait3A_53, %dma_wait3A_54, %dma_wait3A_55] : memref<2x128x128xf32, #tpu.memory_space<vmem>> -> memref<1x128x128xf32, #tpu.memory_space<vmem>>
        %dma_wait3A_57 = tpu.memref_squeeze %dma_wait3A_56 : memref<1x128x128xf32, #tpu.memory_space<vmem>> -> memref<128x128xf32, #tpu.memory_space<vmem>>
        %dma_wait3A_58 = arith.constant 0 : i32
        %dma_wait3A_59 = tpu.memref_slice %arg7[%dma_wait3A, %dma_wait3A_58] : memref<40x128xi32, #tpu.memory_space<vmem>> -> memref<1x128xi32, #tpu.memory_space<vmem>>
        %dma_wait3A_60 = tpu.memref_squeeze %dma_wait3A_59 : memref<1x128xi32, #tpu.memory_space<vmem>> -> memref<128xi32, #tpu.memory_space<vmem>>
        %dma_wait3A_61 = arith.constant 0 : i32
        %dma_wait3A_62 = arith.constant 0 : i32
        %dma_wait3A_63 = tpu.memref_slice %arg2[%dma_wait3A_61, %dma_wait3A_62] : memref<10000x128xf32, #tpu.memory_space<hbm>> -> memref<10000x128xf32, #tpu.memory_space<hbm>>
        tpu.wait_indirect_dma semaphore(%arg11 : memref<!tpu.dma_semaphore, #tpu.memory_space<semaphore_mem>>) src(%dma_wait3A_63 : memref<10000x128xf32, #tpu.memory_space<hbm>>) dst(%dma_wait3A_57 : memref<128x128xf32, #tpu.memory_space<vmem>>)
        %mul3A_64 = arith.constant 2 : i32
        %mul3A_65 = arith.muli %mul3A_64, %scan3A_52 : i32
        %run_scoped3A = arith.constant 0 : i32
        "tpu.region"() ({
          %run_scoped3A_90 = tpu.sem_alloc : memref<!tpu.dma_semaphore, #tpu.memory_space<semaphore_mem>>
          %dma_start3A_91 = arith.constant 0 : i32
          %dma_start3A_92 = arith.constant 0 : i32
          %dma_start3A_93 = tpu.memref_slice %arg9[%run_scoped3A, %dma_start3A_91, %dma_start3A_92] : memref<2x128x128xf32, #tpu.memory_space<vmem>> -> memref<1x128x128xf32, #tpu.memory_space<vmem>>
          %dma_start3A_94 = tpu.memref_squeeze %dma_start3A_93 : memref<1x128x128xf32, #tpu.memory_space<vmem>> -> memref<128x128xf32, #tpu.memory_space<vmem>>
          %dma_start3A_95 = arith.constant 0 : i32
          %dma_start3A_96 = tpu.memref_slice %arg8[%mul3A_65, %dma_start3A_95] : memref<40x128xi32, #tpu.memory_space<vmem>> -> memref<1x128xi32, #tpu.memory_space<vmem>>
          %dma_start3A_97 = tpu.memref_squeeze %dma_start3A_96 : memref<1x128xi32, #tpu.memory_space<vmem>> -> memref<128xi32, #tpu.memory_space<vmem>>
          %dma_start3A_98 = arith.constant 0 : i32
          %dma_start3A_99 = arith.constant 0 : i32
          %dma_start3A_100 = tpu.memref_slice %arg10[%dma_start3A_98, %dma_start3A_99] : memref<10240x128xf32, #tpu.memory_space<vmem_shared>> -> memref<10240x128xf32, #tpu.memory_space<vmem_shared>>
          tpu.enqueue_indirect_dma source(%dma_start3A_94 : memref<128x128xf32, #tpu.memory_space<vmem>>) target(%dma_start3A_100 : memref<10240x128xf32, #tpu.memory_space<vmem_shared>>) offsets(%dma_start3A_97 : memref<128xi32, #tpu.memory_space<vmem>>) semaphore(%run_scoped3A_90 : memref<!tpu.dma_semaphore, #tpu.memory_space<semaphore_mem>>) {add = true}
          %dma_wait3A_101 = arith.constant 0 : i32
          %dma_wait3A_102 = arith.constant 0 : i32
          %dma_wait3A_103 = tpu.memref_slice %arg9[%run_scoped3A, %dma_wait3A_101, %dma_wait3A_102] : memref<2x128x128xf32, #tpu.memory_space<vmem>> -> memref<1x128x128xf32, #tpu.memory_space<vmem>>
          %dma_wait3A_104 = tpu.memref_squeeze %dma_wait3A_103 : memref<1x128x128xf32, #tpu.memory_space<vmem>> -> memref<128x128xf32, #tpu.memory_space<vmem>>
          %dma_wait3A_105 = arith.constant 0 : i32
          %dma_wait3A_106 = tpu.memref_slice %arg8[%mul3A_65, %dma_wait3A_105] : memref<40x128xi32, #tpu.memory_space<vmem>> -> memref<1x128xi32, #tpu.memory_space<vmem>>
          %dma_wait3A_107 = tpu.memref_squeeze %dma_wait3A_106 : memref<1x128xi32, #tpu.memory_space<vmem>> -> memref<128xi32, #tpu.memory_space<vmem>>
          %dma_wait3A_108 = arith.constant 0 : i32
          %dma_wait3A_109 = arith.constant 0 : i32
          %dma_wait3A_110 = tpu.memref_slice %arg10[%dma_wait3A_108, %dma_wait3A_109] : memref<10240x128xf32, #tpu.memory_space<vmem_shared>> -> memref<10240x128xf32, #tpu.memory_space<vmem_shared>>
          tpu.wait_indirect_dma semaphore(%run_scoped3A_90 : memref<!tpu.dma_semaphore, #tpu.memory_space<semaphore_mem>>) src(%dma_wait3A_104 : memref<128x128xf32, #tpu.memory_space<vmem>>) dst(%dma_wait3A_110 : memref<10240x128xf32, #tpu.memory_space<vmem_shared>>)
          tpu.yield
        }) : () -> ()
        %lt3A = arith.constant 19 : i32
        %lt3A_66 = arith.cmpi slt, %scan3A_52, %lt3A : i32
        %convert_element_type3A = arith.extui %lt3A_66 : i1 to i32
        %cond3A = arith.constant 0 : i32
        %cond3A_67 = arith.cmpi ne, %convert_element_type3A, %cond3A : i32
        scf.if %cond3A_67 {
          %mul3A_90 = arith.constant 2 : i32
          %mul3A_91 = arith.muli %mul3A_90, %scan3A_52 : i32
          %add3A_92 = arith.constant 2 : i32
          %add3A_93 = arith.addi %mul3A_91, %add3A_92 : i32
          %dma_start3A_94 = arith.constant 0 : i32
          %dma_start3A_95 = arith.constant 0 : i32
          %dma_start3A_96 = arith.constant 0 : i32
          %dma_start3A_97 = tpu.memref_slice %arg9[%dma_start3A_94, %dma_start3A_95, %dma_start3A_96] : memref<2x128x128xf32, #tpu.memory_space<vmem>> -> memref<1x128x128xf32, #tpu.memory_space<vmem>>
          %dma_start3A_98 = tpu.memref_squeeze %dma_start3A_97 : memref<1x128x128xf32, #tpu.memory_space<vmem>> -> memref<128x128xf32, #tpu.memory_space<vmem>>
          %dma_start3A_99 = arith.constant 0 : i32
          %dma_start3A_100 = tpu.memref_slice %arg7[%add3A_93, %dma_start3A_99] : memref<40x128xi32, #tpu.memory_space<vmem>> -> memref<1x128xi32, #tpu.memory_space<vmem>>
          %dma_start3A_101 = tpu.memref_squeeze %dma_start3A_100 : memref<1x128xi32, #tpu.memory_space<vmem>> -> memref<128xi32, #tpu.memory_space<vmem>>
          %dma_start3A_102 = arith.constant 0 : i32
          %dma_start3A_103 = arith.constant 0 : i32
          %dma_start3A_104 = tpu.memref_slice %arg2[%dma_start3A_102, %dma_start3A_103] : memref<10000x128xf32, #tpu.memory_space<hbm>> -> memref<10000x128xf32, #tpu.memory_space<hbm>>
          tpu.enqueue_indirect_dma source(%dma_start3A_104 : memref<10000x128xf32, #tpu.memory_space<hbm>>) target(%dma_start3A_98 : memref<128x128xf32, #tpu.memory_space<vmem>>) offsets(%dma_start3A_101 : memref<128xi32, #tpu.memory_space<vmem>>) semaphore(%arg11 : memref<!tpu.dma_semaphore, #tpu.memory_space<semaphore_mem>>)
        } else {
        }
        %dma_wait3A_68 = arith.constant 1 : i32
        %dma_wait3A_69 = arith.constant 1 : i32
        %dma_wait3A_70 = arith.constant 0 : i32
        %dma_wait3A_71 = arith.constant 0 : i32
        %dma_wait3A_72 = tpu.memref_slice %arg9[%dma_wait3A_69, %dma_wait3A_70, %dma_wait3A_71] : memref<2x128x128xf32, #tpu.memory_space<vmem>> -> memref<1x128x128xf32, #tpu.memory_space<vmem>>
        %dma_wait3A_73 = tpu.memref_squeeze %dma_wait3A_72 : memref<1x128x128xf32, #tpu.memory_space<vmem>> -> memref<128x128xf32, #tpu.memory_space<vmem>>
        %dma_wait3A_74 = arith.constant 0 : i32
        %dma_wait3A_75 = tpu.memref_slice %arg7[%dma_wait3A_68, %dma_wait3A_74] : memref<40x128xi32, #tpu.memory_space<vmem>> -> memref<1x128xi32, #tpu.memory_space<vmem>>
        %dma_wait3A_76 = tpu.memref_squeeze %dma_wait3A_75 : memref<1x128xi32, #tpu.memory_space<vmem>> -> memref<128xi32, #tpu.memory_space<vmem>>
        %dma_wait3A_77 = arith.constant 0 : i32
        %dma_wait3A_78 = arith.constant 0 : i32
        %dma_wait3A_79 = tpu.memref_slice %arg2[%dma_wait3A_77, %dma_wait3A_78] : memref<10000x128xf32, #tpu.memory_space<hbm>> -> memref<10000x128xf32, #tpu.memory_space<hbm>>
        tpu.wait_indirect_dma semaphore(%arg12 : memref<!tpu.dma_semaphore, #tpu.memory_space<semaphore_mem>>) src(%dma_wait3A_79 : memref<10000x128xf32, #tpu.memory_space<hbm>>) dst(%dma_wait3A_73 : memref<128x128xf32, #tpu.memory_space<vmem>>)
        %mul3A_80 = arith.constant 2 : i32
        %mul3A_81 = arith.muli %mul3A_80, %scan3A_52 : i32
        %add3A_82 = arith.constant 1 : i32
        %add3A_83 = arith.addi %mul3A_81, %add3A_82 : i32
        %run_scoped3A_84 = arith.constant 1 : i32
        "tpu.region"() ({
          %run_scoped3A_90 = tpu.sem_alloc : memref<!tpu.dma_semaphore, #tpu.memory_space<semaphore_mem>>
          %dma_start3A_91 = arith.constant 0 : i32
          %dma_start3A_92 = arith.constant 0 : i32
          %dma_start3A_93 = tpu.memref_slice %arg9[%run_scoped3A_84, %dma_start3A_91, %dma_start3A_92] : memref<2x128x128xf32, #tpu.memory_space<vmem>> -> memref<1x128x128xf32, #tpu.memory_space<vmem>>
          %dma_start3A_94 = tpu.memref_squeeze %dma_start3A_93 : memref<1x128x128xf32, #tpu.memory_space<vmem>> -> memref<128x128xf32, #tpu.memory_space<vmem>>
          %dma_start3A_95 = arith.constant 0 : i32
          %dma_start3A_96 = tpu.memref_slice %arg8[%add3A_83, %dma_start3A_95] : memref<40x128xi32, #tpu.memory_space<vmem>> -> memref<1x128xi32, #tpu.memory_space<vmem>>
          %dma_start3A_97 = tpu.memref_squeeze %dma_start3A_96 : memref<1x128xi32, #tpu.memory_space<vmem>> -> memref<128xi32, #tpu.memory_space<vmem>>
          %dma_start3A_98 = arith.constant 0 : i32
          %dma_start3A_99 = arith.constant 0 : i32
          %dma_start3A_100 = tpu.memref_slice %arg10[%dma_start3A_98, %dma_start3A_99] : memref<10240x128xf32, #tpu.memory_space<vmem_shared>> -> memref<10240x128xf32, #tpu.memory_space<vmem_shared>>
          tpu.enqueue_indirect_dma source(%dma_start3A_94 : memref<128x128xf32, #tpu.memory_space<vmem>>) target(%dma_start3A_100 : memref<10240x128xf32, #tpu.memory_space<vmem_shared>>) offsets(%dma_start3A_97 : memref<128xi32, #tpu.memory_space<vmem>>) semaphore(%run_scoped3A_90 : memref<!tpu.dma_semaphore, #tpu.memory_space<semaphore_mem>>) {add = true}
          %dma_wait3A_101 = arith.constant 0 : i32
          %dma_wait3A_102 = arith.constant 0 : i32
          %dma_wait3A_103 = tpu.memref_slice %arg9[%run_scoped3A_84, %dma_wait3A_101, %dma_wait3A_102] : memref<2x128x128xf32, #tpu.memory_space<vmem>> -> memref<1x128x128xf32, #tpu.memory_space<vmem>>
          %dma_wait3A_104 = tpu.memref_squeeze %dma_wait3A_103 : memref<1x128x128xf32, #tpu.memory_space<vmem>> -> memref<128x128xf32, #tpu.memory_space<vmem>>
          %dma_wait3A_105 = arith.constant 0 : i32
          %dma_wait3A_106 = tpu.memref_slice %arg8[%add3A_83, %dma_wait3A_105] : memref<40x128xi32, #tpu.memory_space<vmem>> -> memref<1x128xi32, #tpu.memory_space<vmem>>
          %dma_wait3A_107 = tpu.memref_squeeze %dma_wait3A_106 : memref<1x128xi32, #tpu.memory_space<vmem>> -> memref<128xi32, #tpu.memory_space<vmem>>
          %dma_wait3A_108 = arith.constant 0 : i32
          %dma_wait3A_109 = arith.constant 0 : i32
          %dma_wait3A_110 = tpu.memref_slice %arg10[%dma_wait3A_108, %dma_wait3A_109] : memref<10240x128xf32, #tpu.memory_space<vmem_shared>> -> memref<10240x128xf32, #tpu.memory_space<vmem_shared>>
          tpu.wait_indirect_dma semaphore(%run_scoped3A_90 : memref<!tpu.dma_semaphore, #tpu.memory_space<semaphore_mem>>) src(%dma_wait3A_104 : memref<128x128xf32, #tpu.memory_space<vmem>>) dst(%dma_wait3A_110 : memref<10240x128xf32, #tpu.memory_space<vmem_shared>>)
          tpu.yield
        }) : () -> ()
        %lt3A_85 = arith.constant 19 : i32
        %lt3A_86 = arith.cmpi slt, %scan3A_52, %lt3A_85 : i32
        %convert_element_type3A_87 = arith.extui %lt3A_86 : i1 to i32
        %cond3A_88 = arith.constant 0 : i32
        %cond3A_89 = arith.cmpi ne, %convert_element_type3A_87, %cond3A_88 : i32
        scf.if %cond3A_89 {
          %mul3A_90 = arith.constant 2 : i32
          %mul3A_91 = arith.muli %mul3A_90, %scan3A_52 : i32
          %add3A_92 = arith.constant 3 : i32
          %add3A_93 = arith.addi %mul3A_91, %add3A_92 : i32
          %dma_start3A_94 = arith.constant 1 : i32
          %dma_start3A_95 = arith.constant 0 : i32
          %dma_start3A_96 = arith.constant 0 : i32
          %dma_start3A_97 = tpu.memref_slice %arg9[%dma_start3A_94, %dma_start3A_95, %dma_start3A_96] : memref<2x128x128xf32, #tpu.memory_space<vmem>> -> memref<1x128x128xf32, #tpu.memory_space<vmem>>
          %dma_start3A_98 = tpu.memref_squeeze %dma_start3A_97 : memref<1x128x128xf32, #tpu.memory_space<vmem>> -> memref<128x128xf32, #tpu.memory_space<vmem>>
          %dma_start3A_99 = arith.constant 0 : i32
          %dma_start3A_100 = tpu.memref_slice %arg7[%add3A_93, %dma_start3A_99] : memref<40x128xi32, #tpu.memory_space<vmem>> -> memref<1x128xi32, #tpu.memory_space<vmem>>
          %dma_start3A_101 = tpu.memref_squeeze %dma_start3A_100 : memref<1x128xi32, #tpu.memory_space<vmem>> -> memref<128xi32, #tpu.memory_space<vmem>>
          %dma_start3A_102 = arith.constant 0 : i32
          %dma_start3A_103 = arith.constant 0 : i32
          %dma_start3A_104 = tpu.memref_slice %arg2[%dma_start3A_102, %dma_start3A_103] : memref<10000x128xf32, #tpu.memory_space<hbm>> -> memref<10000x128xf32, #tpu.memory_space<hbm>>
          tpu.enqueue_indirect_dma source(%dma_start3A_104 : memref<10000x128xf32, #tpu.memory_space<hbm>>) target(%dma_start3A_98 : memref<128x128xf32, #tpu.memory_space<vmem>>) offsets(%dma_start3A_101 : memref<128xi32, #tpu.memory_space<vmem>>) semaphore(%arg12 : memref<!tpu.dma_semaphore, #tpu.memory_space<semaphore_mem>>)
        } else {
        }
      }
      %scan3A_51 = arith.constant 20 : i32
    }
    %while3A_17 = arith.constant 1 : i32
    scf.for %while3A_19 = %while3A_15 to %while3A_11 step %while3A_17  : i32 {
      %mul3A_20 = arith.constant 40 : i32
      %mul3A_21 = arith.muli %while3A_19, %mul3A_20 : i32
      %add3A_22 = arith.addi %select_n3A_6, %mul3A_21 : i32
      %multiple_of3A_23 = tpu.assume_multiple %add3A_22, 8 : i32
      "tpu.region"() ({
        %run_scoped3A = tpu.sem_alloc : memref<!tpu.dma_semaphore, #tpu.memory_space<semaphore_mem>>
        %dma_start3A_52 = arith.constant 0 : i32
        %dma_start3A_53 = tpu.memref_slice %arg3[%multiple_of3A_23, %dma_start3A_52] : memref<2560x128xi32, #tpu.memory_space<hbm>> -> memref<40x128xi32, #tpu.memory_space<hbm>>
        %dma_start3A_54 = arith.constant 0 : i32
        %dma_start3A_55 = tpu.memref_slice %arg3[%multiple_of3A_23, %dma_start3A_54] : memref<2560x128xi32, #tpu.memory_space<hbm>> -> memref<40x128xi32, #tpu.memory_space<hbm>>
        tpu.enqueue_dma source(%dma_start3A_55 : memref<40x128xi32, #tpu.memory_space<hbm>>) target(%arg7 : memref<40x128xi32, #tpu.memory_space<vmem>>) target_semaphore(%run_scoped3A : memref<!tpu.dma_semaphore, #tpu.memory_space<semaphore_mem>>)
        %dma_wait3A = arith.constant 0 : i32
        %dma_wait3A_56 = tpu.memref_slice %arg3[%multiple_of3A_23, %dma_wait3A] : memref<2560x128xi32, #tpu.memory_space<hbm>> -> memref<40x128xi32, #tpu.memory_space<hbm>>
        %dma_wait3A_57 = arith.constant 0 : i32
        %dma_wait3A_58 = tpu.memref_slice %arg3[%multiple_of3A_23, %dma_wait3A_57] : memref<2560x128xi32, #tpu.memory_space<hbm>> -> memref<40x128xi32, #tpu.memory_space<hbm>>
        tpu.wait_dma2 semaphore(%run_scoped3A : memref<!tpu.dma_semaphore, #tpu.memory_space<semaphore_mem>>) src(%dma_wait3A_58 : memref<40x128xi32, #tpu.memory_space<hbm>>) dst(%arg7 : memref<40x128xi32, #tpu.memory_space<vmem>>)
        tpu.yield
      }) : () -> ()
      "tpu.region"() ({
        %run_scoped3A = tpu.sem_alloc : memref<!tpu.dma_semaphore, #tpu.memory_space<semaphore_mem>>
        %dma_start3A_52 = arith.constant 0 : i32
        %dma_start3A_53 = tpu.memref_slice %arg4[%multiple_of3A_23, %dma_start3A_52] : memref<2560x128xi32, #tpu.memory_space<hbm>> -> memref<40x128xi32, #tpu.memory_space<hbm>>
        %dma_start3A_54 = arith.constant 0 : i32
        %dma_start3A_55 = tpu.memref_slice %arg4[%multiple_of3A_23, %dma_start3A_54] : memref<2560x128xi32, #tpu.memory_space<hbm>> -> memref<40x128xi32, #tpu.memory_space<hbm>>
        tpu.enqueue_dma source(%dma_start3A_55 : memref<40x128xi32, #tpu.memory_space<hbm>>) target(%arg8 : memref<40x128xi32, #tpu.memory_space<vmem>>) target_semaphore(%run_scoped3A : memref<!tpu.dma_semaphore, #tpu.memory_space<semaphore_mem>>)
        %dma_wait3A = arith.constant 0 : i32
        %dma_wait3A_56 = tpu.memref_slice %arg4[%multiple_of3A_23, %dma_wait3A] : memref<2560x128xi32, #tpu.memory_space<hbm>> -> memref<40x128xi32, #tpu.memory_space<hbm>>
        %dma_wait3A_57 = arith.constant 0 : i32
        %dma_wait3A_58 = tpu.memref_slice %arg4[%multiple_of3A_23, %dma_wait3A_57] : memref<2560x128xi32, #tpu.memory_space<hbm>> -> memref<40x128xi32, #tpu.memory_space<hbm>>
        tpu.wait_dma2 semaphore(%run_scoped3A : memref<!tpu.dma_semaphore, #tpu.memory_space<semaphore_mem>>) src(%dma_wait3A_58 : memref<40x128xi32, #tpu.memory_space<hbm>>) dst(%arg8 : memref<40x128xi32, #tpu.memory_space<vmem>>)
        tpu.yield
      }) : () -> ()
      %dma_start3A = arith.constant 0 : i32
      %dma_start3A_24 = arith.constant 0 : i32
      %dma_start3A_25 = arith.constant 0 : i32
      %dma_start3A_26 = arith.constant 0 : i32
      %dma_start3A_27 = tpu.memref_slice %arg9[%dma_start3A_24, %dma_start3A_25, %dma_start3A_26] : memref<2x128x128xf32, #tpu.memory_space<vmem>> -> memref<1x128x128xf32, #tpu.memory_space<vmem>>
      %dma_start3A_28 = tpu.memref_squeeze %dma_start3A_27 : memref<1x128x128xf32, #tpu.memory_space<vmem>> -> memref<128x128xf32, #tpu.memory_space<vmem>>
      %dma_start3A_29 = arith.constant 0 : i32
      %dma_start3A_30 = tpu.memref_slice %arg7[%dma_start3A, %dma_start3A_29] : memref<40x128xi32, #tpu.memory_space<vmem>> -> memref<1x128xi32, #tpu.memory_space<vmem>>
      %dma_start3A_31 = tpu.memref_squeeze %dma_start3A_30 : memref<1x128xi32, #tpu.memory_space<vmem>> -> memref<128xi32, #tpu.memory_space<vmem>>
      %dma_start3A_32 = arith.constant 0 : i32
      %dma_start3A_33 = arith.constant 0 : i32
      %dma_start3A_34 = tpu.memref_slice %arg2[%dma_start3A_32, %dma_start3A_33] : memref<10000x128xf32, #tpu.memory_space<hbm>> -> memref<10000x128xf32, #tpu.memory_space<hbm>>
      tpu.enqueue_indirect_dma source(%dma_start3A_34 : memref<10000x128xf32, #tpu.memory_space<hbm>>) target(%dma_start3A_28 : memref<128x128xf32, #tpu.memory_space<vmem>>) offsets(%dma_start3A_31 : memref<128xi32, #tpu.memory_space<vmem>>) semaphore(%arg11 : memref<!tpu.dma_semaphore, #tpu.memory_space<semaphore_mem>>)
      %dma_start3A_35 = arith.constant 1 : i32
      %dma_start3A_36 = arith.constant 1 : i32
      %dma_start3A_37 = arith.constant 0 : i32
      %dma_start3A_38 = arith.constant 0 : i32
      %dma_start3A_39 = tpu.memref_slice %arg9[%dma_start3A_36, %dma_start3A_37, %dma_start3A_38] : memref<2x128x128xf32, #tpu.memory_space<vmem>> -> memref<1x128x128xf32, #tpu.memory_space<vmem>>
      %dma_start3A_40 = tpu.memref_squeeze %dma_start3A_39 : memref<1x128x128xf32, #tpu.memory_space<vmem>> -> memref<128x128xf32, #tpu.memory_space<vmem>>
      %dma_start3A_41 = arith.constant 0 : i32
      %dma_start3A_42 = tpu.memref_slice %arg7[%dma_start3A_35, %dma_start3A_41] : memref<40x128xi32, #tpu.memory_space<vmem>> -> memref<1x128xi32, #tpu.memory_space<vmem>>
      %dma_start3A_43 = tpu.memref_squeeze %dma_start3A_42 : memref<1x128xi32, #tpu.memory_space<vmem>> -> memref<128xi32, #tpu.memory_space<vmem>>
      %dma_start3A_44 = arith.constant 0 : i32
      %dma_start3A_45 = arith.constant 0 : i32
      %dma_start3A_46 = tpu.memref_slice %arg2[%dma_start3A_44, %dma_start3A_45] : memref<10000x128xf32, #tpu.memory_space<hbm>> -> memref<10000x128xf32, #tpu.memory_space<hbm>>
      tpu.enqueue_indirect_dma source(%dma_start3A_46 : memref<10000x128xf32, #tpu.memory_space<hbm>>) target(%dma_start3A_40 : memref<128x128xf32, #tpu.memory_space<vmem>>) offsets(%dma_start3A_43 : memref<128xi32, #tpu.memory_space<vmem>>) semaphore(%arg12 : memref<!tpu.dma_semaphore, #tpu.memory_space<semaphore_mem>>)
      %scan3A = arith.constant 0 : i32
      %scan3A_47 = arith.constant 0 : i32
      %scan3A_48 = arith.constant 20 : i32
      %scan3A_49 = arith.addi %scan3A_47, %scan3A_48 : i32
      %scan3A_50 = arith.constant 1 : i32
      scf.for %scan3A_52 = %scan3A_47 to %scan3A_49 step %scan3A_50  : i32 {
        %dma_wait3A = arith.constant 0 : i32
        %dma_wait3A_53 = arith.constant 0 : i32
        %dma_wait3A_54 = arith.constant 0 : i32
        %dma_wait3A_55 = arith.constant 0 : i32
        %dma_wait3A_56 = tpu.memref_slice %arg9[%dma_wait3A_53, %dma_wait3A_54, %dma_wait3A_55] : memref<2x128x128xf32, #tpu.memory_space<vmem>> -> memref<1x128x128xf32, #tpu.memory_space<vmem>>
        %dma_wait3A_57 = tpu.memref_squeeze %dma_wait3A_56 : memref<1x128x128xf32, #tpu.memory_space<vmem>> -> memref<128x128xf32, #tpu.memory_space<vmem>>
        %dma_wait3A_58 = arith.constant 0 : i32
        %dma_wait3A_59 = tpu.memref_slice %arg7[%dma_wait3A, %dma_wait3A_58] : memref<40x128xi32, #tpu.memory_space<vmem>> -> memref<1x128xi32, #tpu.memory_space<vmem>>
        %dma_wait3A_60 = tpu.memref_squeeze %dma_wait3A_59 : memref<1x128xi32, #tpu.memory_space<vmem>> -> memref<128xi32, #tpu.memory_space<vmem>>
        %dma_wait3A_61 = arith.constant 0 : i32
        %dma_wait3A_62 = arith.constant 0 : i32
        %dma_wait3A_63 = tpu.memref_slice %arg2[%dma_wait3A_61, %dma_wait3A_62] : memref<10000x128xf32, #tpu.memory_space<hbm>> -> memref<10000x128xf32, #tpu.memory_space<hbm>>
        tpu.wait_indirect_dma semaphore(%arg11 : memref<!tpu.dma_semaphore, #tpu.memory_space<semaphore_mem>>) src(%dma_wait3A_63 : memref<10000x128xf32, #tpu.memory_space<hbm>>) dst(%dma_wait3A_57 : memref<128x128xf32, #tpu.memory_space<vmem>>)
        %mul3A_64 = arith.constant 2 : i32
        %mul3A_65 = arith.muli %mul3A_64, %scan3A_52 : i32
        %run_scoped3A = arith.constant 0 : i32
        "tpu.region"() ({
          %run_scoped3A_90 = tpu.sem_alloc : memref<!tpu.dma_semaphore, #tpu.memory_space<semaphore_mem>>
          %dma_start3A_91 = arith.constant 0 : i32
          %dma_start3A_92 = arith.constant 0 : i32
          %dma_start3A_93 = tpu.memref_slice %arg9[%run_scoped3A, %dma_start3A_91, %dma_start3A_92] : memref<2x128x128xf32, #tpu.memory_space<vmem>> -> memref<1x128x128xf32, #tpu.memory_space<vmem>>
          %dma_start3A_94 = tpu.memref_squeeze %dma_start3A_93 : memref<1x128x128xf32, #tpu.memory_space<vmem>> -> memref<128x128xf32, #tpu.memory_space<vmem>>
          %dma_start3A_95 = arith.constant 0 : i32
          %dma_start3A_96 = tpu.memref_slice %arg8[%mul3A_65, %dma_start3A_95] : memref<40x128xi32, #tpu.memory_space<vmem>> -> memref<1x128xi32, #tpu.memory_space<vmem>>
          %dma_start3A_97 = tpu.memref_squeeze %dma_start3A_96 : memref<1x128xi32, #tpu.memory_space<vmem>> -> memref<128xi32, #tpu.memory_space<vmem>>
          %dma_start3A_98 = arith.constant 0 : i32
          %dma_start3A_99 = arith.constant 0 : i32
          %dma_start3A_100 = tpu.memref_slice %arg10[%dma_start3A_98, %dma_start3A_99] : memref<10240x128xf32, #tpu.memory_space<vmem_shared>> -> memref<10240x128xf32, #tpu.memory_space<vmem_shared>>
          tpu.enqueue_indirect_dma source(%dma_start3A_94 : memref<128x128xf32, #tpu.memory_space<vmem>>) target(%dma_start3A_100 : memref<10240x128xf32, #tpu.memory_space<vmem_shared>>) offsets(%dma_start3A_97 : memref<128xi32, #tpu.memory_space<vmem>>) semaphore(%run_scoped3A_90 : memref<!tpu.dma_semaphore, #tpu.memory_space<semaphore_mem>>) {add = true}
          %dma_wait3A_101 = arith.constant 0 : i32
          %dma_wait3A_102 = arith.constant 0 : i32
          %dma_wait3A_103 = tpu.memref_slice %arg9[%run_scoped3A, %dma_wait3A_101, %dma_wait3A_102] : memref<2x128x128xf32, #tpu.memory_space<vmem>> -> memref<1x128x128xf32, #tpu.memory_space<vmem>>
          %dma_wait3A_104 = tpu.memref_squeeze %dma_wait3A_103 : memref<1x128x128xf32, #tpu.memory_space<vmem>> -> memref<128x128xf32, #tpu.memory_space<vmem>>
          %dma_wait3A_105 = arith.constant 0 : i32
          %dma_wait3A_106 = tpu.memref_slice %arg8[%mul3A_65, %dma_wait3A_105] : memref<40x128xi32, #tpu.memory_space<vmem>> -> memref<1x128xi32, #tpu.memory_space<vmem>>
          %dma_wait3A_107 = tpu.memref_squeeze %dma_wait3A_106 : memref<1x128xi32, #tpu.memory_space<vmem>> -> memref<128xi32, #tpu.memory_space<vmem>>
          %dma_wait3A_108 = arith.constant 0 : i32
          %dma_wait3A_109 = arith.constant 0 : i32
          %dma_wait3A_110 = tpu.memref_slice %arg10[%dma_wait3A_108, %dma_wait3A_109] : memref<10240x128xf32, #tpu.memory_space<vmem_shared>> -> memref<10240x128xf32, #tpu.memory_space<vmem_shared>>
          tpu.wait_indirect_dma semaphore(%run_scoped3A_90 : memref<!tpu.dma_semaphore, #tpu.memory_space<semaphore_mem>>) src(%dma_wait3A_104 : memref<128x128xf32, #tpu.memory_space<vmem>>) dst(%dma_wait3A_110 : memref<10240x128xf32, #tpu.memory_space<vmem_shared>>)
          tpu.yield
        }) : () -> ()
        %lt3A = arith.constant 19 : i32
        %lt3A_66 = arith.cmpi slt, %scan3A_52, %lt3A : i32
        %convert_element_type3A = arith.extui %lt3A_66 : i1 to i32
        %cond3A = arith.constant 0 : i32
        %cond3A_67 = arith.cmpi ne, %convert_element_type3A, %cond3A : i32
        scf.if %cond3A_67 {
          %mul3A_90 = arith.constant 2 : i32
          %mul3A_91 = arith.muli %mul3A_90, %scan3A_52 : i32
          %add3A_92 = arith.constant 2 : i32
          %add3A_93 = arith.addi %mul3A_91, %add3A_92 : i32
          %dma_start3A_94 = arith.constant 0 : i32
          %dma_start3A_95 = arith.constant 0 : i32
          %dma_start3A_96 = arith.constant 0 : i32
          %dma_start3A_97 = tpu.memref_slice %arg9[%dma_start3A_94, %dma_start3A_95, %dma_start3A_96] : memref<2x128x128xf32, #tpu.memory_space<vmem>> -> memref<1x128x128xf32, #tpu.memory_space<vmem>>
          %dma_start3A_98 = tpu.memref_squeeze %dma_start3A_97 : memref<1x128x128xf32, #tpu.memory_space<vmem>> -> memref<128x128xf32, #tpu.memory_space<vmem>>
          %dma_start3A_99 = arith.constant 0 : i32
          %dma_start3A_100 = tpu.memref_slice %arg7[%add3A_93, %dma_start3A_99] : memref<40x128xi32, #tpu.memory_space<vmem>> -> memref<1x128xi32, #tpu.memory_space<vmem>>
          %dma_start3A_101 = tpu.memref_squeeze %dma_start3A_100 : memref<1x128xi32, #tpu.memory_space<vmem>> -> memref<128xi32, #tpu.memory_space<vmem>>
          %dma_start3A_102 = arith.constant 0 : i32
          %dma_start3A_103 = arith.constant 0 : i32
          %dma_start3A_104 = tpu.memref_slice %arg2[%dma_start3A_102, %dma_start3A_103] : memref<10000x128xf32, #tpu.memory_space<hbm>> -> memref<10000x128xf32, #tpu.memory_space<hbm>>
          tpu.enqueue_indirect_dma source(%dma_start3A_104 : memref<10000x128xf32, #tpu.memory_space<hbm>>) target(%dma_start3A_98 : memref<128x128xf32, #tpu.memory_space<vmem>>) offsets(%dma_start3A_101 : memref<128xi32, #tpu.memory_space<vmem>>) semaphore(%arg11 : memref<!tpu.dma_semaphore, #tpu.memory_space<semaphore_mem>>)
        } else {
        }
        %dma_wait3A_68 = arith.constant 1 : i32
        %dma_wait3A_69 = arith.constant 1 : i32
        %dma_wait3A_70 = arith.constant 0 : i32
        %dma_wait3A_71 = arith.constant 0 : i32
        %dma_wait3A_72 = tpu.memref_slice %arg9[%dma_wait3A_69, %dma_wait3A_70, %dma_wait3A_71] : memref<2x128x128xf32, #tpu.memory_space<vmem>> -> memref<1x128x128xf32, #tpu.memory_space<vmem>>
        %dma_wait3A_73 = tpu.memref_squeeze %dma_wait3A_72 : memref<1x128x128xf32, #tpu.memory_space<vmem>> -> memref<128x128xf32, #tpu.memory_space<vmem>>
        %dma_wait3A_74 = arith.constant 0 : i32
        %dma_wait3A_75 = tpu.memref_slice %arg7[%dma_wait3A_68, %dma_wait3A_74] : memref<40x128xi32, #tpu.memory_space<vmem>> -> memref<1x128xi32, #tpu.memory_space<vmem>>
        %dma_wait3A_76 = tpu.memref_squeeze %dma_wait3A_75 : memref<1x128xi32, #tpu.memory_space<vmem>> -> memref<128xi32, #tpu.memory_space<vmem>>
        %dma_wait3A_77 = arith.constant 0 : i32
        %dma_wait3A_78 = arith.constant 0 : i32
        %dma_wait3A_79 = tpu.memref_slice %arg2[%dma_wait3A_77, %dma_wait3A_78] : memref<10000x128xf32, #tpu.memory_space<hbm>> -> memref<10000x128xf32, #tpu.memory_space<hbm>>
        tpu.wait_indirect_dma semaphore(%arg12 : memref<!tpu.dma_semaphore, #tpu.memory_space<semaphore_mem>>) src(%dma_wait3A_79 : memref<10000x128xf32, #tpu.memory_space<hbm>>) dst(%dma_wait3A_73 : memref<128x128xf32, #tpu.memory_space<vmem>>)
        %mul3A_80 = arith.constant 2 : i32
        %mul3A_81 = arith.muli %mul3A_80, %scan3A_52 : i32
        %add3A_82 = arith.constant 1 : i32
        %add3A_83 = arith.addi %mul3A_81, %add3A_82 : i32
        %run_scoped3A_84 = arith.constant 1 : i32
        "tpu.region"() ({
          %run_scoped3A_90 = tpu.sem_alloc : memref<!tpu.dma_semaphore, #tpu.memory_space<semaphore_mem>>
          %dma_start3A_91 = arith.constant 0 : i32
          %dma_start3A_92 = arith.constant 0 : i32
          %dma_start3A_93 = tpu.memref_slice %arg9[%run_scoped3A_84, %dma_start3A_91, %dma_start3A_92] : memref<2x128x128xf32, #tpu.memory_space<vmem>> -> memref<1x128x128xf32, #tpu.memory_space<vmem>>
          %dma_start3A_94 = tpu.memref_squeeze %dma_start3A_93 : memref<1x128x128xf32, #tpu.memory_space<vmem>> -> memref<128x128xf32, #tpu.memory_space<vmem>>
          %dma_start3A_95 = arith.constant 0 : i32
          %dma_start3A_96 = tpu.memref_slice %arg8[%add3A_83, %dma_start3A_95] : memref<40x128xi32, #tpu.memory_space<vmem>> -> memref<1x128xi32, #tpu.memory_space<vmem>>
          %dma_start3A_97 = tpu.memref_squeeze %dma_start3A_96 : memref<1x128xi32, #tpu.memory_space<vmem>> -> memref<128xi32, #tpu.memory_space<vmem>>
          %dma_start3A_98 = arith.constant 0 : i32
          %dma_start3A_99 = arith.constant 0 : i32
          %dma_start3A_100 = tpu.memref_slice %arg10[%dma_start3A_98, %dma_start3A_99] : memref<10240x128xf32, #tpu.memory_space<vmem_shared>> -> memref<10240x128xf32, #tpu.memory_space<vmem_shared>>
          tpu.enqueue_indirect_dma source(%dma_start3A_94 : memref<128x128xf32, #tpu.memory_space<vmem>>) target(%dma_start3A_100 : memref<10240x128xf32, #tpu.memory_space<vmem_shared>>) offsets(%dma_start3A_97 : memref<128xi32, #tpu.memory_space<vmem>>) semaphore(%run_scoped3A_90 : memref<!tpu.dma_semaphore, #tpu.memory_space<semaphore_mem>>) {add = true}
          %dma_wait3A_101 = arith.constant 0 : i32
          %dma_wait3A_102 = arith.constant 0 : i32
          %dma_wait3A_103 = tpu.memref_slice %arg9[%run_scoped3A_84, %dma_wait3A_101, %dma_wait3A_102] : memref<2x128x128xf32, #tpu.memory_space<vmem>> -> memref<1x128x128xf32, #tpu.memory_space<vmem>>
          %dma_wait3A_104 = tpu.memref_squeeze %dma_wait3A_103 : memref<1x128x128xf32, #tpu.memory_space<vmem>> -> memref<128x128xf32, #tpu.memory_space<vmem>>
          %dma_wait3A_105 = arith.constant 0 : i32
          %dma_wait3A_106 = tpu.memref_slice %arg8[%add3A_83, %dma_wait3A_105] : memref<40x128xi32, #tpu.memory_space<vmem>> -> memref<1x128xi32, #tpu.memory_space<vmem>>
          %dma_wait3A_107 = tpu.memref_squeeze %dma_wait3A_106 : memref<1x128xi32, #tpu.memory_space<vmem>> -> memref<128xi32, #tpu.memory_space<vmem>>
          %dma_wait3A_108 = arith.constant 0 : i32
          %dma_wait3A_109 = arith.constant 0 : i32
          %dma_wait3A_110 = tpu.memref_slice %arg10[%dma_wait3A_108, %dma_wait3A_109] : memref<10240x128xf32, #tpu.memory_space<vmem_shared>> -> memref<10240x128xf32, #tpu.memory_space<vmem_shared>>
          tpu.wait_indirect_dma semaphore(%run_scoped3A_90 : memref<!tpu.dma_semaphore, #tpu.memory_space<semaphore_mem>>) src(%dma_wait3A_104 : memref<128x128xf32, #tpu.memory_space<vmem>>) dst(%dma_wait3A_110 : memref<10240x128xf32, #tpu.memory_space<vmem_shared>>)
          tpu.yield
        }) : () -> ()
        %lt3A_85 = arith.constant 19 : i32
        %lt3A_86 = arith.cmpi slt, %scan3A_52, %lt3A_85 : i32
        %convert_element_type3A_87 = arith.extui %lt3A_86 : i1 to i32
        %cond3A_88 = arith.constant 0 : i32
        %cond3A_89 = arith.cmpi ne, %convert_element_type3A_87, %cond3A_88 : i32
        scf.if %cond3A_89 {
          %mul3A_90 = arith.constant 2 : i32
          %mul3A_91 = arith.muli %mul3A_90, %scan3A_52 : i32
          %add3A_92 = arith.constant 3 : i32
          %add3A_93 = arith.addi %mul3A_91, %add3A_92 : i32
          %dma_start3A_94 = arith.constant 1 : i32
          %dma_start3A_95 = arith.constant 0 : i32
          %dma_start3A_96 = arith.constant 0 : i32
          %dma_start3A_97 = tpu.memref_slice %arg9[%dma_start3A_94, %dma_start3A_95, %dma_start3A_96] : memref<2x128x128xf32, #tpu.memory_space<vmem>> -> memref<1x128x128xf32, #tpu.memory_space<vmem>>
          %dma_start3A_98 = tpu.memref_squeeze %dma_start3A_97 : memref<1x128x128xf32, #tpu.memory_space<vmem>> -> memref<128x128xf32, #tpu.memory_space<vmem>>
          %dma_start3A_99 = arith.constant 0 : i32
          %dma_start3A_100 = tpu.memref_slice %arg7[%add3A_93, %dma_start3A_99] : memref<40x128xi32, #tpu.memory_space<vmem>> -> memref<1x128xi32, #tpu.memory_space<vmem>>
          %dma_start3A_101 = tpu.memref_squeeze %dma_start3A_100 : memref<1x128xi32, #tpu.memory_space<vmem>> -> memref<128xi32, #tpu.memory_space<vmem>>
          %dma_start3A_102 = arith.constant 0 : i32
          %dma_start3A_103 = arith.constant 0 : i32
          %dma_start3A_104 = tpu.memref_slice %arg2[%dma_start3A_102, %dma_start3A_103] : memref<10000x128xf32, #tpu.memory_space<hbm>> -> memref<10000x128xf32, #tpu.memory_space<hbm>>
          tpu.enqueue_indirect_dma source(%dma_start3A_104 : memref<10000x128xf32, #tpu.memory_space<hbm>>) target(%dma_start3A_98 : memref<128x128xf32, #tpu.memory_space<vmem>>) offsets(%dma_start3A_101 : memref<128xi32, #tpu.memory_space<vmem>>) semaphore(%arg12 : memref<!tpu.dma_semaphore, #tpu.memory_space<semaphore_mem>>)
        } else {
        }
      }
      %scan3A_51 = arith.constant 20 : i32
    }
    %barrier3A_18 = arith.constant 0 : index
    tpu.barrier barrier_id(%barrier3A_18)
    "tpu.region"() ({
      %run_scoped3A = tpu.sem_alloc : memref<!tpu.dma_semaphore, #tpu.memory_space<semaphore_mem>>
      %dma_start3A = arith.constant 0 : i32
      %dma_start3A_19 = tpu.memref_slice %arg6[%arg0, %multiple_of3A, %dma_start3A] : memref<2x10240x128xf32, #tpu.memory_space<hbm>> -> memref<1x640x128xf32, #tpu.memory_space<hbm>>
      %dma_start3A_20 = tpu.memref_squeeze %dma_start3A_19 : memref<1x640x128xf32, #tpu.memory_space<hbm>> -> memref<640x128xf32, #tpu.memory_space<hbm>>
      %dma_start3A_21 = arith.constant 0 : i32
      %dma_start3A_22 = tpu.memref_slice %arg10[%multiple_of3A, %dma_start3A_21] : memref<10240x128xf32, #tpu.memory_space<vmem_shared>> -> memref<640x128xf32, #tpu.memory_space<vmem_shared>>
      tpu.enqueue_dma source(%dma_start3A_22 : memref<640x128xf32, #tpu.memory_space<vmem_shared>>) target(%dma_start3A_20 : memref<640x128xf32, #tpu.memory_space<hbm>>) target_semaphore(%run_scoped3A : memref<!tpu.dma_semaphore, #tpu.memory_space<semaphore_mem>>)
      %dma_wait3A = arith.constant 0 : i32
      %dma_wait3A_23 = tpu.memref_slice %arg6[%arg0, %multiple_of3A, %dma_wait3A] : memref<2x10240x128xf32, #tpu.memory_space<hbm>> -> memref<1x640x128xf32, #tpu.memory_space<hbm>>
      %dma_wait3A_24 = tpu.memref_squeeze %dma_wait3A_23 : memref<1x640x128xf32, #tpu.memory_space<hbm>> -> memref<640x128xf32, #tpu.memory_space<hbm>>
      %dma_wait3A_25 = arith.constant 0 : i32
      %dma_wait3A_26 = tpu.memref_slice %arg10[%multiple_of3A, %dma_wait3A_25] : memref<10240x128xf32, #tpu.memory_space<vmem_shared>> -> memref<640x128xf32, #tpu.memory_space<vmem_shared>>
      tpu.wait_dma2 semaphore(%run_scoped3A : memref<!tpu.dma_semaphore, #tpu.memory_space<semaphore_mem>>) src(%dma_wait3A_26 : memref<640x128xf32, #tpu.memory_space<vmem_shared>>) dst(%dma_wait3A_24 : memref<640x128xf32, #tpu.memory_space<hbm>>)
      tpu.yield
    }) : () -> ()
    return
  }
}

#map = affine_map<(d0, d1) -> (0, 0)>
#map1 = affine_map<(d0, d1) -> (0, 0, 0)>
module attributes {stable_mosaic.version = 14 : i64} {
  func.func @body(%arg0: i32, %arg1: i32, %arg2: memref<10000x128xf32, #tpu.memory_space<hbm>>, %arg3: memref<2560x128xi32, #tpu.memory_space<hbm>>, %arg4: memref<2560x128xi32, #tpu.memory_space<hbm>>, %arg5: memref<640x128xf32, #tpu.memory_space<hbm>>, %arg6: memref<2x10240x128xf32, #tpu.memory_space<hbm>>, %arg7: memref<40x128xi32, #tpu.memory_space<vmem>>, %arg8: memref<40x128xi32, #tpu.memory_space<vmem>>, %arg9: memref<2x128x128xf32, #tpu.memory_space<vmem>>, %arg10: memref<10240x128xf32, #tpu.memory_space<vmem_shared>>, %arg11: memref<!tpu.dma_semaphore, #tpu.memory_space<semaphore_mem>>, %arg12: memref<!tpu.dma_semaphore, #tpu.memory_space<semaphore_mem>>) attributes {dimension_semantics = [#tpu.dimension_semantics<core_parallel>, #tpu.dimension_semantics<subcore_parallel>], iteration_bounds = array<i64: 2, 16>, scalar_prefetch = 0 : i64, scratch_operands = 6 : i64, tpu.core_type = #tpu.core_type<sc_vector_subcore>, window_params = [{transform_indices = #map}, {transform_indices = #map}, {transform_indices = #map}, {transform_indices = #map}, {transform_indices = #map1}]} {
    %eq3A = arith.constant 0 : i32
    %eq3A_0 = arith.cmpi eq, %arg0, %eq3A : i32
    %jit3A = arith.constant 1 : i32
    %jit3A_1 = arith.constant 3 : i32
    %select_n3A = arith.select %eq3A_0, %jit3A, %jit3A_1 : i32
    %mul3A = arith.constant 40 : i32
    %mul3A_2 = arith.muli %arg1, %mul3A : i32
    %add3A = arith.constant 1920 : i32
    %add3A_3 = arith.addi %add3A, %mul3A_2 : i32
    %mul3A_4 = arith.constant 120 : i32
    %mul3A_5 = arith.muli %arg1, %mul3A_4 : i32
    %select_n3A_6 = arith.select %eq3A_0, %add3A_3, %mul3A_5 : i32
    %mul3A_7 = arith.constant 640 : i32
    %mul3A_8 = arith.muli %arg1, %mul3A_7 : i32
    %multiple_of3A = tpu.assume_multiple %mul3A_8, 8 : i32
    "tpu.region"() ({
      %run_scoped3A = tpu.sem_alloc : memref<!tpu.dma_semaphore, #tpu.memory_space<semaphore_mem>>
      %dma_start3A = arith.constant 0 : i32
      %dma_start3A_19 = tpu.memref_slice %arg10[%multiple_of3A, %dma_start3A] : memref<10240x128xf32, #tpu.memory_space<vmem_shared>> -> memref<640x128xf32, #tpu.memory_space<vmem_shared>>
      tpu.enqueue_dma source(%arg5 : memref<640x128xf32, #tpu.memory_space<hbm>>) target(%dma_start3A_19 : memref<640x128xf32, #tpu.memory_space<vmem_shared>>) target_semaphore(%run_scoped3A : memref<!tpu.dma_semaphore, #tpu.memory_space<semaphore_mem>>)
      %dma_wait3A = arith.constant 0 : i32
      %dma_wait3A_20 = tpu.memref_slice %arg10[%multiple_of3A, %dma_wait3A] : memref<10240x128xf32, #tpu.memory_space<vmem_shared>> -> memref<640x128xf32, #tpu.memory_space<vmem_shared>>
      tpu.wait_dma2 semaphore(%run_scoped3A : memref<!tpu.dma_semaphore, #tpu.memory_space<semaphore_mem>>) src(%arg5 : memref<640x128xf32, #tpu.memory_space<hbm>>) dst(%dma_wait3A_20 : memref<640x128xf32, #tpu.memory_space<vmem_shared>>)
      tpu.yield
    }) : () -> ()
    %barrier3A = arith.constant 0 : index
    tpu.barrier barrier_id(%barrier3A)
    %while3A = arith.constant 0 : i32
    %while3A_9 = arith.constant 0 : i32
    %while3A_10 = arith.subi %select_n3A, %while3A_9 : i32
    %while3A_11 = arith.addi %while3A_9, %while3A_10 : i32
    %while3A_12 = arith.constant 1 : i32
    %while3A_13 = arith.divsi %while3A_10, %while3A_12 : i32
    %while3A_14 = arith.muli %while3A_13, %while3A_12 : i32
    %while3A_15 = arith.addi %while3A_9, %while3A_14 : i32
    %while3A_16 = arith.constant 1 : i32
    scf.for %while3A_19 = %while3A_9 to %while3A_15 step %while3A_16  : i32 {
      %mul3A_20 = arith.constant 40 : i32
      %mul3A_21 = arith.muli %while3A_19, %mul3A_20 : i32
      %add3A_22 = arith.addi %select_n3A_6, %mul3A_21 : i32
      %multiple_of3A_23 = tpu.assume_multiple %add3A_22, 8 : i32
      "tpu.region"() ({
        %run_scoped3A = tpu.sem_alloc : memref<!tpu.dma_semaphore, #tpu.memory_space<semaphore_mem>>
        %dma_start3A_52 = arith.constant 0 : i32
        %dma_start3A_53 = tpu.memref_slice %arg3[%multiple_of3A_23, %dma_start3A_52] : memref<2560x128xi32, #tpu.memory_space<hbm>> -> memref<40x128xi32, #tpu.memory_space<hbm>>
        %dma_start3A_54 = arith.constant 0 : i32
        %dma_start3A_55 = tpu.memref_slice %arg3[%multiple_of3A_23, %dma_start3A_54] : memref<2560x128xi32, #tpu.memory_space<hbm>> -> memref<40x128xi32, #tpu.memory_space<hbm>>
        tpu.enqueue_dma source(%dma_start3A_55 : memref<40x128xi32, #tpu.memory_space<hbm>>) target(%arg7 : memref<40x128xi32, #tpu.memory_space<vmem>>) target_semaphore(%run_scoped3A : memref<!tpu.dma_semaphore, #tpu.memory_space<semaphore_mem>>)
        %dma_wait3A = arith.constant 0 : i32
        %dma_wait3A_56 = tpu.memref_slice %arg3[%multiple_of3A_23, %dma_wait3A] : memref<2560x128xi32, #tpu.memory_space<hbm>> -> memref<40x128xi32, #tpu.memory_space<hbm>>
        %dma_wait3A_57 = arith.constant 0 : i32
        %dma_wait3A_58 = tpu.memref_slice %arg3[%multiple_of3A_23, %dma_wait3A_57] : memref<2560x128xi32, #tpu.memory_space<hbm>> -> memref<40x128xi32, #tpu.memory_space<hbm>>
        tpu.wait_dma2 semaphore(%run_scoped3A : memref<!tpu.dma_semaphore, #tpu.memory_space<semaphore_mem>>) src(%dma_wait3A_58 : memref<40x128xi32, #tpu.memory_space<hbm>>) dst(%arg7 : memref<40x128xi32, #tpu.memory_space<vmem>>)
        tpu.yield
      }) : () -> ()
      "tpu.region"() ({
        %run_scoped3A = tpu.sem_alloc : memref<!tpu.dma_semaphore, #tpu.memory_space<semaphore_mem>>
        %dma_start3A_52 = arith.constant 0 : i32
        %dma_start3A_53 = tpu.memref_slice %arg4[%multiple_of3A_23, %dma_start3A_52] : memref<2560x128xi32, #tpu.memory_space<hbm>> -> memref<40x128xi32, #tpu.memory_space<hbm>>
        %dma_start3A_54 = arith.constant 0 : i32
        %dma_start3A_55 = tpu.memref_slice %arg4[%multiple_of3A_23, %dma_start3A_54] : memref<2560x128xi32, #tpu.memory_space<hbm>> -> memref<40x128xi32, #tpu.memory_space<hbm>>
        tpu.enqueue_dma source(%dma_start3A_55 : memref<40x128xi32, #tpu.memory_space<hbm>>) target(%arg8 : memref<40x128xi32, #tpu.memory_space<vmem>>) target_semaphore(%run_scoped3A : memref<!tpu.dma_semaphore, #tpu.memory_space<semaphore_mem>>)
        %dma_wait3A = arith.constant 0 : i32
        %dma_wait3A_56 = tpu.memref_slice %arg4[%multiple_of3A_23, %dma_wait3A] : memref<2560x128xi32, #tpu.memory_space<hbm>> -> memref<40x128xi32, #tpu.memory_space<hbm>>
        %dma_wait3A_57 = arith.constant 0 : i32
        %dma_wait3A_58 = tpu.memref_slice %arg4[%multiple_of3A_23, %dma_wait3A_57] : memref<2560x128xi32, #tpu.memory_space<hbm>> -> memref<40x128xi32, #tpu.memory_space<hbm>>
        tpu.wait_dma2 semaphore(%run_scoped3A : memref<!tpu.dma_semaphore, #tpu.memory_space<semaphore_mem>>) src(%dma_wait3A_58 : memref<40x128xi32, #tpu.memory_space<hbm>>) dst(%arg8 : memref<40x128xi32, #tpu.memory_space<vmem>>)
        tpu.yield
      }) : () -> ()
      %dma_start3A = arith.constant 0 : i32
      %dma_start3A_24 = arith.constant 0 : i32
      %dma_start3A_25 = arith.constant 0 : i32
      %dma_start3A_26 = arith.constant 0 : i32
      %dma_start3A_27 = tpu.memref_slice %arg9[%dma_start3A_24, %dma_start3A_25, %dma_start3A_26] : memref<2x128x128xf32, #tpu.memory_space<vmem>> -> memref<1x128x128xf32, #tpu.memory_space<vmem>>
      %dma_start3A_28 = tpu.memref_squeeze %dma_start3A_27 : memref<1x128x128xf32, #tpu.memory_space<vmem>> -> memref<128x128xf32, #tpu.memory_space<vmem>>
      %dma_start3A_29 = arith.constant 0 : i32
      %dma_start3A_30 = tpu.memref_slice %arg7[%dma_start3A, %dma_start3A_29] : memref<40x128xi32, #tpu.memory_space<vmem>> -> memref<1x128xi32, #tpu.memory_space<vmem>>
      %dma_start3A_31 = tpu.memref_squeeze %dma_start3A_30 : memref<1x128xi32, #tpu.memory_space<vmem>> -> memref<128xi32, #tpu.memory_space<vmem>>
      %dma_start3A_32 = arith.constant 0 : i32
      %dma_start3A_33 = arith.constant 0 : i32
      %dma_start3A_34 = tpu.memref_slice %arg2[%dma_start3A_32, %dma_start3A_33] : memref<10000x128xf32, #tpu.memory_space<hbm>> -> memref<10000x128xf32, #tpu.memory_space<hbm>>
      tpu.enqueue_indirect_dma source(%dma_start3A_34 : memref<10000x128xf32, #tpu.memory_space<hbm>>) target(%dma_start3A_28 : memref<128x128xf32, #tpu.memory_space<vmem>>) offsets(%dma_start3A_31 : memref<128xi32, #tpu.memory_space<vmem>>) semaphore(%arg11 : memref<!tpu.dma_semaphore, #tpu.memory_space<semaphore_mem>>)
      %dma_start3A_35 = arith.constant 1 : i32
      %dma_start3A_36 = arith.constant 1 : i32
      %dma_start3A_37 = arith.constant 0 : i32
      %dma_start3A_38 = arith.constant 0 : i32
      %dma_start3A_39 = tpu.memref_slice %arg9[%dma_start3A_36, %dma_start3A_37, %dma_start3A_38] : memref<2x128x128xf32, #tpu.memory_space<vmem>> -> memref<1x128x128xf32, #tpu.memory_space<vmem>>
      %dma_start3A_40 = tpu.memref_squeeze %dma_start3A_39 : memref<1x128x128xf32, #tpu.memory_space<vmem>> -> memref<128x128xf32, #tpu.memory_space<vmem>>
      %dma_start3A_41 = arith.constant 0 : i32
      %dma_start3A_42 = tpu.memref_slice %arg7[%dma_start3A_35, %dma_start3A_41] : memref<40x128xi32, #tpu.memory_space<vmem>> -> memref<1x128xi32, #tpu.memory_space<vmem>>
      %dma_start3A_43 = tpu.memref_squeeze %dma_start3A_42 : memref<1x128xi32, #tpu.memory_space<vmem>> -> memref<128xi32, #tpu.memory_space<vmem>>
      %dma_start3A_44 = arith.constant 0 : i32
      %dma_start3A_45 = arith.constant 0 : i32
      %dma_start3A_46 = tpu.memref_slice %arg2[%dma_start3A_44, %dma_start3A_45] : memref<10000x128xf32, #tpu.memory_space<hbm>> -> memref<10000x128xf32, #tpu.memory_space<hbm>>
      tpu.enqueue_indirect_dma source(%dma_start3A_46 : memref<10000x128xf32, #tpu.memory_space<hbm>>) target(%dma_start3A_40 : memref<128x128xf32, #tpu.memory_space<vmem>>) offsets(%dma_start3A_43 : memref<128xi32, #tpu.memory_space<vmem>>) semaphore(%arg12 : memref<!tpu.dma_semaphore, #tpu.memory_space<semaphore_mem>>)
      %scan3A = arith.constant 0 : i32
      %scan3A_47 = arith.constant 0 : i32
      %scan3A_48 = arith.constant 20 : i32
      %scan3A_49 = arith.addi %scan3A_47, %scan3A_48 : i32
      %scan3A_50 = arith.constant 1 : i32
      scf.for %scan3A_52 = %scan3A_47 to %scan3A_49 step %scan3A_50  : i32 {
        %dma_wait3A = arith.constant 0 : i32
        %dma_wait3A_53 = arith.constant 0 : i32
        %dma_wait3A_54 = arith.constant 0 : i32
        %dma_wait3A_55 = arith.constant 0 : i32
        %dma_wait3A_56 = tpu.memref_slice %arg9[%dma_wait3A_53, %dma_wait3A_54, %dma_wait3A_55] : memref<2x128x128xf32, #tpu.memory_space<vmem>> -> memref<1x128x128xf32, #tpu.memory_space<vmem>>
        %dma_wait3A_57 = tpu.memref_squeeze %dma_wait3A_56 : memref<1x128x128xf32, #tpu.memory_space<vmem>> -> memref<128x128xf32, #tpu.memory_space<vmem>>
        %dma_wait3A_58 = arith.constant 0 : i32
        %dma_wait3A_59 = tpu.memref_slice %arg7[%dma_wait3A, %dma_wait3A_58] : memref<40x128xi32, #tpu.memory_space<vmem>> -> memref<1x128xi32, #tpu.memory_space<vmem>>
        %dma_wait3A_60 = tpu.memref_squeeze %dma_wait3A_59 : memref<1x128xi32, #tpu.memory_space<vmem>> -> memref<128xi32, #tpu.memory_space<vmem>>
        %dma_wait3A_61 = arith.constant 0 : i32
        %dma_wait3A_62 = arith.constant 0 : i32
        %dma_wait3A_63 = tpu.memref_slice %arg2[%dma_wait3A_61, %dma_wait3A_62] : memref<10000x128xf32, #tpu.memory_space<hbm>> -> memref<10000x128xf32, #tpu.memory_space<hbm>>
        tpu.wait_indirect_dma semaphore(%arg11 : memref<!tpu.dma_semaphore, #tpu.memory_space<semaphore_mem>>) src(%dma_wait3A_63 : memref<10000x128xf32, #tpu.memory_space<hbm>>) dst(%dma_wait3A_57 : memref<128x128xf32, #tpu.memory_space<vmem>>)
        %mul3A_64 = arith.constant 2 : i32
        %mul3A_65 = arith.muli %mul3A_64, %scan3A_52 : i32
        %run_scoped3A = arith.constant 0 : i32
        "tpu.region"() ({
          %run_scoped3A_90 = tpu.sem_alloc : memref<!tpu.dma_semaphore, #tpu.memory_space<semaphore_mem>>
          %dma_start3A_91 = arith.constant 0 : i32
          %dma_start3A_92 = arith.constant 0 : i32
          %dma_start3A_93 = tpu.memref_slice %arg9[%run_scoped3A, %dma_start3A_91, %dma_start3A_92] : memref<2x128x128xf32, #tpu.memory_space<vmem>> -> memref<1x128x128xf32, #tpu.memory_space<vmem>>
          %dma_start3A_94 = tpu.memref_squeeze %dma_start3A_93 : memref<1x128x128xf32, #tpu.memory_space<vmem>> -> memref<128x128xf32, #tpu.memory_space<vmem>>
          %dma_start3A_95 = arith.constant 0 : i32
          %dma_start3A_96 = tpu.memref_slice %arg8[%mul3A_65, %dma_start3A_95] : memref<40x128xi32, #tpu.memory_space<vmem>> -> memref<1x128xi32, #tpu.memory_space<vmem>>
          %dma_start3A_97 = tpu.memref_squeeze %dma_start3A_96 : memref<1x128xi32, #tpu.memory_space<vmem>> -> memref<128xi32, #tpu.memory_space<vmem>>
          %dma_start3A_98 = arith.constant 0 : i32
          %dma_start3A_99 = arith.constant 0 : i32
          %dma_start3A_100 = tpu.memref_slice %arg10[%dma_start3A_98, %dma_start3A_99] : memref<10240x128xf32, #tpu.memory_space<vmem_shared>> -> memref<10240x128xf32, #tpu.memory_space<vmem_shared>>
          tpu.enqueue_indirect_dma source(%dma_start3A_94 : memref<128x128xf32, #tpu.memory_space<vmem>>) target(%dma_start3A_100 : memref<10240x128xf32, #tpu.memory_space<vmem_shared>>) offsets(%dma_start3A_97 : memref<128xi32, #tpu.memory_space<vmem>>) semaphore(%run_scoped3A_90 : memref<!tpu.dma_semaphore, #tpu.memory_space<semaphore_mem>>) {add = true}
          %dma_wait3A_101 = arith.constant 0 : i32
          %dma_wait3A_102 = arith.constant 0 : i32
          %dma_wait3A_103 = tpu.memref_slice %arg9[%run_scoped3A, %dma_wait3A_101, %dma_wait3A_102] : memref<2x128x128xf32, #tpu.memory_space<vmem>> -> memref<1x128x128xf32, #tpu.memory_space<vmem>>
          %dma_wait3A_104 = tpu.memref_squeeze %dma_wait3A_103 : memref<1x128x128xf32, #tpu.memory_space<vmem>> -> memref<128x128xf32, #tpu.memory_space<vmem>>
          %dma_wait3A_105 = arith.constant 0 : i32
          %dma_wait3A_106 = tpu.memref_slice %arg8[%mul3A_65, %dma_wait3A_105] : memref<40x128xi32, #tpu.memory_space<vmem>> -> memref<1x128xi32, #tpu.memory_space<vmem>>
          %dma_wait3A_107 = tpu.memref_squeeze %dma_wait3A_106 : memref<1x128xi32, #tpu.memory_space<vmem>> -> memref<128xi32, #tpu.memory_space<vmem>>
          %dma_wait3A_108 = arith.constant 0 : i32
          %dma_wait3A_109 = arith.constant 0 : i32
          %dma_wait3A_110 = tpu.memref_slice %arg10[%dma_wait3A_108, %dma_wait3A_109] : memref<10240x128xf32, #tpu.memory_space<vmem_shared>> -> memref<10240x128xf32, #tpu.memory_space<vmem_shared>>
          tpu.wait_indirect_dma semaphore(%run_scoped3A_90 : memref<!tpu.dma_semaphore, #tpu.memory_space<semaphore_mem>>) src(%dma_wait3A_104 : memref<128x128xf32, #tpu.memory_space<vmem>>) dst(%dma_wait3A_110 : memref<10240x128xf32, #tpu.memory_space<vmem_shared>>)
          tpu.yield
        }) : () -> ()
        %lt3A = arith.constant 19 : i32
        %lt3A_66 = arith.cmpi slt, %scan3A_52, %lt3A : i32
        %convert_element_type3A = arith.extui %lt3A_66 : i1 to i32
        %cond3A = arith.constant 0 : i32
        %cond3A_67 = arith.cmpi ne, %convert_element_type3A, %cond3A : i32
        scf.if %cond3A_67 {
          %mul3A_90 = arith.constant 2 : i32
          %mul3A_91 = arith.muli %mul3A_90, %scan3A_52 : i32
          %add3A_92 = arith.constant 2 : i32
          %add3A_93 = arith.addi %mul3A_91, %add3A_92 : i32
          %dma_start3A_94 = arith.constant 0 : i32
          %dma_start3A_95 = arith.constant 0 : i32
          %dma_start3A_96 = arith.constant 0 : i32
          %dma_start3A_97 = tpu.memref_slice %arg9[%dma_start3A_94, %dma_start3A_95, %dma_start3A_96] : memref<2x128x128xf32, #tpu.memory_space<vmem>> -> memref<1x128x128xf32, #tpu.memory_space<vmem>>
          %dma_start3A_98 = tpu.memref_squeeze %dma_start3A_97 : memref<1x128x128xf32, #tpu.memory_space<vmem>> -> memref<128x128xf32, #tpu.memory_space<vmem>>
          %dma_start3A_99 = arith.constant 0 : i32
          %dma_start3A_100 = tpu.memref_slice %arg7[%add3A_93, %dma_start3A_99] : memref<40x128xi32, #tpu.memory_space<vmem>> -> memref<1x128xi32, #tpu.memory_space<vmem>>
          %dma_start3A_101 = tpu.memref_squeeze %dma_start3A_100 : memref<1x128xi32, #tpu.memory_space<vmem>> -> memref<128xi32, #tpu.memory_space<vmem>>
          %dma_start3A_102 = arith.constant 0 : i32
          %dma_start3A_103 = arith.constant 0 : i32
          %dma_start3A_104 = tpu.memref_slice %arg2[%dma_start3A_102, %dma_start3A_103] : memref<10000x128xf32, #tpu.memory_space<hbm>> -> memref<10000x128xf32, #tpu.memory_space<hbm>>
          tpu.enqueue_indirect_dma source(%dma_start3A_104 : memref<10000x128xf32, #tpu.memory_space<hbm>>) target(%dma_start3A_98 : memref<128x128xf32, #tpu.memory_space<vmem>>) offsets(%dma_start3A_101 : memref<128xi32, #tpu.memory_space<vmem>>) semaphore(%arg11 : memref<!tpu.dma_semaphore, #tpu.memory_space<semaphore_mem>>)
        } else {
        }
        %dma_wait3A_68 = arith.constant 1 : i32
        %dma_wait3A_69 = arith.constant 1 : i32
        %dma_wait3A_70 = arith.constant 0 : i32
        %dma_wait3A_71 = arith.constant 0 : i32
        %dma_wait3A_72 = tpu.memref_slice %arg9[%dma_wait3A_69, %dma_wait3A_70, %dma_wait3A_71] : memref<2x128x128xf32, #tpu.memory_space<vmem>> -> memref<1x128x128xf32, #tpu.memory_space<vmem>>
        %dma_wait3A_73 = tpu.memref_squeeze %dma_wait3A_72 : memref<1x128x128xf32, #tpu.memory_space<vmem>> -> memref<128x128xf32, #tpu.memory_space<vmem>>
        %dma_wait3A_74 = arith.constant 0 : i32
        %dma_wait3A_75 = tpu.memref_slice %arg7[%dma_wait3A_68, %dma_wait3A_74] : memref<40x128xi32, #tpu.memory_space<vmem>> -> memref<1x128xi32, #tpu.memory_space<vmem>>
        %dma_wait3A_76 = tpu.memref_squeeze %dma_wait3A_75 : memref<1x128xi32, #tpu.memory_space<vmem>> -> memref<128xi32, #tpu.memory_space<vmem>>
        %dma_wait3A_77 = arith.constant 0 : i32
        %dma_wait3A_78 = arith.constant 0 : i32
        %dma_wait3A_79 = tpu.memref_slice %arg2[%dma_wait3A_77, %dma_wait3A_78] : memref<10000x128xf32, #tpu.memory_space<hbm>> -> memref<10000x128xf32, #tpu.memory_space<hbm>>
        tpu.wait_indirect_dma semaphore(%arg12 : memref<!tpu.dma_semaphore, #tpu.memory_space<semaphore_mem>>) src(%dma_wait3A_79 : memref<10000x128xf32, #tpu.memory_space<hbm>>) dst(%dma_wait3A_73 : memref<128x128xf32, #tpu.memory_space<vmem>>)
        %mul3A_80 = arith.constant 2 : i32
        %mul3A_81 = arith.muli %mul3A_80, %scan3A_52 : i32
        %add3A_82 = arith.constant 1 : i32
        %add3A_83 = arith.addi %mul3A_81, %add3A_82 : i32
        %run_scoped3A_84 = arith.constant 1 : i32
        "tpu.region"() ({
          %run_scoped3A_90 = tpu.sem_alloc : memref<!tpu.dma_semaphore, #tpu.memory_space<semaphore_mem>>
          %dma_start3A_91 = arith.constant 0 : i32
          %dma_start3A_92 = arith.constant 0 : i32
          %dma_start3A_93 = tpu.memref_slice %arg9[%run_scoped3A_84, %dma_start3A_91, %dma_start3A_92] : memref<2x128x128xf32, #tpu.memory_space<vmem>> -> memref<1x128x128xf32, #tpu.memory_space<vmem>>
          %dma_start3A_94 = tpu.memref_squeeze %dma_start3A_93 : memref<1x128x128xf32, #tpu.memory_space<vmem>> -> memref<128x128xf32, #tpu.memory_space<vmem>>
          %dma_start3A_95 = arith.constant 0 : i32
          %dma_start3A_96 = tpu.memref_slice %arg8[%add3A_83, %dma_start3A_95] : memref<40x128xi32, #tpu.memory_space<vmem>> -> memref<1x128xi32, #tpu.memory_space<vmem>>
          %dma_start3A_97 = tpu.memref_squeeze %dma_start3A_96 : memref<1x128xi32, #tpu.memory_space<vmem>> -> memref<128xi32, #tpu.memory_space<vmem>>
          %dma_start3A_98 = arith.constant 0 : i32
          %dma_start3A_99 = arith.constant 0 : i32
          %dma_start3A_100 = tpu.memref_slice %arg10[%dma_start3A_98, %dma_start3A_99] : memref<10240x128xf32, #tpu.memory_space<vmem_shared>> -> memref<10240x128xf32, #tpu.memory_space<vmem_shared>>
          tpu.enqueue_indirect_dma source(%dma_start3A_94 : memref<128x128xf32, #tpu.memory_space<vmem>>) target(%dma_start3A_100 : memref<10240x128xf32, #tpu.memory_space<vmem_shared>>) offsets(%dma_start3A_97 : memref<128xi32, #tpu.memory_space<vmem>>) semaphore(%run_scoped3A_90 : memref<!tpu.dma_semaphore, #tpu.memory_space<semaphore_mem>>) {add = true}
          %dma_wait3A_101 = arith.constant 0 : i32
          %dma_wait3A_102 = arith.constant 0 : i32
          %dma_wait3A_103 = tpu.memref_slice %arg9[%run_scoped3A_84, %dma_wait3A_101, %dma_wait3A_102] : memref<2x128x128xf32, #tpu.memory_space<vmem>> -> memref<1x128x128xf32, #tpu.memory_space<vmem>>
          %dma_wait3A_104 = tpu.memref_squeeze %dma_wait3A_103 : memref<1x128x128xf32, #tpu.memory_space<vmem>> -> memref<128x128xf32, #tpu.memory_space<vmem>>
          %dma_wait3A_105 = arith.constant 0 : i32
          %dma_wait3A_106 = tpu.memref_slice %arg8[%add3A_83, %dma_wait3A_105] : memref<40x128xi32, #tpu.memory_space<vmem>> -> memref<1x128xi32, #tpu.memory_space<vmem>>
          %dma_wait3A_107 = tpu.memref_squeeze %dma_wait3A_106 : memref<1x128xi32, #tpu.memory_space<vmem>> -> memref<128xi32, #tpu.memory_space<vmem>>
          %dma_wait3A_108 = arith.constant 0 : i32
          %dma_wait3A_109 = arith.constant 0 : i32
          %dma_wait3A_110 = tpu.memref_slice %arg10[%dma_wait3A_108, %dma_wait3A_109] : memref<10240x128xf32, #tpu.memory_space<vmem_shared>> -> memref<10240x128xf32, #tpu.memory_space<vmem_shared>>
          tpu.wait_indirect_dma semaphore(%run_scoped3A_90 : memref<!tpu.dma_semaphore, #tpu.memory_space<semaphore_mem>>) src(%dma_wait3A_104 : memref<128x128xf32, #tpu.memory_space<vmem>>) dst(%dma_wait3A_110 : memref<10240x128xf32, #tpu.memory_space<vmem_shared>>)
          tpu.yield
        }) : () -> ()
        %lt3A_85 = arith.constant 19 : i32
        %lt3A_86 = arith.cmpi slt, %scan3A_52, %lt3A_85 : i32
        %convert_element_type3A_87 = arith.extui %lt3A_86 : i1 to i32
        %cond3A_88 = arith.constant 0 : i32
        %cond3A_89 = arith.cmpi ne, %convert_element_type3A_87, %cond3A_88 : i32
        scf.if %cond3A_89 {
          %mul3A_90 = arith.constant 2 : i32
          %mul3A_91 = arith.muli %mul3A_90, %scan3A_52 : i32
          %add3A_92 = arith.constant 3 : i32
          %add3A_93 = arith.addi %mul3A_91, %add3A_92 : i32
          %dma_start3A_94 = arith.constant 1 : i32
          %dma_start3A_95 = arith.constant 0 : i32
          %dma_start3A_96 = arith.constant 0 : i32
          %dma_start3A_97 = tpu.memref_slice %arg9[%dma_start3A_94, %dma_start3A_95, %dma_start3A_96] : memref<2x128x128xf32, #tpu.memory_space<vmem>> -> memref<1x128x128xf32, #tpu.memory_space<vmem>>
          %dma_start3A_98 = tpu.memref_squeeze %dma_start3A_97 : memref<1x128x128xf32, #tpu.memory_space<vmem>> -> memref<128x128xf32, #tpu.memory_space<vmem>>
          %dma_start3A_99 = arith.constant 0 : i32
          %dma_start3A_100 = tpu.memref_slice %arg7[%add3A_93, %dma_start3A_99] : memref<40x128xi32, #tpu.memory_space<vmem>> -> memref<1x128xi32, #tpu.memory_space<vmem>>
          %dma_start3A_101 = tpu.memref_squeeze %dma_start3A_100 : memref<1x128xi32, #tpu.memory_space<vmem>> -> memref<128xi32, #tpu.memory_space<vmem>>
          %dma_start3A_102 = arith.constant 0 : i32
          %dma_start3A_103 = arith.constant 0 : i32
          %dma_start3A_104 = tpu.memref_slice %arg2[%dma_start3A_102, %dma_start3A_103] : memref<10000x128xf32, #tpu.memory_space<hbm>> -> memref<10000x128xf32, #tpu.memory_space<hbm>>
          tpu.enqueue_indirect_dma source(%dma_start3A_104 : memref<10000x128xf32, #tpu.memory_space<hbm>>) target(%dma_start3A_98 : memref<128x128xf32, #tpu.memory_space<vmem>>) offsets(%dma_start3A_101 : memref<128xi32, #tpu.memory_space<vmem>>) semaphore(%arg12 : memref<!tpu.dma_semaphore, #tpu.memory_space<semaphore_mem>>)
        } else {
        }
      }
      %scan3A_51 = arith.constant 20 : i32
    }
    %while3A_17 = arith.constant 1 : i32
    scf.for %while3A_19 = %while3A_15 to %while3A_11 step %while3A_17  : i32 {
      %mul3A_20 = arith.constant 40 : i32
      %mul3A_21 = arith.muli %while3A_19, %mul3A_20 : i32
      %add3A_22 = arith.addi %select_n3A_6, %mul3A_21 : i32
      %multiple_of3A_23 = tpu.assume_multiple %add3A_22, 8 : i32
      "tpu.region"() ({
        %run_scoped3A = tpu.sem_alloc : memref<!tpu.dma_semaphore, #tpu.memory_space<semaphore_mem>>
        %dma_start3A_52 = arith.constant 0 : i32
        %dma_start3A_53 = tpu.memref_slice %arg3[%multiple_of3A_23, %dma_start3A_52] : memref<2560x128xi32, #tpu.memory_space<hbm>> -> memref<40x128xi32, #tpu.memory_space<hbm>>
        %dma_start3A_54 = arith.constant 0 : i32
        %dma_start3A_55 = tpu.memref_slice %arg3[%multiple_of3A_23, %dma_start3A_54] : memref<2560x128xi32, #tpu.memory_space<hbm>> -> memref<40x128xi32, #tpu.memory_space<hbm>>
        tpu.enqueue_dma source(%dma_start3A_55 : memref<40x128xi32, #tpu.memory_space<hbm>>) target(%arg7 : memref<40x128xi32, #tpu.memory_space<vmem>>) target_semaphore(%run_scoped3A : memref<!tpu.dma_semaphore, #tpu.memory_space<semaphore_mem>>)
        %dma_wait3A = arith.constant 0 : i32
        %dma_wait3A_56 = tpu.memref_slice %arg3[%multiple_of3A_23, %dma_wait3A] : memref<2560x128xi32, #tpu.memory_space<hbm>> -> memref<40x128xi32, #tpu.memory_space<hbm>>
        %dma_wait3A_57 = arith.constant 0 : i32
        %dma_wait3A_58 = tpu.memref_slice %arg3[%multiple_of3A_23, %dma_wait3A_57] : memref<2560x128xi32, #tpu.memory_space<hbm>> -> memref<40x128xi32, #tpu.memory_space<hbm>>
        tpu.wait_dma2 semaphore(%run_scoped3A : memref<!tpu.dma_semaphore, #tpu.memory_space<semaphore_mem>>) src(%dma_wait3A_58 : memref<40x128xi32, #tpu.memory_space<hbm>>) dst(%arg7 : memref<40x128xi32, #tpu.memory_space<vmem>>)
        tpu.yield
      }) : () -> ()
      "tpu.region"() ({
        %run_scoped3A = tpu.sem_alloc : memref<!tpu.dma_semaphore, #tpu.memory_space<semaphore_mem>>
        %dma_start3A_52 = arith.constant 0 : i32
        %dma_start3A_53 = tpu.memref_slice %arg4[%multiple_of3A_23, %dma_start3A_52] : memref<2560x128xi32, #tpu.memory_space<hbm>> -> memref<40x128xi32, #tpu.memory_space<hbm>>
        %dma_start3A_54 = arith.constant 0 : i32
        %dma_start3A_55 = tpu.memref_slice %arg4[%multiple_of3A_23, %dma_start3A_54] : memref<2560x128xi32, #tpu.memory_space<hbm>> -> memref<40x128xi32, #tpu.memory_space<hbm>>
        tpu.enqueue_dma source(%dma_start3A_55 : memref<40x128xi32, #tpu.memory_space<hbm>>) target(%arg8 : memref<40x128xi32, #tpu.memory_space<vmem>>) target_semaphore(%run_scoped3A : memref<!tpu.dma_semaphore, #tpu.memory_space<semaphore_mem>>)
        %dma_wait3A = arith.constant 0 : i32
        %dma_wait3A_56 = tpu.memref_slice %arg4[%multiple_of3A_23, %dma_wait3A] : memref<2560x128xi32, #tpu.memory_space<hbm>> -> memref<40x128xi32, #tpu.memory_space<hbm>>
        %dma_wait3A_57 = arith.constant 0 : i32
        %dma_wait3A_58 = tpu.memref_slice %arg4[%multiple_of3A_23, %dma_wait3A_57] : memref<2560x128xi32, #tpu.memory_space<hbm>> -> memref<40x128xi32, #tpu.memory_space<hbm>>
        tpu.wait_dma2 semaphore(%run_scoped3A : memref<!tpu.dma_semaphore, #tpu.memory_space<semaphore_mem>>) src(%dma_wait3A_58 : memref<40x128xi32, #tpu.memory_space<hbm>>) dst(%arg8 : memref<40x128xi32, #tpu.memory_space<vmem>>)
        tpu.yield
      }) : () -> ()
      %dma_start3A = arith.constant 0 : i32
      %dma_start3A_24 = arith.constant 0 : i32
      %dma_start3A_25 = arith.constant 0 : i32
      %dma_start3A_26 = arith.constant 0 : i32
      %dma_start3A_27 = tpu.memref_slice %arg9[%dma_start3A_24, %dma_start3A_25, %dma_start3A_26] : memref<2x128x128xf32, #tpu.memory_space<vmem>> -> memref<1x128x128xf32, #tpu.memory_space<vmem>>
      %dma_start3A_28 = tpu.memref_squeeze %dma_start3A_27 : memref<1x128x128xf32, #tpu.memory_space<vmem>> -> memref<128x128xf32, #tpu.memory_space<vmem>>
      %dma_start3A_29 = arith.constant 0 : i32
      %dma_start3A_30 = tpu.memref_slice %arg7[%dma_start3A, %dma_start3A_29] : memref<40x128xi32, #tpu.memory_space<vmem>> -> memref<1x128xi32, #tpu.memory_space<vmem>>
      %dma_start3A_31 = tpu.memref_squeeze %dma_start3A_30 : memref<1x128xi32, #tpu.memory_space<vmem>> -> memref<128xi32, #tpu.memory_space<vmem>>
      %dma_start3A_32 = arith.constant 0 : i32
      %dma_start3A_33 = arith.constant 0 : i32
      %dma_start3A_34 = tpu.memref_slice %arg2[%dma_start3A_32, %dma_start3A_33] : memref<10000x128xf32, #tpu.memory_space<hbm>> -> memref<10000x128xf32, #tpu.memory_space<hbm>>
      tpu.enqueue_indirect_dma source(%dma_start3A_34 : memref<10000x128xf32, #tpu.memory_space<hbm>>) target(%dma_start3A_28 : memref<128x128xf32, #tpu.memory_space<vmem>>) offsets(%dma_start3A_31 : memref<128xi32, #tpu.memory_space<vmem>>) semaphore(%arg11 : memref<!tpu.dma_semaphore, #tpu.memory_space<semaphore_mem>>)
      %dma_start3A_35 = arith.constant 1 : i32
      %dma_start3A_36 = arith.constant 1 : i32
      %dma_start3A_37 = arith.constant 0 : i32
      %dma_start3A_38 = arith.constant 0 : i32
      %dma_start3A_39 = tpu.memref_slice %arg9[%dma_start3A_36, %dma_start3A_37, %dma_start3A_38] : memref<2x128x128xf32, #tpu.memory_space<vmem>> -> memref<1x128x128xf32, #tpu.memory_space<vmem>>
      %dma_start3A_40 = tpu.memref_squeeze %dma_start3A_39 : memref<1x128x128xf32, #tpu.memory_space<vmem>> -> memref<128x128xf32, #tpu.memory_space<vmem>>
      %dma_start3A_41 = arith.constant 0 : i32
      %dma_start3A_42 = tpu.memref_slice %arg7[%dma_start3A_35, %dma_start3A_41] : memref<40x128xi32, #tpu.memory_space<vmem>> -> memref<1x128xi32, #tpu.memory_space<vmem>>
      %dma_start3A_43 = tpu.memref_squeeze %dma_start3A_42 : memref<1x128xi32, #tpu.memory_space<vmem>> -> memref<128xi32, #tpu.memory_space<vmem>>
      %dma_start3A_44 = arith.constant 0 : i32
      %dma_start3A_45 = arith.constant 0 : i32
      %dma_start3A_46 = tpu.memref_slice %arg2[%dma_start3A_44, %dma_start3A_45] : memref<10000x128xf32, #tpu.memory_space<hbm>> -> memref<10000x128xf32, #tpu.memory_space<hbm>>
      tpu.enqueue_indirect_dma source(%dma_start3A_46 : memref<10000x128xf32, #tpu.memory_space<hbm>>) target(%dma_start3A_40 : memref<128x128xf32, #tpu.memory_space<vmem>>) offsets(%dma_start3A_43 : memref<128xi32, #tpu.memory_space<vmem>>) semaphore(%arg12 : memref<!tpu.dma_semaphore, #tpu.memory_space<semaphore_mem>>)
      %scan3A = arith.constant 0 : i32
      %scan3A_47 = arith.constant 0 : i32
      %scan3A_48 = arith.constant 20 : i32
      %scan3A_49 = arith.addi %scan3A_47, %scan3A_48 : i32
      %scan3A_50 = arith.constant 1 : i32
      scf.for %scan3A_52 = %scan3A_47 to %scan3A_49 step %scan3A_50  : i32 {
        %dma_wait3A = arith.constant 0 : i32
        %dma_wait3A_53 = arith.constant 0 : i32
        %dma_wait3A_54 = arith.constant 0 : i32
        %dma_wait3A_55 = arith.constant 0 : i32
        %dma_wait3A_56 = tpu.memref_slice %arg9[%dma_wait3A_53, %dma_wait3A_54, %dma_wait3A_55] : memref<2x128x128xf32, #tpu.memory_space<vmem>> -> memref<1x128x128xf32, #tpu.memory_space<vmem>>
        %dma_wait3A_57 = tpu.memref_squeeze %dma_wait3A_56 : memref<1x128x128xf32, #tpu.memory_space<vmem>> -> memref<128x128xf32, #tpu.memory_space<vmem>>
        %dma_wait3A_58 = arith.constant 0 : i32
        %dma_wait3A_59 = tpu.memref_slice %arg7[%dma_wait3A, %dma_wait3A_58] : memref<40x128xi32, #tpu.memory_space<vmem>> -> memref<1x128xi32, #tpu.memory_space<vmem>>
        %dma_wait3A_60 = tpu.memref_squeeze %dma_wait3A_59 : memref<1x128xi32, #tpu.memory_space<vmem>> -> memref<128xi32, #tpu.memory_space<vmem>>
        %dma_wait3A_61 = arith.constant 0 : i32
        %dma_wait3A_62 = arith.constant 0 : i32
        %dma_wait3A_63 = tpu.memref_slice %arg2[%dma_wait3A_61, %dma_wait3A_62] : memref<10000x128xf32, #tpu.memory_space<hbm>> -> memref<10000x128xf32, #tpu.memory_space<hbm>>
        tpu.wait_indirect_dma semaphore(%arg11 : memref<!tpu.dma_semaphore, #tpu.memory_space<semaphore_mem>>) src(%dma_wait3A_63 : memref<10000x128xf32, #tpu.memory_space<hbm>>) dst(%dma_wait3A_57 : memref<128x128xf32, #tpu.memory_space<vmem>>)
        %mul3A_64 = arith.constant 2 : i32
        %mul3A_65 = arith.muli %mul3A_64, %scan3A_52 : i32
        %run_scoped3A = arith.constant 0 : i32
        "tpu.region"() ({
          %run_scoped3A_90 = tpu.sem_alloc : memref<!tpu.dma_semaphore, #tpu.memory_space<semaphore_mem>>
          %dma_start3A_91 = arith.constant 0 : i32
          %dma_start3A_92 = arith.constant 0 : i32
          %dma_start3A_93 = tpu.memref_slice %arg9[%run_scoped3A, %dma_start3A_91, %dma_start3A_92] : memref<2x128x128xf32, #tpu.memory_space<vmem>> -> memref<1x128x128xf32, #tpu.memory_space<vmem>>
          %dma_start3A_94 = tpu.memref_squeeze %dma_start3A_93 : memref<1x128x128xf32, #tpu.memory_space<vmem>> -> memref<128x128xf32, #tpu.memory_space<vmem>>
          %dma_start3A_95 = arith.constant 0 : i32
          %dma_start3A_96 = tpu.memref_slice %arg8[%mul3A_65, %dma_start3A_95] : memref<40x128xi32, #tpu.memory_space<vmem>> -> memref<1x128xi32, #tpu.memory_space<vmem>>
          %dma_start3A_97 = tpu.memref_squeeze %dma_start3A_96 : memref<1x128xi32, #tpu.memory_space<vmem>> -> memref<128xi32, #tpu.memory_space<vmem>>
          %dma_start3A_98 = arith.constant 0 : i32
          %dma_start3A_99 = arith.constant 0 : i32
          %dma_start3A_100 = tpu.memref_slice %arg10[%dma_start3A_98, %dma_start3A_99] : memref<10240x128xf32, #tpu.memory_space<vmem_shared>> -> memref<10240x128xf32, #tpu.memory_space<vmem_shared>>
          tpu.enqueue_indirect_dma source(%dma_start3A_94 : memref<128x128xf32, #tpu.memory_space<vmem>>) target(%dma_start3A_100 : memref<10240x128xf32, #tpu.memory_space<vmem_shared>>) offsets(%dma_start3A_97 : memref<128xi32, #tpu.memory_space<vmem>>) semaphore(%run_scoped3A_90 : memref<!tpu.dma_semaphore, #tpu.memory_space<semaphore_mem>>) {add = true}
          %dma_wait3A_101 = arith.constant 0 : i32
          %dma_wait3A_102 = arith.constant 0 : i32
          %dma_wait3A_103 = tpu.memref_slice %arg9[%run_scoped3A, %dma_wait3A_101, %dma_wait3A_102] : memref<2x128x128xf32, #tpu.memory_space<vmem>> -> memref<1x128x128xf32, #tpu.memory_space<vmem>>
          %dma_wait3A_104 = tpu.memref_squeeze %dma_wait3A_103 : memref<1x128x128xf32, #tpu.memory_space<vmem>> -> memref<128x128xf32, #tpu.memory_space<vmem>>
          %dma_wait3A_105 = arith.constant 0 : i32
          %dma_wait3A_106 = tpu.memref_slice %arg8[%mul3A_65, %dma_wait3A_105] : memref<40x128xi32, #tpu.memory_space<vmem>> -> memref<1x128xi32, #tpu.memory_space<vmem>>
          %dma_wait3A_107 = tpu.memref_squeeze %dma_wait3A_106 : memref<1x128xi32, #tpu.memory_space<vmem>> -> memref<128xi32, #tpu.memory_space<vmem>>
          %dma_wait3A_108 = arith.constant 0 : i32
          %dma_wait3A_109 = arith.constant 0 : i32
          %dma_wait3A_110 = tpu.memref_slice %arg10[%dma_wait3A_108, %dma_wait3A_109] : memref<10240x128xf32, #tpu.memory_space<vmem_shared>> -> memref<10240x128xf32, #tpu.memory_space<vmem_shared>>
          tpu.wait_indirect_dma semaphore(%run_scoped3A_90 : memref<!tpu.dma_semaphore, #tpu.memory_space<semaphore_mem>>) src(%dma_wait3A_104 : memref<128x128xf32, #tpu.memory_space<vmem>>) dst(%dma_wait3A_110 : memref<10240x128xf32, #tpu.memory_space<vmem_shared>>)
          tpu.yield
        }) : () -> ()
        %lt3A = arith.constant 19 : i32
        %lt3A_66 = arith.cmpi slt, %scan3A_52, %lt3A : i32
        %convert_element_type3A = arith.extui %lt3A_66 : i1 to i32
        %cond3A = arith.constant 0 : i32
        %cond3A_67 = arith.cmpi ne, %convert_element_type3A, %cond3A : i32
        scf.if %cond3A_67 {
          %mul3A_90 = arith.constant 2 : i32
          %mul3A_91 = arith.muli %mul3A_90, %scan3A_52 : i32
          %add3A_92 = arith.constant 2 : i32
          %add3A_93 = arith.addi %mul3A_91, %add3A_92 : i32
          %dma_start3A_94 = arith.constant 0 : i32
          %dma_start3A_95 = arith.constant 0 : i32
          %dma_start3A_96 = arith.constant 0 : i32
          %dma_start3A_97 = tpu.memref_slice %arg9[%dma_start3A_94, %dma_start3A_95, %dma_start3A_96] : memref<2x128x128xf32, #tpu.memory_space<vmem>> -> memref<1x128x128xf32, #tpu.memory_space<vmem>>
          %dma_start3A_98 = tpu.memref_squeeze %dma_start3A_97 : memref<1x128x128xf32, #tpu.memory_space<vmem>> -> memref<128x128xf32, #tpu.memory_space<vmem>>
          %dma_start3A_99 = arith.constant 0 : i32
          %dma_start3A_100 = tpu.memref_slice %arg7[%add3A_93, %dma_start3A_99] : memref<40x128xi32, #tpu.memory_space<vmem>> -> memref<1x128xi32, #tpu.memory_space<vmem>>
          %dma_start3A_101 = tpu.memref_squeeze %dma_start3A_100 : memref<1x128xi32, #tpu.memory_space<vmem>> -> memref<128xi32, #tpu.memory_space<vmem>>
          %dma_start3A_102 = arith.constant 0 : i32
          %dma_start3A_103 = arith.constant 0 : i32
          %dma_start3A_104 = tpu.memref_slice %arg2[%dma_start3A_102, %dma_start3A_103] : memref<10000x128xf32, #tpu.memory_space<hbm>> -> memref<10000x128xf32, #tpu.memory_space<hbm>>
          tpu.enqueue_indirect_dma source(%dma_start3A_104 : memref<10000x128xf32, #tpu.memory_space<hbm>>) target(%dma_start3A_98 : memref<128x128xf32, #tpu.memory_space<vmem>>) offsets(%dma_start3A_101 : memref<128xi32, #tpu.memory_space<vmem>>) semaphore(%arg11 : memref<!tpu.dma_semaphore, #tpu.memory_space<semaphore_mem>>)
        } else {
        }
        %dma_wait3A_68 = arith.constant 1 : i32
        %dma_wait3A_69 = arith.constant 1 : i32
        %dma_wait3A_70 = arith.constant 0 : i32
        %dma_wait3A_71 = arith.constant 0 : i32
        %dma_wait3A_72 = tpu.memref_slice %arg9[%dma_wait3A_69, %dma_wait3A_70, %dma_wait3A_71] : memref<2x128x128xf32, #tpu.memory_space<vmem>> -> memref<1x128x128xf32, #tpu.memory_space<vmem>>
        %dma_wait3A_73 = tpu.memref_squeeze %dma_wait3A_72 : memref<1x128x128xf32, #tpu.memory_space<vmem>> -> memref<128x128xf32, #tpu.memory_space<vmem>>
        %dma_wait3A_74 = arith.constant 0 : i32
        %dma_wait3A_75 = tpu.memref_slice %arg7[%dma_wait3A_68, %dma_wait3A_74] : memref<40x128xi32, #tpu.memory_space<vmem>> -> memref<1x128xi32, #tpu.memory_space<vmem>>
        %dma_wait3A_76 = tpu.memref_squeeze %dma_wait3A_75 : memref<1x128xi32, #tpu.memory_space<vmem>> -> memref<128xi32, #tpu.memory_space<vmem>>
        %dma_wait3A_77 = arith.constant 0 : i32
        %dma_wait3A_78 = arith.constant 0 : i32
        %dma_wait3A_79 = tpu.memref_slice %arg2[%dma_wait3A_77, %dma_wait3A_78] : memref<10000x128xf32, #tpu.memory_space<hbm>> -> memref<10000x128xf32, #tpu.memory_space<hbm>>
        tpu.wait_indirect_dma semaphore(%arg12 : memref<!tpu.dma_semaphore, #tpu.memory_space<semaphore_mem>>) src(%dma_wait3A_79 : memref<10000x128xf32, #tpu.memory_space<hbm>>) dst(%dma_wait3A_73 : memref<128x128xf32, #tpu.memory_space<vmem>>)
        %mul3A_80 = arith.constant 2 : i32
        %mul3A_81 = arith.muli %mul3A_80, %scan3A_52 : i32
        %add3A_82 = arith.constant 1 : i32
        %add3A_83 = arith.addi %mul3A_81, %add3A_82 : i32
        %run_scoped3A_84 = arith.constant 1 : i32
        "tpu.region"() ({
          %run_scoped3A_90 = tpu.sem_alloc : memref<!tpu.dma_semaphore, #tpu.memory_space<semaphore_mem>>
          %dma_start3A_91 = arith.constant 0 : i32
          %dma_start3A_92 = arith.constant 0 : i32
          %dma_start3A_93 = tpu.memref_slice %arg9[%run_scoped3A_84, %dma_start3A_91, %dma_start3A_92] : memref<2x128x128xf32, #tpu.memory_space<vmem>> -> memref<1x128x128xf32, #tpu.memory_space<vmem>>
          %dma_start3A_94 = tpu.memref_squeeze %dma_start3A_93 : memref<1x128x128xf32, #tpu.memory_space<vmem>> -> memref<128x128xf32, #tpu.memory_space<vmem>>
          %dma_start3A_95 = arith.constant 0 : i32
          %dma_start3A_96 = tpu.memref_slice %arg8[%add3A_83, %dma_start3A_95] : memref<40x128xi32, #tpu.memory_space<vmem>> -> memref<1x128xi32, #tpu.memory_space<vmem>>
          %dma_start3A_97 = tpu.memref_squeeze %dma_start3A_96 : memref<1x128xi32, #tpu.memory_space<vmem>> -> memref<128xi32, #tpu.memory_space<vmem>>
          %dma_start3A_98 = arith.constant 0 : i32
          %dma_start3A_99 = arith.constant 0 : i32
          %dma_start3A_100 = tpu.memref_slice %arg10[%dma_start3A_98, %dma_start3A_99] : memref<10240x128xf32, #tpu.memory_space<vmem_shared>> -> memref<10240x128xf32, #tpu.memory_space<vmem_shared>>
          tpu.enqueue_indirect_dma source(%dma_start3A_94 : memref<128x128xf32, #tpu.memory_space<vmem>>) target(%dma_start3A_100 : memref<10240x128xf32, #tpu.memory_space<vmem_shared>>) offsets(%dma_start3A_97 : memref<128xi32, #tpu.memory_space<vmem>>) semaphore(%run_scoped3A_90 : memref<!tpu.dma_semaphore, #tpu.memory_space<semaphore_mem>>) {add = true}
          %dma_wait3A_101 = arith.constant 0 : i32
          %dma_wait3A_102 = arith.constant 0 : i32
          %dma_wait3A_103 = tpu.memref_slice %arg9[%run_scoped3A_84, %dma_wait3A_101, %dma_wait3A_102] : memref<2x128x128xf32, #tpu.memory_space<vmem>> -> memref<1x128x128xf32, #tpu.memory_space<vmem>>
          %dma_wait3A_104 = tpu.memref_squeeze %dma_wait3A_103 : memref<1x128x128xf32, #tpu.memory_space<vmem>> -> memref<128x128xf32, #tpu.memory_space<vmem>>
          %dma_wait3A_105 = arith.constant 0 : i32
          %dma_wait3A_106 = tpu.memref_slice %arg8[%add3A_83, %dma_wait3A_105] : memref<40x128xi32, #tpu.memory_space<vmem>> -> memref<1x128xi32, #tpu.memory_space<vmem>>
          %dma_wait3A_107 = tpu.memref_squeeze %dma_wait3A_106 : memref<1x128xi32, #tpu.memory_space<vmem>> -> memref<128xi32, #tpu.memory_space<vmem>>
          %dma_wait3A_108 = arith.constant 0 : i32
          %dma_wait3A_109 = arith.constant 0 : i32
          %dma_wait3A_110 = tpu.memref_slice %arg10[%dma_wait3A_108, %dma_wait3A_109] : memref<10240x128xf32, #tpu.memory_space<vmem_shared>> -> memref<10240x128xf32, #tpu.memory_space<vmem_shared>>
          tpu.wait_indirect_dma semaphore(%run_scoped3A_90 : memref<!tpu.dma_semaphore, #tpu.memory_space<semaphore_mem>>) src(%dma_wait3A_104 : memref<128x128xf32, #tpu.memory_space<vmem>>) dst(%dma_wait3A_110 : memref<10240x128xf32, #tpu.memory_space<vmem_shared>>)
          tpu.yield
        }) : () -> ()
        %lt3A_85 = arith.constant 19 : i32
        %lt3A_86 = arith.cmpi slt, %scan3A_52, %lt3A_85 : i32
        %convert_element_type3A_87 = arith.extui %lt3A_86 : i1 to i32
        %cond3A_88 = arith.constant 0 : i32
        %cond3A_89 = arith.cmpi ne, %convert_element_type3A_87, %cond3A_88 : i32
        scf.if %cond3A_89 {
          %mul3A_90 = arith.constant 2 : i32
          %mul3A_91 = arith.muli %mul3A_90, %scan3A_52 : i32
          %add3A_92 = arith.constant 3 : i32
          %add3A_93 = arith.addi %mul3A_91, %add3A_92 : i32
          %dma_start3A_94 = arith.constant 1 : i32
          %dma_start3A_95 = arith.constant 0 : i32
          %dma_start3A_96 = arith.constant 0 : i32
          %dma_start3A_97 = tpu.memref_slice %arg9[%dma_start3A_94, %dma_start3A_95, %dma_start3A_96] : memref<2x128x128xf32, #tpu.memory_space<vmem>> -> memref<1x128x128xf32, #tpu.memory_space<vmem>>
          %dma_start3A_98 = tpu.memref_squeeze %dma_start3A_97 : memref<1x128x128xf32, #tpu.memory_space<vmem>> -> memref<128x128xf32, #tpu.memory_space<vmem>>
          %dma_start3A_99 = arith.constant 0 : i32
          %dma_start3A_100 = tpu.memref_slice %arg7[%add3A_93, %dma_start3A_99] : memref<40x128xi32, #tpu.memory_space<vmem>> -> memref<1x128xi32, #tpu.memory_space<vmem>>
          %dma_start3A_101 = tpu.memref_squeeze %dma_start3A_100 : memref<1x128xi32, #tpu.memory_space<vmem>> -> memref<128xi32, #tpu.memory_space<vmem>>
          %dma_start3A_102 = arith.constant 0 : i32
          %dma_start3A_103 = arith.constant 0 : i32
          %dma_start3A_104 = tpu.memref_slice %arg2[%dma_start3A_102, %dma_start3A_103] : memref<10000x128xf32, #tpu.memory_space<hbm>> -> memref<10000x128xf32, #tpu.memory_space<hbm>>
          tpu.enqueue_indirect_dma source(%dma_start3A_104 : memref<10000x128xf32, #tpu.memory_space<hbm>>) target(%dma_start3A_98 : memref<128x128xf32, #tpu.memory_space<vmem>>) offsets(%dma_start3A_101 : memref<128xi32, #tpu.memory_space<vmem>>) semaphore(%arg12 : memref<!tpu.dma_semaphore, #tpu.memory_space<semaphore_mem>>)
        } else {
        }
      }
      %scan3A_51 = arith.constant 20 : i32
    }
    %barrier3A_18 = arith.constant 0 : index
    tpu.barrier barrier_id(%barrier3A_18)
    "tpu.region"() ({
      %run_scoped3A = tpu.sem_alloc : memref<!tpu.dma_semaphore, #tpu.memory_space<semaphore_mem>>
      %dma_start3A = arith.constant 0 : i32
      %dma_start3A_19 = tpu.memref_slice %arg6[%arg0, %multiple_of3A, %dma_start3A] : memref<2x10240x128xf32, #tpu.memory_space<hbm>> -> memref<1x640x128xf32, #tpu.memory_space<hbm>>
      %dma_start3A_20 = tpu.memref_squeeze %dma_start3A_19 : memref<1x640x128xf32, #tpu.memory_space<hbm>> -> memref<640x128xf32, #tpu.memory_space<hbm>>
      %dma_start3A_21 = arith.constant 0 : i32
      %dma_start3A_22 = tpu.memref_slice %arg10[%multiple_of3A, %dma_start3A_21] : memref<10240x128xf32, #tpu.memory_space<vmem_shared>> -> memref<640x128xf32, #tpu.memory_space<vmem_shared>>
      tpu.enqueue_dma source(%dma_start3A_22 : memref<640x128xf32, #tpu.memory_space<vmem_shared>>) target(%dma_start3A_20 : memref<640x128xf32, #tpu.memory_space<hbm>>) target_semaphore(%run_scoped3A : memref<!tpu.dma_semaphore, #tpu.memory_space<semaphore_mem>>)
      %dma_wait3A = arith.constant 0 : i32
      %dma_wait3A_23 = tpu.memref_slice %arg6[%arg0, %multiple_of3A, %dma_wait3A] : memref<2x10240x128xf32, #tpu.memory_space<hbm>> -> memref<1x640x128xf32, #tpu.memory_space<hbm>>
      %dma_wait3A_24 = tpu.memref_squeeze %dma_wait3A_23 : memref<1x640x128xf32, #tpu.memory_space<hbm>> -> memref<640x128xf32, #tpu.memory_space<hbm>>
      %dma_wait3A_25 = arith.constant 0 : i32
      %dma_wait3A_26 = tpu.memref_slice %arg10[%multiple_of3A, %dma_wait3A_25] : memref<10240x128xf32, #tpu.memory_space<vmem_shared>> -> memref<640x128xf32, #tpu.memory_space<vmem_shared>>
      tpu.wait_dma2 semaphore(%run_scoped3A : memref<!tpu.dma_semaphore, #tpu.memory_space<semaphore_mem>>) src(%dma_wait3A_26 : memref<640x128xf32, #tpu.memory_space<vmem_shared>>) dst(%dma_wait3A_24 : memref<640x128xf32, #tpu.memory_space<hbm>>)
      tpu.yield
    }) : () -> ()
    return
  }
}

module attributes {stable_mosaic.version = 14 : i64} {
  func.func @_t1_body(%arg0: i32, %arg1: memref<1000x128xf32, #tpu.memory_space<vmem>>, %arg2: memref<128x128xf32, #tpu.memory_space<vmem>>, %arg3: memref<2x1000x128xf32, #tpu.memory_space<vmem>>, %arg4: memref<1000x128xf32, #tpu.memory_space<vmem>>, %arg5: memref<1000x128xf32, #tpu.memory_space<vmem>>) attributes {dimension_semantics = [#tpu.dimension_semantics<arbitrary>], iteration_bounds = array<i64: 10>, scalar_prefetch = 0 : i64, scratch_operands = 0 : i64, tpu.core_type = #tpu.core_type<tc>, window_params = [{transform_indices = @transform_0, window_bounds = array<i64: 1000, 128>}, {pipeline_mode = #tpu.pipeline_mode<synchronous>, transform_indices = @transform_1, window_bounds = array<i64: 128, 128>}, {transform_indices = @transform_2, window_bounds = array<i64: 2, 1000, 128>}, {transform_indices = @transform_3, window_bounds = array<i64: 1000, 128>}, {transform_indices = @transform_4, window_bounds = array<i64: 1000, 128>}]} {
    %get3A = arith.constant 0 : index
    %get3A_0 = arith.constant 0 : index
    %get3A_1 = vector.load %arg1[%get3A, %get3A_0] : memref<1000x128xf32, #tpu.memory_space<vmem>>, vector<1000x128xf32>
    %get3A_2 = arith.constant 0 : index
    %get3A_3 = arith.constant 0 : index
    %get3A_4 = vector.load %arg2[%get3A_2, %get3A_3] : memref<128x128xf32, #tpu.memory_space<vmem>>, vector<128x128xf32>
    %dot_general3A = arith.constant dense<0.000000e+00> : vector<1000x128xf32>
    %dot_general3A_5 = tpu.matmul %get3A_1, %get3A_4, %dot_general3A {dimension_numbers = #tpu.dot_dimension_numbers<[1], [0], [0], [1], [0, 0, 1, 1], [], []>, precision = #tpu.contract_precision<fp32>, transpose_lhs_hint = false} : vector<1000x128xf32>, vector<128x128xf32>, vector<1000x128xf32> -> vector<1000x128xf32>
    %get3A_6 = arith.constant 0 : index
    %get3A_7 = arith.constant 0 : index
    %get3A_8 = arith.constant 0 : index
    %get3A_9 = vector.load %arg3[%get3A_6, %get3A_7, %get3A_8] : memref<2x1000x128xf32, #tpu.memory_space<vmem>>, vector<2x1000x128xf32>
    %slice3A = vector.extract_strided_slice %get3A_9 {offsets = [0, 0, 0], sizes = [2, 1000, 64], strides = [1, 1, 1]} : vector<2x1000x128xf32> to vector<2x1000x64xf32>
    %reduce_sum3A = arith.constant dense<0.000000e+00> : vector<1000xf32>
    %reduce_sum3A_10 = vector.multi_reduction <add>, %slice3A, %reduce_sum3A [0, 2] : vector<2x1000x64xf32> to vector<1000xf32>
    %mul3A = arith.constant 1.562500e-02 : f32
    %mul3A_11 = vector.broadcast %mul3A : f32 to vector<1000xf32>
    %mul3A_12 = arith.mulf %reduce_sum3A_10, %mul3A_11 : vector<1000xf32>
    %add3A = arith.constant 1.000000e+00 : f32
    %add3A_13 = vector.broadcast %add3A : f32 to vector<1000xf32>
    %add3A_14 = arith.addf %mul3A_12, %add3A_13 : vector<1000xf32>
    %rsqrt3A = math.rsqrt %add3A_14 : vector<1000xf32>
    %swap3A = arith.constant 0 : index
    %swap3A_15 = arith.constant 0 : index
    %swap3A_16 = vector.load %arg4[%swap3A, %swap3A_15] : memref<1000x128xf32, #tpu.memory_space<vmem>>, vector<1000x128xf32>
    tpu.vector_store %arg4[%swap3A, %swap3A_15], %dot_general3A_5 {strides = array<i32>} : memref<1000x128xf32, #tpu.memory_space<vmem>>, vector<1000x128xf32>,
    %broadcast_in_dim3A = vector.shape_cast %rsqrt3A : vector<1000xf32> to vector<1000x1xf32>
    %mul3A_17 = vector.broadcast %broadcast_in_dim3A : vector<1000x1xf32> to vector<1000x128xf32>
    %mul3A_18 = arith.mulf %dot_general3A_5, %mul3A_17 : vector<1000x128xf32>
    %swap3A_19 = arith.constant 0 : index
    %swap3A_20 = arith.constant 0 : index
    %swap3A_21 = vector.load %arg5[%swap3A_19, %swap3A_20] : memref<1000x128xf32, #tpu.memory_space<vmem>>, vector<1000x128xf32>
    tpu.vector_store %arg5[%swap3A_19, %swap3A_20], %mul3A_18 {strides = array<i32>} : memref<1000x128xf32, #tpu.memory_space<vmem>>, vector<1000x128xf32>,
    return
  }
  func.func @transform_0(%arg0: i32) -> (i32, i32) {
    %c0_i32 = arith.constant 0 : i32
    %c0_i32_0 = arith.constant 0 : i32
    return %arg0, %c0_i32 : i32, i32
  }
  func.func @transform_1(%arg0: i32) -> (i32, i32) {
    %c0_i32 = arith.constant 0 : i32
    %c0_i32_0 = arith.constant 0 : i32
    %c0_i32_1 = arith.constant 0 : i32
    return %c0_i32, %c0_i32_0 : i32, i32
  }
  func.func @transform_2(%arg0: i32) -> (i32, i32, i32) {
    %c0_i32 = arith.constant 0 : i32
    %c0_i32_0 = arith.constant 0 : i32
    %c0_i32_1 = arith.constant 0 : i32
    return %c0_i32, %arg0, %c0_i32_0 : i32, i32, i32
  }
  func.func @transform_3(%arg0: i32) -> (i32, i32) {
    %c0_i32 = arith.constant 0 : i32
    %c0_i32_0 = arith.constant 0 : i32
    return %arg0, %c0_i32 : i32, i32
  }
  func.func @transform_4(%arg0: i32) -> (i32, i32) {
    %c0_i32 = arith.constant 0 : i32
    %c0_i32_0 = arith.constant 0 : i32
    return %arg0, %c0_i32 : i32, i32
  }
}

module attributes {stable_mosaic.version = 14 : i64} {
  func.func @_t2_body(%arg0: i32, %arg1: memref<2x1000x128xf32, #tpu.memory_space<vmem>>, %arg2: memref<1000x128xf32, #tpu.memory_space<vmem>>, %arg3: memref<2x1000x128xf32, #tpu.memory_space<vmem>>, %arg4: memref<128xf32, #tpu.memory_space<vmem>>, %arg5: memref<1000x128xf32, #tpu.memory_space<vmem>>) attributes {dimension_semantics = [#tpu.dimension_semantics<arbitrary>], iteration_bounds = array<i64: 10>, scalar_prefetch = 0 : i64, scratch_operands = 0 : i64, tpu.core_type = #tpu.core_type<tc>, window_params = [{transform_indices = @transform_0, window_bounds = array<i64: 2, 1000, 128>}, {transform_indices = @transform_1, window_bounds = array<i64: 1000, 128>}, {transform_indices = @transform_2, window_bounds = array<i64: 2, 1000, 128>}, {pipeline_mode = #tpu.pipeline_mode<synchronous>, transform_indices = @transform_3, window_bounds = array<i64: 128>}, {transform_indices = @transform_4, window_bounds = array<i64: 1000, 128>}]} {
    %get3A = arith.constant 0 : index
    %get3A_0 = arith.constant 0 : index
    %get3A_1 = arith.constant 0 : index
    %get3A_2 = vector.load %arg3[%get3A, %get3A_0, %get3A_1] : memref<2x1000x128xf32, #tpu.memory_space<vmem>>, vector<2x1000x128xf32>
    %slice3A = vector.extract_strided_slice %get3A_2 {offsets = [0, 0, 0], sizes = [2, 1000, 64], strides = [1, 1, 1]} : vector<2x1000x128xf32> to vector<2x1000x64xf32>
    %reduce_sum3A = arith.constant dense<0.000000e+00> : vector<1000xf32>
    %reduce_sum3A_3 = vector.multi_reduction <add>, %slice3A, %reduce_sum3A [0, 2] : vector<2x1000x64xf32> to vector<1000xf32>
    %mul3A = arith.constant 1.562500e-02 : f32
    %mul3A_4 = vector.broadcast %mul3A : f32 to vector<1000xf32>
    %mul3A_5 = arith.mulf %reduce_sum3A_3, %mul3A_4 : vector<1000xf32>
    %add3A = arith.constant 1.000000e+00 : f32
    %add3A_6 = vector.broadcast %add3A : f32 to vector<1000xf32>
    %add3A_7 = arith.addf %mul3A_5, %add3A_6 : vector<1000xf32>
    %rsqrt3A = math.rsqrt %add3A_7 : vector<1000xf32>
    %get3A_8 = arith.constant 0 : index
    %get3A_9 = arith.constant 0 : index
    %get3A_10 = arith.constant 0 : index
    %get3A_11 = vector.load %arg1[%get3A_8, %get3A_9, %get3A_10] : memref<2x1000x128xf32, #tpu.memory_space<vmem>>, vector<1x1000x128xf32>
    %get3A_12 = vector.shape_cast %get3A_11 : vector<1x1000x128xf32> to vector<1000x128xf32>
    %get3A_13 = arith.constant 1 : index
    %get3A_14 = arith.constant 0 : index
    %get3A_15 = arith.constant 0 : index
    %get3A_16 = vector.load %arg1[%get3A_13, %get3A_14, %get3A_15] : memref<2x1000x128xf32, #tpu.memory_space<vmem>>, vector<1x1000x128xf32>
    %get3A_17 = vector.shape_cast %get3A_16 : vector<1x1000x128xf32> to vector<1000x128xf32>
    %add3A_18 = arith.addf %get3A_12, %get3A_17 : vector<1000x128xf32>
    %broadcast_in_dim3A = vector.shape_cast %rsqrt3A : vector<1000xf32> to vector<1000x1xf32>
    %mul3A_19 = vector.broadcast %broadcast_in_dim3A : vector<1000x1xf32> to vector<1000x128xf32>
    %mul3A_20 = arith.mulf %add3A_18, %mul3A_19 : vector<1000x128xf32>
    %get3A_21 = arith.constant 0 : index
    %get3A_22 = arith.constant 0 : index
    %get3A_23 = vector.load %arg2[%get3A_21, %get3A_22] : memref<1000x128xf32, #tpu.memory_space<vmem>>, vector<1000x128xf32>
    %mul3A_24 = arith.mulf %rsqrt3A, %rsqrt3A : vector<1000xf32>
    %broadcast_in_dim3A_25 = vector.shape_cast %mul3A_24 : vector<1000xf32> to vector<1000x1xf32>
    %mul3A_26 = vector.broadcast %broadcast_in_dim3A_25 : vector<1000x1xf32> to vector<1000x128xf32>
    %mul3A_27 = arith.mulf %get3A_23, %mul3A_26 : vector<1000x128xf32>
    %add3A_28 = arith.addf %mul3A_20, %mul3A_27 : vector<1000x128xf32>
    %get3A_29 = arith.constant 0 : index
    %get3A_30 = vector.load %arg4[%get3A_29] : memref<128xf32, #tpu.memory_space<vmem>>, vector<128xf32>
    %broadcast_in_dim3A_31 = vector.shape_cast %get3A_30 : vector<128xf32> to vector<1x128xf32>
    %add3A_32 = vector.broadcast %broadcast_in_dim3A_31 : vector<1x128xf32> to vector<1000x128xf32>
    %add3A_33 = arith.addf %add3A_28, %add3A_32 : vector<1000x128xf32>
    %max3A = arith.constant 0.000000e+00 : f32
    %max3A_34 = vector.broadcast %max3A : f32 to vector<1000x128xf32>
    %max3A_35 = arith.maximumf %add3A_33, %max3A_34 : vector<1000x128xf32>
    %swap3A = arith.constant 0 : index
    %swap3A_36 = arith.constant 0 : index
    %swap3A_37 = vector.load %arg5[%swap3A, %swap3A_36] : memref<1000x128xf32, #tpu.memory_space<vmem>>, vector<1000x128xf32>
    tpu.vector_store %arg5[%swap3A, %swap3A_36], %max3A_35 {strides = array<i32>} : memref<1000x128xf32, #tpu.memory_space<vmem>>, vector<1000x128xf32>,
    return
  }
  func.func @transform_0(%arg0: i32) -> (i32, i32, i32) {
    %c0_i32 = arith.constant 0 : i32
    %c0_i32_0 = arith.constant 0 : i32
    %c0_i32_1 = arith.constant 0 : i32
    return %c0_i32, %arg0, %c0_i32_0 : i32, i32, i32
  }
  func.func @transform_1(%arg0: i32) -> (i32, i32) {
    %c0_i32 = arith.constant 0 : i32
    %c0_i32_0 = arith.constant 0 : i32
    return %arg0, %c0_i32 : i32, i32
  }
  func.func @transform_2(%arg0: i32) -> (i32, i32, i32) {
    %c0_i32 = arith.constant 0 : i32
    %c0_i32_0 = arith.constant 0 : i32
    %c0_i32_1 = arith.constant 0 : i32
    return %c0_i32, %arg0, %c0_i32_0 : i32, i32, i32
  }
  func.func @transform_3(%arg0: i32) -> i32 {
    %c0_i32 = arith.constant 0 : i32
    %c0_i32_0 = arith.constant 0 : i32
    return %c0_i32 : i32
  }
  func.func @transform_4(%arg0: i32) -> (i32, i32) {
    %c0_i32 = arith.constant 0 : i32
    %c0_i32_0 = arith.constant 0 : i32
    return %arg0, %c0_i32 : i32, i32
  }
}

module attributes {stable_mosaic.version = 14 : i64} {
  func.func @_t3_body(%arg0: i32, %arg1: memref<2x1000x128xf32, #tpu.memory_space<vmem>>, %arg2: memref<1000x128xf32, #tpu.memory_space<vmem>>, %arg3: memref<256x128xf32, #tpu.memory_space<vmem>>, %arg4: memref<2x1000x128xf32, #tpu.memory_space<vmem>>, %arg5: memref<1000x128xf32, #tpu.memory_space<vmem>>, %arg6: memref<1000x128xf32, #tpu.memory_space<vmem>>) attributes {dimension_semantics = [#tpu.dimension_semantics<arbitrary>], iteration_bounds = array<i64: 10>, scalar_prefetch = 0 : i64, scratch_operands = 0 : i64, tpu.core_type = #tpu.core_type<tc>, window_params = [{transform_indices = @transform_0, window_bounds = array<i64: 2, 1000, 128>}, {transform_indices = @transform_1, window_bounds = array<i64: 1000, 128>}, {pipeline_mode = #tpu.pipeline_mode<synchronous>, transform_indices = @transform_2, window_bounds = array<i64: 256, 128>}, {transform_indices = @transform_3, window_bounds = array<i64: 2, 1000, 128>}, {transform_indices = @transform_4, window_bounds = array<i64: 1000, 128>}, {transform_indices = @transform_5, window_bounds = array<i64: 1000, 128>}]} {
    %get3A = arith.constant 0 : index
    %get3A_0 = arith.constant 0 : index
    %get3A_1 = arith.constant 0 : index
    %get3A_2 = vector.load %arg4[%get3A, %get3A_0, %get3A_1] : memref<2x1000x128xf32, #tpu.memory_space<vmem>>, vector<2x1000x128xf32>
    %slice3A = vector.extract_strided_slice %get3A_2 {offsets = [0, 0, 0], sizes = [2, 1000, 64], strides = [1, 1, 1]} : vector<2x1000x128xf32> to vector<2x1000x64xf32>
    %reduce_sum3A = arith.constant dense<0.000000e+00> : vector<1000xf32>
    %reduce_sum3A_3 = vector.multi_reduction <add>, %slice3A, %reduce_sum3A [0, 2] : vector<2x1000x64xf32> to vector<1000xf32>
    %mul3A = arith.constant 1.562500e-02 : f32
    %mul3A_4 = vector.broadcast %mul3A : f32 to vector<1000xf32>
    %mul3A_5 = arith.mulf %reduce_sum3A_3, %mul3A_4 : vector<1000xf32>
    %slice3A_6 = vector.extract_strided_slice %get3A_2 {offsets = [0, 0, 64], sizes = [2, 1000, 64], strides = [1, 1, 1]} : vector<2x1000x128xf32> to vector<2x1000x64xf32>
    %reduce_sum3A_7 = arith.constant dense<0.000000e+00> : vector<1000xf32>
    %reduce_sum3A_8 = vector.multi_reduction <add>, %slice3A_6, %reduce_sum3A_7 [0, 2] : vector<2x1000x64xf32> to vector<1000xf32>
    %mul3A_9 = arith.constant 1.562500e-02 : f32
    %mul3A_10 = vector.broadcast %mul3A_9 : f32 to vector<1000xf32>
    %mul3A_11 = arith.mulf %reduce_sum3A_8, %mul3A_10 : vector<1000xf32>
    %eq3A = arith.constant 0.000000e+00 : f32
    %eq3A_12 = vector.broadcast %eq3A : f32 to vector<1000xf32>
    %eq3A_13 = arith.cmpf oeq, %mul3A_11, %eq3A_12 : vector<1000xf32>
    %jit3A = arith.constant 1.000000e+00 : f32
    %broadcast_in_dim3A = vector.broadcast %jit3A : f32 to vector<1000xf32>
    %select_n3A = arith.select %eq3A_13, %broadcast_in_dim3A, %mul3A_11 : vector<1000xi1>, vector<1000xf32>
    %div3A = arith.constant 1.000000e+00 : f32
    %div3A_14 = vector.broadcast %div3A : f32 to vector<1000xf32>
    %div3A_15 = arith.divf %div3A_14, %select_n3A : vector<1000xf32>
    %get3A_16 = arith.constant 0 : index
    %get3A_17 = arith.constant 0 : index
    %get3A_18 = arith.constant 0 : index
    %get3A_19 = vector.load %arg1[%get3A_16, %get3A_17, %get3A_18] : memref<2x1000x128xf32, #tpu.memory_space<vmem>>, vector<1x1000x128xf32>
    %get3A_20 = vector.shape_cast %get3A_19 : vector<1x1000x128xf32> to vector<1000x128xf32>
    %get3A_21 = arith.constant 1 : index
    %get3A_22 = arith.constant 0 : index
    %get3A_23 = arith.constant 0 : index
    %get3A_24 = vector.load %arg1[%get3A_21, %get3A_22, %get3A_23] : memref<2x1000x128xf32, #tpu.memory_space<vmem>>, vector<1x1000x128xf32>
    %get3A_25 = vector.shape_cast %get3A_24 : vector<1x1000x128xf32> to vector<1000x128xf32>
    %add3A = arith.addf %get3A_20, %get3A_25 : vector<1000x128xf32>
    %broadcast_in_dim3A_26 = vector.shape_cast %div3A_15 : vector<1000xf32> to vector<1000x1xf32>
    %mul3A_27 = vector.broadcast %broadcast_in_dim3A_26 : vector<1000x1xf32> to vector<1000x128xf32>
    %mul3A_28 = arith.mulf %add3A, %mul3A_27 : vector<1000x128xf32>
    %get3A_29 = arith.constant 0 : index
    %get3A_30 = arith.constant 0 : index
    %get3A_31 = vector.load %arg3[%get3A_29, %get3A_30] : memref<256x128xf32, #tpu.memory_space<vmem>>, vector<128x128xf32>
    %get3A_32 = arith.constant 128 : index
    %get3A_33 = arith.constant 0 : index
    %get3A_34 = vector.load %arg3[%get3A_32, %get3A_33] : memref<256x128xf32, #tpu.memory_space<vmem>>, vector<128x128xf32>
    %sub3A = arith.subf %get3A_34, %get3A_31 : vector<128x128xf32>
    %get3A_35 = arith.constant 0 : index
    %get3A_36 = arith.constant 0 : index
    %get3A_37 = vector.load %arg2[%get3A_35, %get3A_36] : memref<1000x128xf32, #tpu.memory_space<vmem>>, vector<1000x128xf32>
    %dot_general3A = arith.constant dense<0.000000e+00> : vector<1000x128xf32>
    %dot_general3A_38 = tpu.matmul %get3A_37, %get3A_31, %dot_general3A {dimension_numbers = #tpu.dot_dimension_numbers<[1], [0], [0], [1], [0, 0, 1, 1], [], []>, precision = #tpu.contract_precision<fp32>, transpose_lhs_hint = false} : vector<1000x128xf32>, vector<128x128xf32>, vector<1000x128xf32> -> vector<1000x128xf32>
    %dot_general3A_39 = arith.constant dense<0.000000e+00> : vector<1000x128xf32>
    %dot_general3A_40 = tpu.matmul %mul3A_28, %sub3A, %dot_general3A_39 {dimension_numbers = #tpu.dot_dimension_numbers<[1], [0], [0], [1], [0, 0, 1, 1], [], []>, precision = #tpu.contract_precision<fp32>, transpose_lhs_hint = false} : vector<1000x128xf32>, vector<128x128xf32>, vector<1000x128xf32> -> vector<1000x128xf32>
    %add3A_41 = arith.addf %dot_general3A_38, %dot_general3A_40 : vector<1000x128xf32>
    %add3A_42 = arith.constant 1.000000e+00 : f32
    %add3A_43 = vector.broadcast %add3A_42 : f32 to vector<1000xf32>
    %add3A_44 = arith.addf %mul3A_5, %add3A_43 : vector<1000xf32>
    %rsqrt3A = math.rsqrt %add3A_44 : vector<1000xf32>
    %swap3A = arith.constant 0 : index
    %swap3A_45 = arith.constant 0 : index
    %swap3A_46 = vector.load %arg5[%swap3A, %swap3A_45] : memref<1000x128xf32, #tpu.memory_space<vmem>>, vector<1000x128xf32>
    tpu.vector_store %arg5[%swap3A, %swap3A_45], %add3A_41 {strides = array<i32>} : memref<1000x128xf32, #tpu.memory_space<vmem>>, vector<1000x128xf32>,
    %broadcast_in_dim3A_47 = vector.shape_cast %rsqrt3A : vector<1000xf32> to vector<1000x1xf32>
    %mul3A_48 = vector.broadcast %broadcast_in_dim3A_47 : vector<1000x1xf32> to vector<1000x128xf32>
    %mul3A_49 = arith.mulf %add3A_41, %mul3A_48 : vector<1000x128xf32>
    %swap3A_50 = arith.constant 0 : index
    %swap3A_51 = arith.constant 0 : index
    %swap3A_52 = vector.load %arg6[%swap3A_50, %swap3A_51] : memref<1000x128xf32, #tpu.memory_space<vmem>>, vector<1000x128xf32>
    tpu.vector_store %arg6[%swap3A_50, %swap3A_51], %mul3A_49 {strides = array<i32>} : memref<1000x128xf32, #tpu.memory_space<vmem>>, vector<1000x128xf32>,
    return
  }
  func.func @transform_0(%arg0: i32) -> (i32, i32, i32) {
    %c0_i32 = arith.constant 0 : i32
    %c0_i32_0 = arith.constant 0 : i32
    %c0_i32_1 = arith.constant 0 : i32
    return %c0_i32, %arg0, %c0_i32_0 : i32, i32, i32
  }
  func.func @transform_1(%arg0: i32) -> (i32, i32) {
    %c0_i32 = arith.constant 0 : i32
    %c0_i32_0 = arith.constant 0 : i32
    return %arg0, %c0_i32 : i32, i32
  }
  func.func @transform_2(%arg0: i32) -> (i32, i32) {
    %c0_i32 = arith.constant 0 : i32
    %c0_i32_0 = arith.constant 0 : i32
    %c0_i32_1 = arith.constant 0 : i32
    return %c0_i32, %c0_i32_0 : i32, i32
  }
  func.func @transform_3(%arg0: i32) -> (i32, i32, i32) {
    %c0_i32 = arith.constant 0 : i32
    %c0_i32_0 = arith.constant 0 : i32
    %c0_i32_1 = arith.constant 0 : i32
    return %c0_i32, %arg0, %c0_i32_0 : i32, i32, i32
  }
  func.func @transform_4(%arg0: i32) -> (i32, i32) {
    %c0_i32 = arith.constant 0 : i32
    %c0_i32_0 = arith.constant 0 : i32
    return %arg0, %c0_i32 : i32, i32
  }
  func.func @transform_5(%arg0: i32) -> (i32, i32) {
    %c0_i32 = arith.constant 0 : i32
    %c0_i32_0 = arith.constant 0 : i32
    return %arg0, %c0_i32 : i32, i32
  }
}

module attributes {stable_mosaic.version = 14 : i64} {
  func.func @_t4_body(%arg0: i32, %arg1: memref<2x1000x128xf32, #tpu.memory_space<vmem>>, %arg2: memref<1000x128xf32, #tpu.memory_space<vmem>>, %arg3: memref<2x1000x128xf32, #tpu.memory_space<vmem>>, %arg4: memref<128xf32, #tpu.memory_space<vmem>>, %arg5: memref<1000x128xf32, #tpu.memory_space<vmem>>) attributes {dimension_semantics = [#tpu.dimension_semantics<arbitrary>], iteration_bounds = array<i64: 10>, scalar_prefetch = 0 : i64, scratch_operands = 0 : i64, tpu.core_type = #tpu.core_type<tc>, window_params = [{transform_indices = @transform_0, window_bounds = array<i64: 2, 1000, 128>}, {transform_indices = @transform_1, window_bounds = array<i64: 1000, 128>}, {transform_indices = @transform_2, window_bounds = array<i64: 2, 1000, 128>}, {pipeline_mode = #tpu.pipeline_mode<synchronous>, transform_indices = @transform_3, window_bounds = array<i64: 128>}, {transform_indices = @transform_4, window_bounds = array<i64: 1000, 128>}]} {
    %get3A = arith.constant 0 : index
    %get3A_0 = arith.constant 0 : index
    %get3A_1 = arith.constant 0 : index
    %get3A_2 = vector.load %arg3[%get3A, %get3A_0, %get3A_1] : memref<2x1000x128xf32, #tpu.memory_space<vmem>>, vector<2x1000x128xf32>
    %slice3A = vector.extract_strided_slice %get3A_2 {offsets = [0, 0, 0], sizes = [2, 1000, 64], strides = [1, 1, 1]} : vector<2x1000x128xf32> to vector<2x1000x64xf32>
    %reduce_sum3A = arith.constant dense<0.000000e+00> : vector<1000xf32>
    %reduce_sum3A_3 = vector.multi_reduction <add>, %slice3A, %reduce_sum3A [0, 2] : vector<2x1000x64xf32> to vector<1000xf32>
    %mul3A = arith.constant 1.562500e-02 : f32
    %mul3A_4 = vector.broadcast %mul3A : f32 to vector<1000xf32>
    %mul3A_5 = arith.mulf %reduce_sum3A_3, %mul3A_4 : vector<1000xf32>
    %add3A = arith.constant 1.000000e+00 : f32
    %add3A_6 = vector.broadcast %add3A : f32 to vector<1000xf32>
    %add3A_7 = arith.addf %mul3A_5, %add3A_6 : vector<1000xf32>
    %rsqrt3A = math.rsqrt %add3A_7 : vector<1000xf32>
    %get3A_8 = arith.constant 0 : index
    %get3A_9 = arith.constant 0 : index
    %get3A_10 = arith.constant 0 : index
    %get3A_11 = vector.load %arg1[%get3A_8, %get3A_9, %get3A_10] : memref<2x1000x128xf32, #tpu.memory_space<vmem>>, vector<1x1000x128xf32>
    %get3A_12 = vector.shape_cast %get3A_11 : vector<1x1000x128xf32> to vector<1000x128xf32>
    %get3A_13 = arith.constant 1 : index
    %get3A_14 = arith.constant 0 : index
    %get3A_15 = arith.constant 0 : index
    %get3A_16 = vector.load %arg1[%get3A_13, %get3A_14, %get3A_15] : memref<2x1000x128xf32, #tpu.memory_space<vmem>>, vector<1x1000x128xf32>
    %get3A_17 = vector.shape_cast %get3A_16 : vector<1x1000x128xf32> to vector<1000x128xf32>
    %add3A_18 = arith.addf %get3A_12, %get3A_17 : vector<1000x128xf32>
    %broadcast_in_dim3A = vector.shape_cast %rsqrt3A : vector<1000xf32> to vector<1000x1xf32>
    %mul3A_19 = vector.broadcast %broadcast_in_dim3A : vector<1000x1xf32> to vector<1000x128xf32>
    %mul3A_20 = arith.mulf %add3A_18, %mul3A_19 : vector<1000x128xf32>
    %get3A_21 = arith.constant 0 : index
    %get3A_22 = arith.constant 0 : index
    %get3A_23 = vector.load %arg2[%get3A_21, %get3A_22] : memref<1000x128xf32, #tpu.memory_space<vmem>>, vector<1000x128xf32>
    %mul3A_24 = arith.mulf %rsqrt3A, %rsqrt3A : vector<1000xf32>
    %broadcast_in_dim3A_25 = vector.shape_cast %mul3A_24 : vector<1000xf32> to vector<1000x1xf32>
    %mul3A_26 = vector.broadcast %broadcast_in_dim3A_25 : vector<1000x1xf32> to vector<1000x128xf32>
    %mul3A_27 = arith.mulf %get3A_23, %mul3A_26 : vector<1000x128xf32>
    %add3A_28 = arith.addf %mul3A_20, %mul3A_27 : vector<1000x128xf32>
    %get3A_29 = arith.constant 0 : index
    %get3A_30 = vector.load %arg4[%get3A_29] : memref<128xf32, #tpu.memory_space<vmem>>, vector<128xf32>
    %broadcast_in_dim3A_31 = vector.shape_cast %get3A_30 : vector<128xf32> to vector<1x128xf32>
    %add3A_32 = vector.broadcast %broadcast_in_dim3A_31 : vector<1x128xf32> to vector<1000x128xf32>
    %add3A_33 = arith.addf %add3A_28, %add3A_32 : vector<1000x128xf32>
    %swap3A = arith.constant 0 : index
    %swap3A_34 = arith.constant 0 : index
    %swap3A_35 = vector.load %arg5[%swap3A, %swap3A_34] : memref<1000x128xf32, #tpu.memory_space<vmem>>, vector<1000x128xf32>
    tpu.vector_store %arg5[%swap3A, %swap3A_34], %add3A_33 {strides = array<i32>} : memref<1000x128xf32, #tpu.memory_space<vmem>>, vector<1000x128xf32>,
    return
  }
  func.func @transform_0(%arg0: i32) -> (i32, i32, i32) {
    %c0_i32 = arith.constant 0 : i32
    %c0_i32_0 = arith.constant 0 : i32
    %c0_i32_1 = arith.constant 0 : i32
    return %c0_i32, %arg0, %c0_i32_0 : i32, i32, i32
  }
  func.func @transform_1(%arg0: i32) -> (i32, i32) {
    %c0_i32 = arith.constant 0 : i32
    %c0_i32_0 = arith.constant 0 : i32
    return %arg0, %c0_i32 : i32, i32
  }
  func.func @transform_2(%arg0: i32) -> (i32, i32, i32) {
    %c0_i32 = arith.constant 0 : i32
    %c0_i32_0 = arith.constant 0 : i32
    %c0_i32_1 = arith.constant 0 : i32
    return %c0_i32, %arg0, %c0_i32_0 : i32, i32, i32
  }
  func.func @transform_3(%arg0: i32) -> i32 {
    %c0_i32 = arith.constant 0 : i32
    %c0_i32_0 = arith.constant 0 : i32
    return %c0_i32 : i32
  }
  func.func @transform_4(%arg0: i32) -> (i32, i32) {
    %c0_i32 = arith.constant 0 : i32
    %c0_i32_0 = arith.constant 0 : i32
    return %arg0, %c0_i32 : i32, i32
  }
}

</mosaic_0001>

<sc_bundles>
// kernel: kernel.10.cloned.1.call-start
scs
__scs_entry_jumppad:
0x0: {  	(pc) =	sbr.rel $0x88, $3  }
0x1: {  	(tag) =	ssettag $0x0;
	lr =	simm.s32 $0x1  }
0x2: {  	[smem:$0x3F9B] =	sst lr;
	_ =	strace $0xD0000000  }
0x3: {  	_ = 	snop  }
0x4: {  	_ = 	snop  }
0x5: {  	_ = 	snop  }
0x6: {  	_ = 	snop  }
0x7: {  	_ = 	snop  }
__scs_overlays_trampoline_lowered:
0x8: {  	[smem:$0x3FAA] =	sst s0  }
0x9: {  	[smem:$0x3FAB] =	sst s1  }
0xa: {  	[smem:$0x3FAC] =	sst s2  }
0xb: {  	[smem:$0x3FAD] =	sst s3  }
0xc: {  	[smem:$0x3FAE] =	sst s4  }
0xd: {  	[smem:$0x3FAF] =	sst s5  }
0xe: {  	[smem:$0x3FB0] =	sst s6  }
0xf: {  	[smem:$0x3FB1] =	sst s7  }
0x10: {  	[smem:$0x3FB2] =	sst s8  }
0x11: {  	[smem:$0x3FB3] =	sst s9;
	s0 =	simm.s32 @!p0 $0x0  }
0x12: {  	s1 =	sld [smem:$0x3F99];
	s0 =	simm.s32 @p0 $0x1  }
0x13: {  	[smem:$0x3FB4] =	sst s0;
	s0 =	simm.s32 @!p1 $0x0  }
0x14: {  	s2 =	sld [smem:$0x3F98];
	s0 =	simm.s32 @p1 $0x1  }
0x15: {  	[smem:$0x3FB5] =	sst s0;
	s0 =	simm.s32 @!p2 $0x0  }
0x16: {  	s3 =	sld [smem:$0x3FDB];
	s0 =	simm.s32 @p2 $0x1  }
0x17: {  	s4 =	simm.s32 $0x1BF5;
	[smem:$0x3FB7] =	sst s0  }
0x18: {  	s0 =	sld [smem:$0x3F9A];
	_ =	swait.ge [sflag:s4], $0x0  }
0x19: {  	s7 =	sld [smem:$0x3F9B]  }
0x1a: {  	s8 =	sadd.s32 $0xFFFFE003, lr  }
0x1b: {  	s9 =	sadd.s32 $0xFFFFFEF7, lr;
	s5 =	simm.s32 $0xFFFFFFFF;
	p2 =	slt.u32 s8, $0xFFFFF086  }
0x1c: {  	p1 =	slt.u32 s9, $0xF7A;
	s5 =	simm.s32 @!p2 $0x0  }
0x1d: {  	s5 =	simm.s32 @p1 $0x1;
	p0 =	seq.s32 s7, s2  }
0x1e: {  	s7 =	smul.u32 @!p0 $0xF7A, s2;
	p2 =	seq.s32 @!p0 s5, $0x0  }
0x1f: {  	s9 =	smul.u32 $0xF7A, s1;
	s8 =	simm.s32 @!p0 $0x1BF5;
	p2 =	por !p2, p0  }
0x20: {  	[sflag:s8] =	ssyncset.s32 @!p0 $0xFFFFF086;
	s6 =	sadd.s32 @!p0 s3, s7;
	s7 =	simm.s32 @!p0 $0x108  }
0x21: {  	s3 =	sadd.s32 s3, s9;
	s6 =	sadd.s32 @!p0 $0x88, s6;
	s7 =	simm.s32 @p2 $0x1082  }
0x22: {  	[simem:s7], [sflag:s8] =	dma.local @!p0 [hbm:s6], $0xF7A  }
0x23: {  	s9 =	sor.u32 $0xD0000000, s2;
	s6 =	simm.s32 $0x108;
	_ =	swait.ge @!p0 [sflag:s8], $0x0  }
0x24: {  	s3 =	sadd.s32 $0x88, s3;
	s6 =	simm.s32 @!p1 $0x1082;
	[sflag:s4] =	ssyncset.s32 $0xFFFFF086  }
0x25: {  	[simem:s6], [sflag:s4] =	dma.local [hbm:s3], $0xF7A  }
0x26: {  	[smem:$0x3F9B] =	sst s1;
	(tag) =	ssettag s2;
	_ =	strace s9  }
0x27: {  	s1 =	sld [smem:$0x3FAB]  }
0x28: {  	s2 =	sld [smem:$0x3FAC]  }
0x29: {  	s4 =	sld [smem:$0x3FAE]  }
0x2a: {  	p0 =	seq.s32 s5, $0x0;
	s5 =	sld [smem:$0x3FAF]  }
0x2b: {  	s6 =	sld [smem:$0x3FB0]  }
0x2c: {  	s7 =	sld [smem:$0x3FB1]  }
0x2d: {  	s3 =	simm.s32 $0x108;
	s8 =	sld [smem:$0x3FB2]  }
0x2e: {  	s3 =	simm.s32 @!p0 $0x1082;
	s9 =	sld [smem:$0x3FB3]  }
0x2f: {  	lr =	sadd.s32 s0, s3;
	s0 =	sld [smem:$0x3FAA]  }
0x30: {  	s3 =	sld [smem:$0x3FAD]  }
0x31: {  	[smem:$0x3FB6] =	sst s10  }
0x32: {  	s10 =	sld [smem:$0x3FB4];
	_ =	sdelay $0x3  }
0x33: {  	p0 =	seq.s32 s10, $0x1;
	s10 =	sld [smem:$0x3FB6];
	_ =	sdelay $0x3  }
0x34: {  	[smem:$0x3FB6] =	sst s10  }
0x35: {  	s10 =	sld [smem:$0x3FB5];
	_ =	sdelay $0x3  }
0x36: {  	p1 =	seq.s32 s10, $0x1;
	s10 =	sld [smem:$0x3FB6];
	_ =	sdelay $0x3  }
0x37: {  	[smem:$0x3FB6] =	sst s10  }
0x38: {  	s10 =	sld [smem:$0x3FB7]  }
0x39: {  	_ = 	snop;
	(pc) =	sbr.ind lr, $3  }
0x3a: {  	_ = 	snop  }
0x3b: {  	_ = 	snop  }
0x3c: {  	p2 =	seq.s32 s10, $0x1;
	s10 =	sld [smem:$0x3FB6]  }
0x3d: {  	_ =	shalt  }
0x3e: {  	_ =	shalt  }
0x3f: {  	_ =	shalt  }
0x40: {  	_ =	shalt  }
0x41: {  	_ =	shalt  }
0x42: {  	_ =	shalt  }
0x43: {  	_ =	shalt  }
0x44: {  	_ =	shalt  }
0x45: {  	_ =	shalt  }
0x46: {  	_ =	shalt  }
0x47: {  	_ =	shalt  }
0x48: {  	_ =	shalt  }
0x49: {  	_ =	shalt  }
0x4a: {  	_ =	shalt  }
0x4b: {  	_ =	shalt  }
0x4c: {  	_ =	shalt  }
0x4d: {  	_ =	shalt  }
0x4e: {  	_ =	shalt  }
0x4f: {  	_ =	shalt  }
0x50: {  	_ =	shalt  }
0x51: {  	_ =	shalt  }
0x52: {  	_ =	shalt  }
0x53: {  	_ =	shalt  }
0x54: {  	_ =	shalt  }
0x55: {  	_ =	shalt  }
0x56: {  	_ =	shalt  }
0x57: {  	_ =	shalt  }
0x58: {  	_ =	shalt  }
0x59: {  	_ =	shalt  }
0x5a: {  	_ =	shalt  }
0x5b: {  	_ =	shalt  }
0x5c: {  	_ =	shalt  }
0x5d: {  	_ =	shalt  }
0x5e: {  	_ =	shalt  }
0x5f: {  	_ =	shalt  }
0x60: {  	_ =	shalt  }
0x61: {  	_ =	shalt  }
0x62: {  	_ =	shalt  }
0x63: {  	_ =	shalt  }
0x64: {  	_ =	shalt  }
0x65: {  	_ =	shalt  }
0x66: {  	_ =	shalt  }
0x67: {  	_ =	shalt  }
0x68: {  	_ =	shalt  }
0x69: {  	_ =	shalt  }
0x6a: {  	_ =	shalt  }
0x6b: {  	_ =	shalt  }
0x6c: {  	_ =	shalt  }
0x6d: {  	_ =	shalt  }
0x6e: {  	_ =	shalt  }
0x6f: {  	_ =	shalt  }
0x70: {  	_ =	shalt  }
0x71: {  	_ =	shalt  }
0x72: {  	_ =	shalt  }
0x73: {  	_ =	shalt  }
0x74: {  	_ =	shalt  }
0x75: {  	_ =	shalt  }
0x76: {  	_ =	shalt  }
0x77: {  	_ =	shalt  }
0x78: {  	_ =	shalt  }
0x79: {  	_ =	shalt  }
0x7a: {  	_ =	shalt  }
0x7b: {  	_ =	shalt  }
0x7c: {  	_ =	shalt  }
0x7d: {  	_ =	shalt  }
0x7e: {  	_ =	shalt  }
0x7f: {  	_ =	shalt  }
0x80: {  	_ =	shalt  }
0x81: {  	_ =	shalt  }
0x82: {  	_ =	shalt  }
0x83: {  	_ =	shalt  }
0x84: {  	_ =	shalt  }
0x85: {  	_ =	shalt  }
0x86: {  	_ =	shalt  }
0x87: {  	_ =	shalt  }
.Lfunc_end0:
.L_simem_size_0:
called_computation_lowered:
.L_overlay_start_0:
0x88: {  	s2 =	sld [smem:$0x3FD9]  }
0x89: {  	s3 =	sld [smem:$0x3FFE];
	_ =	sdelay $0x1  }
0x8a: {  	s1 =	srdreg.scid  }
0x8b: {  	s0 =	sand.u32 $0x1, s1  }
0x8c: {  	s17 =	sshll.u32 s0, $0xA;
	s2 =	sadd.s32 s3, s2  }
0x8d: {  	s2 =	sadd.s32 s2, s17  }
0x8e: {  	[smem:$0x3FC2] =	sst s2  }
0x8f: {  	_ = 	snop  }
0x90: {  	s2 =	sld [smem:$0x3FD0];
	(tm) =	ssettm $0x1  }
0x91: {  	s18 =	sld [smem:$0x3FFB];
	_ =	sdelay $0x3  }
0x92: {  	_ =	strace s18  }
0x93: {  	s3 =	sld [smem:$0x3FFC];
	_ =	sdelay $0x3  }
0x94: {  	_ =	strace s3  }
0x95: {  	s3 =	sld [smem:$0x3FFD];
	_ =	sdelay $0x3  }
0x96: {  	_ =	strace s3  }
0x97: {  	_ =	strace $0x8FFFFFFF  }
0x98: {  	s19 =	sld [smem:$0x3FDB];
	_ =	sdelay $0x1  }
0x99: {  	s4 =	simm.s32 $_scs_section_size  }
0x9a: {  	s5 =	simm.s32 $_size__tile_overlayer_lowered;
	s6 =	simm.s32 $_tile_overlayer_lowered  }
0x9b: {  	s22 =	simm.s32 $0x1BFF;
	s21 =	sshll.u32 s6, $0x1;
	s3 =	sadd.s32 s4, s19  }
0x9c: {  	s7 =	simm.s32 $0x0;
	s20 =	sshll.u32 s5, $0x1;
	s5 =	sadd.s32 s21, s3  }
0x9d: {  	[timem:s7], [sflag:s22] =	dma.local [hbm:s5], s20  }
0x9e: {  	_ =	swait.ge [sflag:s22], s20  }
0x9f: {  	s4 =	ssub.s32 $0x0, s20;
	[sflag:s22] =	ssyncset.done $0x0  }
0xa0: {  	[sflag:s22] =	ssyncadd.s32 s4;
	_ =	sdelay $0x1  }
0xa1: {  	s23 =	simm.s32 $0x1B8B  }
0xa2: {  	_ =	swait.ge [sflag:s23], $0x1  }
0xa3: {  	[sflag:s23] =	ssyncset.done $0x0  }
0xa4: {  	s25 =	simm.s32 $0x1B8E;
	s24 =	sld [smem:$0x3FFE];
	[sflag:s23] =	ssyncadd.s32 $0xFFFFFFFF  }
0xa5: {  	s26 =	simm.s32 $execute0_lowered;
	[smem:$0x3FD2] =	sst s25  }
0xa6: {  	s5 =	sshll.u32 s26, $0x1;
	_ =	strace $0x80000046;
	[dreg:$0x1] =	wrdreg $0xFFFFFFFF  }
0xa7: {  	s28 =	simm.s32 $_size_execute0_lowered;
	s3 =	sadd.s32 s3, s5;
	[dreg:$0x0] =	wrdreg $0x0  }
0xa8: {  	s5 =	sshll.u32 s28, $0x1;
	[dreg:$0x2] =	wrdreg s3  }
0xa9: {  	[dreg:$0x3] =	wrdreg s5  }
0xaa: {  	[dreg:$0x4] =	wrdreg $0xC0  }
0xab: {  	_ =	task [dreg:s7], $0x5FFFF  }
0xac: {  	[dreg:$0x1] =	wrdreg $0xFFFFFFFF  }
0xad: {  	[dreg:$0x0] =	wrdreg $0x60  }
0xae: {  	[dreg:$0x2] =	wrdreg s24  }
0xaf: {  	[dreg:$0x3] =	wrdreg s2  }
0xb0: {  	[dreg:$0x4] =	wrdreg $0x54000  }
0xb1: {  	[dreg:$0x5] =	wrdreg $0x9  }
0xb2: {  	_ =	task.clear_ibuf [dreg:s7], $0x6FFFF;
	_ =	strace $0x90000046  }
0xb3: {  	s29 =	simm.s32 $0x9;
	_ =	strace $0x80000048  }
0xb4: {  	_ =	swait.ge [sflag:s29], $0x1  }
0xb5: {  	[sflag:s29] =	ssyncadd.s32 $0xFFFFFFFF  }
0xb6: {  	_ =	strace $0x90000048  }
0xb7: {  	_ =	sfence  }
0xb8: {  	s30 =	sld [smem:$0x0];
	_ =	sdelay $0x2  }
0xb9: {  	s31 =	sshll.u32 s1, $0xD;
	s1 =	sshrl.u32 s1, $0x2  }
0xba: {  	s3 =	sand.u32 $0x4000, s31;
	s1 =	sadd.s32 s1, s30  }
0xbb: {  	s0 =	sor.u32 s3, s0;
	s1 =	sshll.u32 s1, $0x11  }
0xbc: {  	s0 =	sor.u32 s1, s0  }
0xbd: {  	s0 =	sadd.s32 $0x8F2B, s0  }
0xbe: {  	[sflag:s0] =	ssyncadd.remote.s32 $0x1  }
0xbf: {  	_ =	sfence.sel $0xFFFF  }
0xc0: {  	[dreg:$0x0] =	wrdreg $0xFFFFFFFF;
	(pc) =	sbr.abs _section_cstart, $3  }
0xc1: {  	[dreg:$0x1] =	wrdreg $0xFFFFFFFF  }
0xc2: {  	_ =	task.clear_ibuf [dreg:s7], $0x2FFFF;
	_ =	strace $0x9FFFFFFF  }
0xc3: {  	(tm) =	ssettm $0x7FFFFFFF  }
tec
execute0_lowered:
.L_overlay_start_1:
0x0: {  	(tag) =	ssettag $0x1  }
0x1: {  	s7 =	rddreg [dreg:$0x0]  }
0x2: {  	s9 =	rddreg [dreg:$0x1]  }
0x3: {  	s0 =	srdreg.scid;
	s2 =	rddreg [dreg:$0x2]  }
0x4: {  	s1 =	stileid.u32;
	s3 =	simm.s32 $0x0;
	s16 =	simm.s32 $0x1400  }
0x5: {  	s17 =	simm.s32 $0x80;
	s6 =	sand.u32 $0x1, s0;
	s0 =	rddreg [dreg:$0x3]  }
0x6: {  	s18 =	simm.s32 $0x0;
	s5 =	smul.u32 $0x14000, s1;
	[smem:$0x7FF] =	sst s3  }
0x7: {  	s11 =	sshll.u32 s1, $0x1;
	s12 =	smul.u32 $0x50000, s1;
	s31 =	sshll.u32 s1, $0x6  }
0x8: {  	s4 =	smul.u32 $0x140000, s6;
	_ =	strace $0x80000047;
	s10 =	ssub.s32 $0x2, s6  }
0x9: {  	s6 =	sor.u32 s6, s11;
	s13 =	sshrl.u32 s10, $0x1;
	s30 =	sshrl.u32 s12, $0x2  }
0xa: {  	s14 =	smul.u32 $0x500, s6;
	s6 =	sor.u32 $0x1C01, s31;
	s8 =	sadd.s32 s5, s4  }
0xb: {  	s4 =	sadd.s32 $0x3200, s7;
	s5 =	sadd.s32 $0x4200, s7;
	s10 =	ssub.s32 s10, s13  }
0xc: {  	s15 =	sadd.s32 s30, s2;
	s8 =	sshrl.u32 s8, $0x3;
	s9 =	sadd.s32 s9, s14  }
0xd: {  	s10 =	smax.u32 s10, $0x1;
	s14 =	sshrl.u32 s15, $0x3;
	s15 =	simm.s32 $0x1  }
0xe: {  	s8 =	sadd.s32 s8, s7;
	s7 =	sadd.s32 $0x3A00, s7;
	s11 =	sadd.s32 $0x280, s9  }
0xf: {  	s12 =	sadd.s32 $0xA000, s9;
	s13 =	sadd.s32 $0xA280, s9;
	s8 =	sadd.s32 $0x6A00, s8  }
.LBB2_1:
0x10: {  	[spmem:s14], [sflag:s6] =	dma.local [hbm:s5], $0x2800  }
0x11: {  	_ =	swait.ge [sflag:s15], $0x2800  }
0x12: {  	[sflag:s15] =	ssyncset.done $0x0  }
0x13: {  	[sflag:s15] =	ssyncadd.s32 $0xFFFFD800  }
0x14: {  	[bflag:$0x0] =	sbarrier.arrive $0xFFFF  }
0x15: {  	[tilespmem:s16], [sflag:$0x1] =	stream.linear.gather [hbm4b:s4+s3], $0x4000, $0x38;
	[tilespmem:$0x19400] =	vst v63  }
0x16: {  	_ =	swait.ge [sflag:s15], $0x4000  }
0x17: {  	[sflag:s15] =	ssyncset.done $0x0  }
0x18: {  	[sflag:s15] =	ssyncadd.s32 $0xFFFFC000  }
0x19: {  	[tilespmem:s3], [sflag:$0x1] =	stream.linear.gather [hbm4b:s9+s3], $0x1400, $0x38;
	[tilespmem:$0x19400] =	vst v63  }
0x1a: {  	_ =	swait.ge [sflag:s15], $0x1400  }
0x1b: {  	[sflag:s15] =	ssyncset.done $0x0  }
0x1c: {  	s19 =	simm.s32 $0x0;
	[sflag:s15] =	ssyncadd.s32 $0xFFFFEC00  }
0x1d: {  	[spmem:s2] =	stream.indirect.scatter.add.f32 [tilespmem:s16], [sflag:$0x1], $0x80, s19, s17, $0xb8;
	[tilespmem:$0x19400] =	vst v63  }
0x1e: {  	_ =	swait.ge [sflag:s15], $0x4000  }
0x1f: {  	s19 =	simm.s32 $0x200;
	[sflag:s15] =	ssyncset.done $0x0  }
.LBB2_2:
0x20: {  	s20 =	sshra.s32 s19, $0x2;
	[sflag:s15] =	ssyncadd.s32 $0xFFFFC000;
	p0 =	sne.s32 s19, $0x4E00  }
0x21: {  	[spmem:s2] =	stream.indirect.scatter.add.f32 [tilespmem:s16], [sflag:$0x1], $0x80, s20, s17, $0xb8;
	[tilespmem:$0x19400] =	vst v63  }
.Ltmp0:
0x22: {  	_ = 	snop;
	(pc) =	sbr.rel @p0 .LBB2_2-.Ltmp0, $4  }
0x23: {  	_ = 	snop  }
0x24: {  	s19 =	sadd.s32 $0x200, s19  }
0x25: {  	_ =	swait.ge [sflag:s15], $0x4000  }
0x26: {  	[sflag:s15] =	ssyncset.done $0x0  }
0x27: {  	[sflag:s15] =	ssyncadd.s32 $0xFFFFC000;
	s19 =	simm.s32 $0x0  }
0x28: {  	[tilespmem:s19], [sflag:$0x1] =	stream.linear.gather [hbm4b:s11+s19], $0x1400, $0x38;
	[tilespmem:$0x19400] =	vst v63  }
0x29: {  	_ =	swait.ge [sflag:s15], $0x1400  }
0x2a: {  	[sflag:s15] =	ssyncset.done $0x0  }
0x2b: {  	s31 =	simm.s32 $0x0;
	[sflag:s15] =	ssyncadd.s32 $0xFFFFEC00  }
0x2c: {  	[spmem:s2] =	stream.indirect.scatter.add.f32 [tilespmem:s16], [sflag:$0x1], $0x80, s31, s17, $0xb8;
	[tilespmem:$0x19400] =	vst v63  }
0x2d: {  	_ =	swait.ge [sflag:s15], $0x4000  }
0x2e: {  	s19 =	simm.s32 $0x200;
	[sflag:s15] =	ssyncset.done $0x0  }
.LBB2_4:
0x2f: {  	s20 =	sshra.s32 s19, $0x2;
	[sflag:s15] =	ssyncadd.s32 $0xFFFFC000;
	p0 =	sne.s32 s19, $0x4E00  }
0x30: {  	[spmem:s2] =	stream.indirect.scatter.add.f32 [tilespmem:s16], [sflag:$0x1], $0x80, s20, s17, $0xb8;
	[tilespmem:$0x19400] =	vst v63  }
.Ltmp1:
0x31: {  	_ = 	snop;
	(pc) =	sbr.rel @p0 .LBB2_4-.Ltmp1, $4  }
0x32: {  	_ = 	snop  }
0x33: {  	s19 =	sadd.s32 $0x200, s19  }
0x34: {  	_ =	swait.ge [sflag:s15], $0x4000  }
0x35: {  	[sflag:s15] =	ssyncset.done $0x0  }
0x36: {  	[sflag:s15] =	ssyncadd.s32 $0xFFFFC000;
	s19 =	simm.s32 $0x0  }
0x37: {  	[tilespmem:s16], [sflag:$0x1] =	stream.linear.gather [hbm4b:s7+s19], $0x4000, $0x38;
	[tilespmem:$0x19400] =	vst v63  }
0x38: {  	_ =	swait.ge [sflag:s15], $0x4000  }
0x39: {  	[sflag:s15] =	ssyncset.done $0x0  }
0x3a: {  	[sflag:s15] =	ssyncadd.s32 $0xFFFFC000  }
0x3b: {  	[tilespmem:s19], [sflag:$0x1] =	stream.linear.gather [hbm4b:s12+s19], $0x1400, $0x38;
	[tilespmem:$0x19400] =	vst v63  }
0x3c: {  	_ =	swait.ge [sflag:s15], $0x1400  }
0x3d: {  	[sflag:s15] =	ssyncset.done $0x0  }
0x3e: {  	s31 =	simm.s32 $0x0;
	[sflag:s15] =	ssyncadd.s32 $0xFFFFEC00  }
0x3f: {  	[spmem:s2] =	stream.indirect.scatter.add.f32 [tilespmem:s16], [sflag:$0x1], $0x80, s31, s17, $0xb8;
	[tilespmem:$0x19400] =	vst v63  }
0x40: {  	_ =	swait.ge [sflag:s15], $0x4000  }
0x41: {  	s19 =	simm.s32 $0x200;
	[sflag:s15] =	ssyncset.done $0x0  }
.LBB2_6:
0x42: {  	s20 =	sshra.s32 s19, $0x2;
	[sflag:s15] =	ssyncadd.s32 $0xFFFFC000;
	p0 =	sne.s32 s19, $0x4E00  }
0x43: {  	[spmem:s2] =	stream.indirect.scatter.add.f32 [tilespmem:s16], [sflag:$0x1], $0x80, s20, s17, $0xb8;
	[tilespmem:$0x19400] =	vst v63  }
.Ltmp2:
0x44: {  	_ = 	snop;
	(pc) =	sbr.rel @p0 .LBB2_6-.Ltmp2, $4  }
0x45: {  	_ = 	snop  }
0x46: {  	s19 =	sadd.s32 $0x200, s19  }
0x47: {  	_ =	swait.ge [sflag:s15], $0x4000  }
0x48: {  	[sflag:s15] =	ssyncset.done $0x0  }
0x49: {  	[sflag:s15] =	ssyncadd.s32 $0xFFFFC000;
	s19 =	simm.s32 $0x0  }
0x4a: {  	[tilespmem:s19], [sflag:$0x1] =	stream.linear.gather [hbm4b:s13+s19], $0x1400, $0x38;
	[tilespmem:$0x19400] =	vst v63  }
0x4b: {  	_ =	swait.ge [sflag:s15], $0x1400  }
0x4c: {  	[sflag:s15] =	ssyncset.done $0x0  }
0x4d: {  	s31 =	simm.s32 $0x0;
	[sflag:s15] =	ssyncadd.s32 $0xFFFFEC00  }
0x4e: {  	[spmem:s2] =	stream.indirect.scatter.add.f32 [tilespmem:s16], [sflag:$0x1], $0x80, s31, s17, $0xb8;
	[tilespmem:$0x19400] =	vst v63  }
0x4f: {  	_ =	swait.ge [sflag:s15], $0x4000  }
0x50: {  	s19 =	simm.s32 $0x200;
	[sflag:s15] =	ssyncset.done $0x0  }
.LBB2_8:
0x51: {  	s20 =	sshra.s32 s19, $0x2;
	[sflag:s15] =	ssyncadd.s32 $0xFFFFC000;
	p0 =	sne.s32 s19, $0x4E00  }
0x52: {  	[spmem:s2] =	stream.indirect.scatter.add.f32 [tilespmem:s16], [sflag:$0x1], $0x80, s20, s17, $0xb8;
	[tilespmem:$0x19400] =	vst v63  }
.Ltmp3:
0x53: {  	_ = 	snop;
	(pc) =	sbr.rel @p0 .LBB2_8-.Ltmp3, $4  }
0x54: {  	_ = 	snop  }
0x55: {  	s19 =	sadd.s32 $0x200, s19  }
0x56: {  	_ =	swait.ge [sflag:s15], $0x4000  }
0x57: {  	[sflag:s15] =	ssyncset.done $0x0  }
0x58: {  	s18 =	sadd.s32 $0x1, s18  }
0x59: {  	[sflag:s15] =	ssyncadd.s32 $0xFFFFC000;
	p0 =	sne.s32 s18, s10  }
.Ltmp4:
0x5a: {  	[bflag:$0x0] =	sbarrier.arrive $0xFFFF;
	(pc) =	sbr.rel @p0 .LBB2_1-.Ltmp4, $4  }
0x5b: {  	[hbm:s8], [sflag:s6] =	dma.local [spmem:s14], $0x2800  }
0x5c: {  	_ =	swait.ge [sflag:s15], $0x2800  }
0x5d: {  	[sflag:s15] =	ssyncset.done $0x0  }
0x5e: {  	[sflag:s15] =	ssyncadd.s32 $0xFFFFD800  }
0x5f: {  	_ =	sfence.sel $0x180000  }
0x60: {  	[bflag:$0x0] =	sbarrier.arrive $0xFFFF  }
0x61: {  	p0 =	sne.s32 s1, $0x0;
	_ =	strace $0x90000047  }
0x62: {  	s0 =	sadd.s32 @!p0 $0x100000, s0;
	[bflag:$0x2] =	sbarrier.arrive $0xFFFF  }
0x63: {  	[sflag:s0] =	ssyncadd.tile.s32 @!p0 $0x1;
	_ =	shalt  }
.Lfunc_end2:
_tile_overlayer_lowered:
.L_overlay_start_2:
0x64: {  	(tag) =	ssettag $0x2  }
0x65: {  	s0 =	rddreg [dreg:$0x0];
	s2 =	stileid.u32  }
0x66: {  	s1 =	rddreg [dreg:$0x1];
	p0 =	sne.s32 s2, $0x0  }
0x67: {  	s3 =	rddreg [dreg:$0x2];
	[bflag:$0x3] =	sbarrier.arrive $0xFFFF;
	s2 =	simm.s32 @!p0 $0x1C01  }
0x68: {  	[timem:s3], [sflag:s2] =	dma.local @!p0 [hbm:s0], s1  }
0x69: {  	s0 =	simm.s32 @!p0 $0x1  }
0x6a: {  	_ =	swait.ge @!p0 [sflag:s0], s1  }
0x6b: {  	s1 =	ssub.s32 @!p0 $0x0, s1;
	[sflag:s0] =	ssyncset.done @!p0 $0x0  }
0x6c: {  	[sflag:s0] =	ssyncadd.s32 @!p0 s1  }
0x6d: {  	[bflag:$0x3] =	sbarrier.arrive $0xFFFF  }
0x6e: {  	_ =	shalt  }

// kernel: kernel.13.cloned.1.call-start
scs
__scs_entry_jumppad:
0x0: {  	(pc) =	sbr.rel $0x88, $3  }
0x1: {  	(tag) =	ssettag $0x0;
	lr =	simm.s32 $0x1  }
0x2: {  	[smem:$0x3F9B] =	sst lr;
	_ =	strace $0xD0000000  }
0x3: {  	_ = 	snop  }
0x4: {  	_ = 	snop  }
0x5: {  	_ = 	snop  }
0x6: {  	_ = 	snop  }
0x7: {  	_ = 	snop  }
__scs_overlays_trampoline_lowered:
0x8: {  	[smem:$0x3FAA] =	sst s0  }
0x9: {  	[smem:$0x3FAB] =	sst s1  }
0xa: {  	[smem:$0x3FAC] =	sst s2  }
0xb: {  	[smem:$0x3FAD] =	sst s3  }
0xc: {  	[smem:$0x3FAE] =	sst s4  }
0xd: {  	[smem:$0x3FAF] =	sst s5  }
0xe: {  	[smem:$0x3FB0] =	sst s6  }
0xf: {  	[smem:$0x3FB1] =	sst s7  }
0x10: {  	[smem:$0x3FB2] =	sst s8  }
0x11: {  	[smem:$0x3FB3] =	sst s9;
	s0 =	simm.s32 @!p0 $0x0  }
0x12: {  	s1 =	sld [smem:$0x3F99];
	s0 =	simm.s32 @p0 $0x1  }
0x13: {  	[smem:$0x3FB4] =	sst s0;
	s0 =	simm.s32 @!p1 $0x0  }
0x14: {  	s2 =	sld [smem:$0x3F98];
	s0 =	simm.s32 @p1 $0x1  }
0x15: {  	[smem:$0x3FB5] =	sst s0;
	s0 =	simm.s32 @!p2 $0x0  }
0x16: {  	s3 =	sld [smem:$0x3FDB];
	s0 =	simm.s32 @p2 $0x1  }
0x17: {  	s4 =	simm.s32 $0x1BF5;
	[smem:$0x3FB7] =	sst s0  }
0x18: {  	s0 =	sld [smem:$0x3F9A];
	_ =	swait.ge [sflag:s4], $0x0  }
0x19: {  	s7 =	sld [smem:$0x3F9B]  }
0x1a: {  	s8 =	sadd.s32 $0xFFFFE003, lr  }
0x1b: {  	s9 =	sadd.s32 $0xFFFFFEF7, lr;
	s5 =	simm.s32 $0xFFFFFFFF;
	p2 =	slt.u32 s8, $0xFFFFF086  }
0x1c: {  	p1 =	slt.u32 s9, $0xF7A;
	s5 =	simm.s32 @!p2 $0x0  }
0x1d: {  	s5 =	simm.s32 @p1 $0x1;
	p0 =	seq.s32 s7, s2  }
0x1e: {  	s7 =	smul.u32 @!p0 $0xF7A, s2;
	p2 =	seq.s32 @!p0 s5, $0x0  }
0x1f: {  	s9 =	smul.u32 $0xF7A, s1;
	s8 =	simm.s32 @!p0 $0x1BF5;
	p2 =	por !p2, p0  }
0x20: {  	[sflag:s8] =	ssyncset.s32 @!p0 $0xFFFFF086;
	s6 =	sadd.s32 @!p0 s3, s7;
	s7 =	simm.s32 @!p0 $0x108  }
0x21: {  	s3 =	sadd.s32 s3, s9;
	s6 =	sadd.s32 @!p0 $0x88, s6;
	s7 =	simm.s32 @p2 $0x1082  }
0x22: {  	[simem:s7], [sflag:s8] =	dma.local @!p0 [hbm:s6], $0xF7A  }
0x23: {  	s9 =	sor.u32 $0xD0000000, s2;
	s6 =	simm.s32 $0x108;
	_ =	swait.ge @!p0 [sflag:s8], $0x0  }
0x24: {  	s3 =	sadd.s32 $0x88, s3;
	s6 =	simm.s32 @!p1 $0x1082;
	[sflag:s4] =	ssyncset.s32 $0xFFFFF086  }
0x25: {  	[simem:s6], [sflag:s4] =	dma.local [hbm:s3], $0xF7A  }
0x26: {  	[smem:$0x3F9B] =	sst s1;
	(tag) =	ssettag s2;
	_ =	strace s9  }
0x27: {  	s1 =	sld [smem:$0x3FAB]  }
0x28: {  	s2 =	sld [smem:$0x3FAC]  }
0x29: {  	s4 =	sld [smem:$0x3FAE]  }
0x2a: {  	p0 =	seq.s32 s5, $0x0;
	s5 =	sld [smem:$0x3FAF]  }
0x2b: {  	s6 =	sld [smem:$0x3FB0]  }
0x2c: {  	s7 =	sld [smem:$0x3FB1]  }
0x2d: {  	s3 =	simm.s32 $0x108;
	s8 =	sld [smem:$0x3FB2]  }
0x2e: {  	s3 =	simm.s32 @!p0 $0x1082;
	s9 =	sld [smem:$0x3FB3]  }
0x2f: {  	lr =	sadd.s32 s0, s3;
	s0 =	sld [smem:$0x3FAA]  }
0x30: {  	s3 =	sld [smem:$0x3FAD]  }
0x31: {  	[smem:$0x3FB6] =	sst s10  }
0x32: {  	s10 =	sld [smem:$0x3FB4];
	_ =	sdelay $0x3  }
0x33: {  	p0 =	seq.s32 s10, $0x1;
	s10 =	sld [smem:$0x3FB6];
	_ =	sdelay $0x3  }
0x34: {  	[smem:$0x3FB6] =	sst s10  }
0x35: {  	s10 =	sld [smem:$0x3FB5];
	_ =	sdelay $0x3  }
0x36: {  	p1 =	seq.s32 s10, $0x1;
	s10 =	sld [smem:$0x3FB6];
	_ =	sdelay $0x3  }
0x37: {  	[smem:$0x3FB6] =	sst s10  }
0x38: {  	s10 =	sld [smem:$0x3FB7]  }
0x39: {  	_ = 	snop;
	(pc) =	sbr.ind lr, $3  }
0x3a: {  	_ = 	snop  }
0x3b: {  	_ = 	snop  }
0x3c: {  	p2 =	seq.s32 s10, $0x1;
	s10 =	sld [smem:$0x3FB6]  }
0x3d: {  	_ =	shalt  }
0x3e: {  	_ =	shalt  }
0x3f: {  	_ =	shalt  }
0x40: {  	_ =	shalt  }
0x41: {  	_ =	shalt  }
0x42: {  	_ =	shalt  }
0x43: {  	_ =	shalt  }
0x44: {  	_ =	shalt  }
0x45: {  	_ =	shalt  }
0x46: {  	_ =	shalt  }
0x47: {  	_ =	shalt  }
0x48: {  	_ =	shalt  }
0x49: {  	_ =	shalt  }
0x4a: {  	_ =	shalt  }
0x4b: {  	_ =	shalt  }
0x4c: {  	_ =	shalt  }
0x4d: {  	_ =	shalt  }
0x4e: {  	_ =	shalt  }
0x4f: {  	_ =	shalt  }
0x50: {  	_ =	shalt  }
0x51: {  	_ =	shalt  }
0x52: {  	_ =	shalt  }
0x53: {  	_ =	shalt  }
0x54: {  	_ =	shalt  }
0x55: {  	_ =	shalt  }
0x56: {  	_ =	shalt  }
0x57: {  	_ =	shalt  }
0x58: {  	_ =	shalt  }
0x59: {  	_ =	shalt  }
0x5a: {  	_ =	shalt  }
0x5b: {  	_ =	shalt  }
0x5c: {  	_ =	shalt  }
0x5d: {  	_ =	shalt  }
0x5e: {  	_ =	shalt  }
0x5f: {  	_ =	shalt  }
0x60: {  	_ =	shalt  }
0x61: {  	_ =	shalt  }
0x62: {  	_ =	shalt  }
0x63: {  	_ =	shalt  }
0x64: {  	_ =	shalt  }
0x65: {  	_ =	shalt  }
0x66: {  	_ =	shalt  }
0x67: {  	_ =	shalt  }
0x68: {  	_ =	shalt  }
0x69: {  	_ =	shalt  }
0x6a: {  	_ =	shalt  }
0x6b: {  	_ =	shalt  }
0x6c: {  	_ =	shalt  }
0x6d: {  	_ =	shalt  }
0x6e: {  	_ =	shalt  }
0x6f: {  	_ =	shalt  }
0x70: {  	_ =	shalt  }
0x71: {  	_ =	shalt  }
0x72: {  	_ =	shalt  }
0x73: {  	_ =	shalt  }
0x74: {  	_ =	shalt  }
0x75: {  	_ =	shalt  }
0x76: {  	_ =	shalt  }
0x77: {  	_ =	shalt  }
0x78: {  	_ =	shalt  }
0x79: {  	_ =	shalt  }
0x7a: {  	_ =	shalt  }
0x7b: {  	_ =	shalt  }
0x7c: {  	_ =	shalt  }
0x7d: {  	_ =	shalt  }
0x7e: {  	_ =	shalt  }
0x7f: {  	_ =	shalt  }
0x80: {  	_ =	shalt  }
0x81: {  	_ =	shalt  }
0x82: {  	_ =	shalt  }
0x83: {  	_ =	shalt  }
0x84: {  	_ =	shalt  }
0x85: {  	_ =	shalt  }
0x86: {  	_ =	shalt  }
0x87: {  	_ =	shalt  }
.Lfunc_end0:
.L_simem_size_0:
called_computation.1_lowered:
.L_overlay_start_0:
0x88: {  	s2 =	sld [smem:$0x3FD9]  }
0x89: {  	s3 =	sld [smem:$0x3FFE];
	_ =	sdelay $0x1  }
0x8a: {  	s1 =	srdreg.scid  }
0x8b: {  	s0 =	sand.u32 $0x1, s1  }
0x8c: {  	s17 =	sshll.u32 s0, $0xA;
	s2 =	sadd.s32 s3, s2  }
0x8d: {  	s2 =	sadd.s32 s2, s17  }
0x8e: {  	[smem:$0x3FC2] =	sst s2  }
0x8f: {  	_ = 	snop  }
0x90: {  	s2 =	sld [smem:$0x3FD0];
	(tm) =	ssettm $0x1  }
0x91: {  	s18 =	sld [smem:$0x3FFB];
	_ =	sdelay $0x3  }
0x92: {  	_ =	strace s18  }
0x93: {  	s3 =	sld [smem:$0x3FFC];
	_ =	sdelay $0x3  }
0x94: {  	_ =	strace s3  }
0x95: {  	s3 =	sld [smem:$0x3FFD];
	_ =	sdelay $0x3  }
0x96: {  	_ =	strace s3  }
0x97: {  	_ =	strace $0x8FFFFFFF  }
0x98: {  	s19 =	sld [smem:$0x3FDB];
	_ =	sdelay $0x1  }
0x99: {  	s4 =	simm.s32 $_scs_section_size  }
0x9a: {  	s5 =	simm.s32 $_size__tile_overlayer_lowered;
	s6 =	simm.s32 $_tile_overlayer_lowered  }
0x9b: {  	s22 =	simm.s32 $0x1BFF;
	s21 =	sshll.u32 s6, $0x1;
	s3 =	sadd.s32 s4, s19  }
0x9c: {  	s7 =	simm.s32 $0x0;
	s20 =	sshll.u32 s5, $0x1;
	s5 =	sadd.s32 s21, s3  }
0x9d: {  	[timem:s7], [sflag:s22] =	dma.local [hbm:s5], s20  }
0x9e: {  	_ =	swait.ge [sflag:s22], s20  }
0x9f: {  	s4 =	ssub.s32 $0x0, s20;
	[sflag:s22] =	ssyncset.done $0x0  }
0xa0: {  	[sflag:s22] =	ssyncadd.s32 s4;
	_ =	sdelay $0x1  }
0xa1: {  	s23 =	simm.s32 $0x1B8B  }
0xa2: {  	_ =	swait.ge [sflag:s23], $0x1  }
0xa3: {  	[sflag:s23] =	ssyncset.done $0x0  }
0xa4: {  	s25 =	simm.s32 $0x1B8E;
	s24 =	sld [smem:$0x3FFE];
	[sflag:s23] =	ssyncadd.s32 $0xFFFFFFFF  }
0xa5: {  	s26 =	simm.s32 $execute0_lowered;
	[smem:$0x3FD2] =	sst s25  }
0xa6: {  	s5 =	sshll.u32 s26, $0x1;
	_ =	strace $0x80000049;
	[dreg:$0x1] =	wrdreg $0xFFFFFFFF  }
0xa7: {  	s28 =	simm.s32 $_size_execute0_lowered;
	s3 =	sadd.s32 s3, s5;
	[dreg:$0x0] =	wrdreg $0x0  }
0xa8: {  	s5 =	sshll.u32 s28, $0x1;
	[dreg:$0x2] =	wrdreg s3  }
0xa9: {  	[dreg:$0x3] =	wrdreg s5  }
0xaa: {  	[dreg:$0x4] =	wrdreg $0xC0  }
0xab: {  	_ =	task [dreg:s7], $0x5FFFF  }
0xac: {  	[dreg:$0x1] =	wrdreg $0xFFFFFFFF  }
0xad: {  	[dreg:$0x0] =	wrdreg $0x60  }
0xae: {  	[dreg:$0x2] =	wrdreg s2  }
0xaf: {  	[dreg:$0x3] =	wrdreg s24  }
0xb0: {  	[dreg:$0x4] =	wrdreg $0xA8000  }
0xb1: {  	[dreg:$0x5] =	wrdreg $0x9  }
0xb2: {  	_ =	task.clear_ibuf [dreg:s7], $0x6FFFF;
	_ =	strace $0x90000049  }
0xb3: {  	s29 =	simm.s32 $0x9;
	_ =	strace $0x8000004B  }
0xb4: {  	_ =	swait.ge [sflag:s29], $0x1  }
0xb5: {  	[sflag:s29] =	ssyncadd.s32 $0xFFFFFFFF  }
0xb6: {  	_ =	strace $0x9000004B  }
0xb7: {  	_ =	sfence  }
0xb8: {  	s30 =	sld [smem:$0x0];
	_ =	sdelay $0x2  }
0xb9: {  	s31 =	sshll.u32 s1, $0xD;
	s1 =	sshrl.u32 s1, $0x2  }
0xba: {  	s3 =	sand.u32 $0x4000, s31;
	s1 =	sadd.s32 s1, s30  }
0xbb: {  	s0 =	sor.u32 s3, s0;
	s1 =	sshll.u32 s1, $0x11  }
0xbc: {  	s0 =	sor.u32 s1, s0  }
0xbd: {  	s0 =	sadd.s32 $0x8F2B, s0  }
0xbe: {  	[sflag:s0] =	ssyncadd.remote.s32 $0x1  }
0xbf: {  	_ =	sfence.sel $0xFFFF  }
0xc0: {  	[dreg:$0x0] =	wrdreg $0xFFFFFFFF;
	(pc) =	sbr.abs _section_cstart, $3  }
0xc1: {  	[dreg:$0x1] =	wrdreg $0xFFFFFFFF  }
0xc2: {  	_ =	task.clear_ibuf [dreg:s7], $0x2FFFF;
	_ =	strace $0x9FFFFFFF  }
0xc3: {  	(tm) =	ssettm $0x7FFFFFFF  }
tec
execute0_lowered:
.L_overlay_start_1:
0x0: {  	(tag) =	ssettag $0x1  }
0x1: {  	s1 =	rddreg [dreg:$0x0]  }
0x2: {  	s8 =	rddreg [dreg:$0x1]  }
0x3: {  	s2 =	rddreg [dreg:$0x2];
	s3 =	srdreg.scid  }
0x4: {  	s0 =	rddreg [dreg:$0x3];
	s4 =	simm.s32 $0x0;
	s14 =	simm.s32 $0x1400  }
0x5: {  	s15 =	simm.s32 $0x80;
	s16 =	simm.s32 $0x2800;
	s17 =	simm.s32 $0x6800  }
0x6: {  	s18 =	simm.s32 $0x1;
	s19 =	simm.s32 $0x2;
	s9 =	sand.u32 $0x1, s3  }
0x7: {  	s20 =	simm.s32 $0x2700;
	s3 =	stileid.u32;
	s10 =	smul.u32 $0x140000, s9  }
0x8: {  	s21 =	simm.s32 $0x2780;
	[smem:$0x7FF] =	sst s4;
	s11 =	smul.u32 $0x14000, s3  }
0x9: {  	s5 =	sadd.s32 $0x6AA00, s8;
	s6 =	sadd.s32 $0x74A00, s8;
	s12 =	smul.u32 $0x28, s3  }
0xa: {  	s7 =	sadd.s32 $0x4200, s8;
	_ =	strace $0x8000004A;
	s13 =	smul.u32 $0x50000, s3  }
0xb: {  	s28 =	ssub.s32 $0x2, s9;
	p0 =	seq.s32 s9, $0x1;
	s9 =	smul.u32 $0x78, s3  }
0xc: {  	s31 =	sshll.u32 s3, $0x6;
	s29 =	sshrl.u32 s28, $0x1;
	s10 =	sadd.s32 s11, s10  }
0xd: {  	s11 =	ssub.s32 s28, s29;
	s30 =	sshrl.u32 s13, $0x2;
	s10 =	sshrl.u32 s10, $0x3  }
0xe: {  	s13 =	simm.s32 $0x3;
	s10 =	sadd.s32 s10, s8;
	s8 =	sadd.s32 $0x780, s12  }
0xf: {  	s11 =	smax.u32 s11, $0x1;
	s12 =	sadd.s32 s30, s2;
	s8 =	smov.u32 @p0 s9  }
0x10: {  	s9 =	sor.u32 $0x1C03, s31;
	s10 =	sadd.s32 $0x7EA00, s10;
	s12 =	sshrl.u32 s12, $0x3  }
.LBB2_1:
0x11: {  	[spmem:s12], [sflag:s9] =	dma.local [hbm:s7], $0x2800  }
0x12: {  	_ =	swait.ge [sflag:s13], $0x2800  }
0x13: {  	[sflag:s13] =	ssyncset.done $0x0  }
0x14: {  	[sflag:s13] =	ssyncadd.s32 $0xFFFFD800  }
0x15: {  	s22 =	simm.s32 $0x0;
	[bflag:$0x0] =	sbarrier.arrive $0xFFFF  }
.LBB2_2:
0x16: {  	s23 =	smul.u32 $0x28, s22;
	_ =	sdelay $0x1  }
0x17: {  	s23 =	sadd.s32 s8, s23  }
0x18: {  	s23 =	sshll.u32 s23, $0x4  }
0x19: {  	s25 =	simm.s32 $0x0;
	s24 =	sadd.s32 s5, s23  }
0x1a: {  	[tilespmem:s25], [sflag:$0x3] =	stream.linear.gather [hbm4b:s24+s25], $0x1400, $0x38;
	[tilespmem:$0x1E800] =	vst v63  }
0x1b: {  	_ =	swait.ge [sflag:s13], $0x1400  }
0x1c: {  	[sflag:s13] =	ssyncset.done $0x0  }
0x1d: {  	s23 =	sadd.s32 s6, s23;
	[sflag:s13] =	ssyncadd.s32 $0xFFFFEC00  }
0x1e: {  	[tilespmem:s14], [sflag:$0x3] =	stream.linear.gather [hbm4b:s23+s25], $0x1400, $0x38;
	[tilespmem:$0x1E800] =	vst v63  }
0x1f: {  	_ =	swait.ge [sflag:s13], $0x1400  }
0x20: {  	[sflag:s13] =	ssyncset.done $0x0  }
0x21: {  	[sflag:s13] =	ssyncadd.s32 $0xFFFFEC00  }
0x22: {  	[tilespmem:s16], [sflag:$0x1] =	stream.indirect.gather [hbm4b:s1+s15], $0x80, s25, s15, $0xb8;
	[tilespmem:$0x1E800] =	vst v63  }
0x23: {  	_ = 	snop  }
0x24: {  	[tilespmem:s17], [sflag:$0x2] =	stream.indirect.gather [hbm4b:s1+s15], $0x80, s15, s15, $0xb8;
	[tilespmem:$0x1E800] =	vst v63  }
0x25: {  	_ =	swait.ge [sflag:s18], $0x4000  }
0x26: {  	[sflag:s18] =	ssyncset.done $0x0  }
0x27: {  	s29 =	simm.s32 $0x1400;
	[sflag:s18] =	ssyncadd.s32 $0xFFFFC000  }
0x28: {  	[spmem:s2] =	stream.indirect.scatter.add.f32 [tilespmem:s16], [sflag:$0x3], $0x80, s29, s15, $0xb8;
	[tilespmem:$0x1E800] =	vst v63  }
0x29: {  	_ =	swait.ge [sflag:s13], $0x4000  }
0x2a: {  	[sflag:s13] =	ssyncset.done $0x0  }
0x2b: {  	s30 =	simm.s32 $0x100;
	[sflag:s13] =	ssyncadd.s32 $0xFFFFC000  }
0x2c: {  	[tilespmem:s16], [sflag:$0x1] =	stream.indirect.gather [hbm4b:s1+s15], $0x80, s30, s15, $0xb8;
	[tilespmem:$0x1E800] =	vst v63  }
0x2d: {  	_ =	swait.ge [sflag:s19], $0x4000  }
0x2e: {  	[sflag:s19] =	ssyncset.done $0x0  }
0x2f: {  	s31 =	simm.s32 $0x1480;
	[sflag:s19] =	ssyncadd.s32 $0xFFFFC000  }
0x30: {  	[spmem:s2] =	stream.indirect.scatter.add.f32 [tilespmem:s17], [sflag:$0x3], $0x80, s31, s15, $0xb8;
	[tilespmem:$0x1E800] =	vst v63  }
0x31: {  	_ =	swait.ge [sflag:s13], $0x4000  }
0x32: {  	[sflag:s13] =	ssyncset.done $0x0  }
0x33: {  	s24 =	simm.s32 $0x180;
	s23 =	simm.s32 $0x400;
	[sflag:s13] =	ssyncadd.s32 $0xFFFFC000  }
.LBB2_3:
0x34: {  	[tilespmem:s17], [sflag:$0x2] =	stream.indirect.gather [hbm4b:s1+s15], $0x80, s24, s15, $0xb8;
	[tilespmem:$0x1E800] =	vst v63  }
0x35: {  	s24 =	smov.u32 s23  }
0x36: {  	p1 =	sne.s32 s23, $0x4800;
	s23 =	sadd.s32 $0x400, s23;
	_ =	swait.ge [sflag:s18], $0x4000  }
0x37: {  	s24 =	sshra.s32 s24, $0x2;
	[sflag:s18] =	ssyncset.done $0x0  }
0x38: {  	s25 =	sadd.s32 $0x1400, s24;
	[sflag:s18] =	ssyncadd.s32 $0xFFFFC000  }
0x39: {  	[spmem:s2] =	stream.indirect.scatter.add.f32 [tilespmem:s16], [sflag:$0x3], $0x80, s25, s15, $0xb8;
	[tilespmem:$0x1E800] =	vst v63  }
0x3a: {  	_ =	swait.ge [sflag:s13], $0x4000  }
0x3b: {  	[sflag:s13] =	ssyncset.done $0x0  }
0x3c: {  	s25 =	sadd.s32 $0x100, s24;
	[sflag:s13] =	ssyncadd.s32 $0xFFFFC000  }
0x3d: {  	[tilespmem:s16], [sflag:$0x1] =	stream.indirect.gather [hbm4b:s1+s15], $0x80, s25, s15, $0xb8;
	[tilespmem:$0x1E800] =	vst v63  }
0x3e: {  	_ =	swait.ge [sflag:s19], $0x4000  }
0x3f: {  	[sflag:s19] =	ssyncset.done $0x0  }
.Ltmp0:
0x40: {  	s25 =	sadd.s32 $0x1480, s24;
	[sflag:s19] =	ssyncadd.s32 $0xFFFFC000;
	(pc) =	sbr.rel @p1 .LBB2_3-.Ltmp0, $4  }
0x41: {  	[spmem:s2] =	stream.indirect.scatter.add.f32 [tilespmem:s17], [sflag:$0x3], $0x80, s25, s15, $0xb8;
	[tilespmem:$0x1E800] =	vst v63  }
0x42: {  	_ =	swait.ge [sflag:s13], $0x4000  }
0x43: {  	[sflag:s13] =	ssyncset.done $0x0  }
0x44: {  	s24 =	sadd.s32 $0x180, s24;
	[sflag:s13] =	ssyncadd.s32 $0xFFFFC000  }
0x45: {  	[tilespmem:s17], [sflag:$0x2] =	stream.indirect.gather [hbm4b:s1+s15], $0x80, s24, s15, $0xb8;
	[tilespmem:$0x1E800] =	vst v63  }
0x46: {  	_ =	swait.ge [sflag:s18], $0x4000  }
0x47: {  	[sflag:s18] =	ssyncset.done $0x0  }
0x48: {  	[sflag:s18] =	ssyncadd.s32 $0xFFFFC000  }
0x49: {  	[spmem:s2] =	stream.indirect.scatter.add.f32 [tilespmem:s16], [sflag:$0x3], $0x80, s20, s15, $0xb8;
	[tilespmem:$0x1E800] =	vst v63  }
0x4a: {  	_ =	swait.ge [sflag:s13], $0x4000  }
0x4b: {  	[sflag:s13] =	ssyncset.done $0x0  }
0x4c: {  	p1 =	slt.u32 s22, $0x2;
	[sflag:s13] =	ssyncadd.s32 $0xFFFFC000  }
0x4d: {  	p1 =	por !p0, !p1;
	_ =	swait.ge [sflag:s19], $0x4000  }
0x4e: {  	p1 =	por !p1, !p1;
	[sflag:s19] =	ssyncset.done $0x0  }
.Ltmp1:
0x4f: {  	[sflag:s19] =	ssyncadd.s32 $0xFFFFC000;
	(pc) =	sbr.rel @p1 .LBB2_2-.Ltmp1, $4  }
0x50: {  	[spmem:s2] =	stream.indirect.scatter.add.f32 [tilespmem:s17], [sflag:$0x3], $0x80, s21, s15, $0xb8;
	[tilespmem:$0x1E800] =	vst v63  }
0x51: {  	_ =	swait.ge [sflag:s13], $0x4000  }
0x52: {  	[sflag:s13] =	ssyncset.done $0x0  }
0x53: {  	s22 =	sadd.s32 $0x1, s22;
	[sflag:s13] =	ssyncadd.s32 $0xFFFFC000  }
0x54: {  	s4 =	sadd.s32 $0x1, s4  }
0x55: {  	p1 =	sne.s32 s4, s11  }
.Ltmp2:
0x56: {  	[bflag:$0x0] =	sbarrier.arrive $0xFFFF;
	(pc) =	sbr.rel @p1 .LBB2_1-.Ltmp2, $4  }
0x57: {  	[hbm:s10], [sflag:s9] =	dma.local [spmem:s12], $0x2800  }
0x58: {  	_ =	swait.ge [sflag:s13], $0x2800  }
0x59: {  	[sflag:s13] =	ssyncset.done $0x0  }
0x5a: {  	[sflag:s13] =	ssyncadd.s32 $0xFFFFD800  }
0x5b: {  	_ =	sfence.sel $0x180000  }
0x5c: {  	[bflag:$0x0] =	sbarrier.arrive $0xFFFF  }
0x5d: {  	p0 =	sne.s32 s3, $0x0;
	_ =	strace $0x9000004A  }
0x5e: {  	s0 =	sadd.s32 @!p0 $0x100000, s0;
	[bflag:$0x2] =	sbarrier.arrive $0xFFFF  }
0x5f: {  	[sflag:s0] =	ssyncadd.tile.s32 @!p0 $0x1;
	_ =	shalt  }
.Lfunc_end2:
_tile_overlayer_lowered:
.L_overlay_start_2:
0x60: {  	(tag) =	ssettag $0x2  }
0x61: {  	s0 =	rddreg [dreg:$0x0];
	s2 =	stileid.u32  }
0x62: {  	s1 =	rddreg [dreg:$0x1];
	p0 =	sne.s32 s2, $0x0  }
0x63: {  	s3 =	rddreg [dreg:$0x2];
	[bflag:$0x3] =	sbarrier.arrive $0xFFFF;
	s2 =	simm.s32 @!p0 $0x1C03  }
0x64: {  	[timem:s3], [sflag:s2] =	dma.local @!p0 [hbm:s0], s1  }
0x65: {  	s0 =	simm.s32 @!p0 $0x3  }
0x66: {  	_ =	swait.ge @!p0 [sflag:s0], s1  }
0x67: {  	s1 =	ssub.s32 @!p0 $0x0, s1;
	[sflag:s0] =	ssyncset.done @!p0 $0x0  }
0x68: {  	[sflag:s0] =	ssyncadd.s32 @!p0 s1  }
0x69: {  	[bflag:$0x3] =	sbarrier.arrive $0xFFFF  }
0x6a: {  	_ =	shalt  }

// kernel: kernel.16.cloned.1.call-start
scs
__scs_entry_jumppad:
0x0: {  	(pc) =	sbr.rel $0x88, $3  }
0x1: {  	(tag) =	ssettag $0x0;
	lr =	simm.s32 $0x1  }
0x2: {  	[smem:$0x3F9B] =	sst lr;
	_ =	strace $0xD0000000  }
0x3: {  	_ = 	snop  }
0x4: {  	_ = 	snop  }
0x5: {  	_ = 	snop  }
0x6: {  	_ = 	snop  }
0x7: {  	_ = 	snop  }
__scs_overlays_trampoline_lowered:
0x8: {  	[smem:$0x3FAA] =	sst s0  }
0x9: {  	[smem:$0x3FAB] =	sst s1  }
0xa: {  	[smem:$0x3FAC] =	sst s2  }
0xb: {  	[smem:$0x3FAD] =	sst s3  }
0xc: {  	[smem:$0x3FAE] =	sst s4  }
0xd: {  	[smem:$0x3FAF] =	sst s5  }
0xe: {  	[smem:$0x3FB0] =	sst s6  }
0xf: {  	[smem:$0x3FB1] =	sst s7  }
0x10: {  	[smem:$0x3FB2] =	sst s8  }
0x11: {  	[smem:$0x3FB3] =	sst s9;
	s0 =	simm.s32 @!p0 $0x0  }
0x12: {  	s1 =	sld [smem:$0x3F99];
	s0 =	simm.s32 @p0 $0x1  }
0x13: {  	[smem:$0x3FB4] =	sst s0;
	s0 =	simm.s32 @!p1 $0x0  }
0x14: {  	s2 =	sld [smem:$0x3F98];
	s0 =	simm.s32 @p1 $0x1  }
0x15: {  	[smem:$0x3FB5] =	sst s0;
	s0 =	simm.s32 @!p2 $0x0  }
0x16: {  	s3 =	sld [smem:$0x3FDB];
	s0 =	simm.s32 @p2 $0x1  }
0x17: {  	s4 =	simm.s32 $0x1BF5;
	[smem:$0x3FB7] =	sst s0  }
0x18: {  	s0 =	sld [smem:$0x3F9A];
	_ =	swait.ge [sflag:s4], $0x0  }
0x19: {  	s7 =	sld [smem:$0x3F9B]  }
0x1a: {  	s8 =	sadd.s32 $0xFFFFE003, lr  }
0x1b: {  	s9 =	sadd.s32 $0xFFFFFEF7, lr;
	s5 =	simm.s32 $0xFFFFFFFF;
	p2 =	slt.u32 s8, $0xFFFFF086  }
0x1c: {  	p1 =	slt.u32 s9, $0xF7A;
	s5 =	simm.s32 @!p2 $0x0  }
0x1d: {  	s5 =	simm.s32 @p1 $0x1;
	p0 =	seq.s32 s7, s2  }
0x1e: {  	s7 =	smul.u32 @!p0 $0xF7A, s2;
	p2 =	seq.s32 @!p0 s5, $0x0  }
0x1f: {  	s9 =	smul.u32 $0xF7A, s1;
	s8 =	simm.s32 @!p0 $0x1BF5;
	p2 =	por !p2, p0  }
0x20: {  	[sflag:s8] =	ssyncset.s32 @!p0 $0xFFFFF086;
	s6 =	sadd.s32 @!p0 s3, s7;
	s7 =	simm.s32 @!p0 $0x108  }
0x21: {  	s3 =	sadd.s32 s3, s9;
	s6 =	sadd.s32 @!p0 $0x88, s6;
	s7 =	simm.s32 @p2 $0x1082  }
0x22: {  	[simem:s7], [sflag:s8] =	dma.local @!p0 [hbm:s6], $0xF7A  }
0x23: {  	s9 =	sor.u32 $0xD0000000, s2;
	s6 =	simm.s32 $0x108;
	_ =	swait.ge @!p0 [sflag:s8], $0x0  }
0x24: {  	s3 =	sadd.s32 $0x88, s3;
	s6 =	simm.s32 @!p1 $0x1082;
	[sflag:s4] =	ssyncset.s32 $0xFFFFF086  }
0x25: {  	[simem:s6], [sflag:s4] =	dma.local [hbm:s3], $0xF7A  }
0x26: {  	[smem:$0x3F9B] =	sst s1;
	(tag) =	ssettag s2;
	_ =	strace s9  }
0x27: {  	s1 =	sld [smem:$0x3FAB]  }
0x28: {  	s2 =	sld [smem:$0x3FAC]  }
0x29: {  	s4 =	sld [smem:$0x3FAE]  }
0x2a: {  	p0 =	seq.s32 s5, $0x0;
	s5 =	sld [smem:$0x3FAF]  }
0x2b: {  	s6 =	sld [smem:$0x3FB0]  }
0x2c: {  	s7 =	sld [smem:$0x3FB1]  }
0x2d: {  	s3 =	simm.s32 $0x108;
	s8 =	sld [smem:$0x3FB2]  }
0x2e: {  	s3 =	simm.s32 @!p0 $0x1082;
	s9 =	sld [smem:$0x3FB3]  }
0x2f: {  	lr =	sadd.s32 s0, s3;
	s0 =	sld [smem:$0x3FAA]  }
0x30: {  	s3 =	sld [smem:$0x3FAD]  }
0x31: {  	[smem:$0x3FB6] =	sst s10  }
0x32: {  	s10 =	sld [smem:$0x3FB4];
	_ =	sdelay $0x3  }
0x33: {  	p0 =	seq.s32 s10, $0x1;
	s10 =	sld [smem:$0x3FB6];
	_ =	sdelay $0x3  }
0x34: {  	[smem:$0x3FB6] =	sst s10  }
0x35: {  	s10 =	sld [smem:$0x3FB5];
	_ =	sdelay $0x3  }
0x36: {  	p1 =	seq.s32 s10, $0x1;
	s10 =	sld [smem:$0x3FB6];
	_ =	sdelay $0x3  }
0x37: {  	[smem:$0x3FB6] =	sst s10  }
0x38: {  	s10 =	sld [smem:$0x3FB7]  }
0x39: {  	_ = 	snop;
	(pc) =	sbr.ind lr, $3  }
0x3a: {  	_ = 	snop  }
0x3b: {  	_ = 	snop  }
0x3c: {  	p2 =	seq.s32 s10, $0x1;
	s10 =	sld [smem:$0x3FB6]  }
0x3d: {  	_ =	shalt  }
0x3e: {  	_ =	shalt  }
0x3f: {  	_ =	shalt  }
0x40: {  	_ =	shalt  }
0x41: {  	_ =	shalt  }
0x42: {  	_ =	shalt  }
0x43: {  	_ =	shalt  }
0x44: {  	_ =	shalt  }
0x45: {  	_ =	shalt  }
0x46: {  	_ =	shalt  }
0x47: {  	_ =	shalt  }
0x48: {  	_ =	shalt  }
0x49: {  	_ =	shalt  }
0x4a: {  	_ =	shalt  }
0x4b: {  	_ =	shalt  }
0x4c: {  	_ =	shalt  }
0x4d: {  	_ =	shalt  }
0x4e: {  	_ =	shalt  }
0x4f: {  	_ =	shalt  }
0x50: {  	_ =	shalt  }
0x51: {  	_ =	shalt  }
0x52: {  	_ =	shalt  }
0x53: {  	_ =	shalt  }
0x54: {  	_ =	shalt  }
0x55: {  	_ =	shalt  }
0x56: {  	_ =	shalt  }
0x57: {  	_ =	shalt  }
0x58: {  	_ =	shalt  }
0x59: {  	_ =	shalt  }
0x5a: {  	_ =	shalt  }
0x5b: {  	_ =	shalt  }
0x5c: {  	_ =	shalt  }
0x5d: {  	_ =	shalt  }
0x5e: {  	_ =	shalt  }
0x5f: {  	_ =	shalt  }
0x60: {  	_ =	shalt  }
0x61: {  	_ =	shalt  }
0x62: {  	_ =	shalt  }
0x63: {  	_ =	shalt  }
0x64: {  	_ =	shalt  }
0x65: {  	_ =	shalt  }
0x66: {  	_ =	shalt  }
0x67: {  	_ =	shalt  }
0x68: {  	_ =	shalt  }
0x69: {  	_ =	shalt  }
0x6a: {  	_ =	shalt  }
0x6b: {  	_ =	shalt  }
0x6c: {  	_ =	shalt  }
0x6d: {  	_ =	shalt  }
0x6e: {  	_ =	shalt  }
0x6f: {  	_ =	shalt  }
0x70: {  	_ =	shalt  }
0x71: {  	_ =	shalt  }
0x72: {  	_ =	shalt  }
0x73: {  	_ =	shalt  }
0x74: {  	_ =	shalt  }
0x75: {  	_ =	shalt  }
0x76: {  	_ =	shalt  }
0x77: {  	_ =	shalt  }
0x78: {  	_ =	shalt  }
0x79: {  	_ =	shalt  }
0x7a: {  	_ =	shalt  }
0x7b: {  	_ =	shalt  }
0x7c: {  	_ =	shalt  }
0x7d: {  	_ =	shalt  }
0x7e: {  	_ =	shalt  }
0x7f: {  	_ =	shalt  }
0x80: {  	_ =	shalt  }
0x81: {  	_ =	shalt  }
0x82: {  	_ =	shalt  }
0x83: {  	_ =	shalt  }
0x84: {  	_ =	shalt  }
0x85: {  	_ =	shalt  }
0x86: {  	_ =	shalt  }
0x87: {  	_ =	shalt  }
.Lfunc_end0:
.L_simem_size_0:
called_computation.2_lowered:
.L_overlay_start_0:
0x88: {  	s2 =	sld [smem:$0x3FD9]  }
0x89: {  	s3 =	sld [smem:$0x3FFE];
	_ =	sdelay $0x1  }
0x8a: {  	s1 =	srdreg.scid  }
0x8b: {  	s0 =	sand.u32 $0x1, s1  }
0x8c: {  	s17 =	sshll.u32 s0, $0xA;
	s2 =	sadd.s32 s3, s2  }
0x8d: {  	s2 =	sadd.s32 s2, s17  }
0x8e: {  	[smem:$0x3FC2] =	sst s2  }
0x8f: {  	_ = 	snop  }
0x90: {  	s2 =	sld [smem:$0x3FD0];
	(tm) =	ssettm $0x1  }
0x91: {  	s18 =	sld [smem:$0x3FFB];
	_ =	sdelay $0x3  }
0x92: {  	_ =	strace s18  }
0x93: {  	s3 =	sld [smem:$0x3FFC];
	_ =	sdelay $0x3  }
0x94: {  	_ =	strace s3  }
0x95: {  	s3 =	sld [smem:$0x3FFD];
	_ =	sdelay $0x3  }
0x96: {  	_ =	strace s3  }
0x97: {  	_ =	strace $0x8FFFFFFF  }
0x98: {  	s19 =	sld [smem:$0x3FDB];
	_ =	sdelay $0x1  }
0x99: {  	s4 =	simm.s32 $_scs_section_size  }
0x9a: {  	s5 =	simm.s32 $_size__tile_overlayer_lowered;
	s6 =	simm.s32 $_tile_overlayer_lowered  }
0x9b: {  	s22 =	simm.s32 $0x1BFF;
	s21 =	sshll.u32 s6, $0x1;
	s3 =	sadd.s32 s4, s19  }
0x9c: {  	s7 =	simm.s32 $0x0;
	s20 =	sshll.u32 s5, $0x1;
	s5 =	sadd.s32 s21, s3  }
0x9d: {  	[timem:s7], [sflag:s22] =	dma.local [hbm:s5], s20  }
0x9e: {  	_ =	swait.ge [sflag:s22], s20  }
0x9f: {  	s4 =	ssub.s32 $0x0, s20;
	[sflag:s22] =	ssyncset.done $0x0  }
0xa0: {  	[sflag:s22] =	ssyncadd.s32 s4;
	_ =	sdelay $0x1  }
0xa1: {  	s23 =	simm.s32 $0x1B8B  }
0xa2: {  	_ =	swait.ge [sflag:s23], $0x1  }
0xa3: {  	[sflag:s23] =	ssyncset.done $0x0  }
0xa4: {  	s25 =	simm.s32 $0x1B8E;
	s24 =	sld [smem:$0x3FFE];
	[sflag:s23] =	ssyncadd.s32 $0xFFFFFFFF  }
0xa5: {  	s26 =	simm.s32 $execute0_lowered;
	[smem:$0x3FD2] =	sst s25  }
0xa6: {  	s5 =	sshll.u32 s26, $0x1;
	_ =	strace $0x8000004C;
	[dreg:$0x1] =	wrdreg $0xFFFFFFFF  }
0xa7: {  	s28 =	simm.s32 $_size_execute0_lowered;
	s3 =	sadd.s32 s3, s5;
	[dreg:$0x0] =	wrdreg $0x0  }
0xa8: {  	s5 =	sshll.u32 s28, $0x1;
	[dreg:$0x2] =	wrdreg s3  }
0xa9: {  	[dreg:$0x3] =	wrdreg s5  }
0xaa: {  	[dreg:$0x4] =	wrdreg $0xC0  }
0xab: {  	_ =	task [dreg:s7], $0x5FFFF  }
0xac: {  	[dreg:$0x1] =	wrdreg $0xFFFFFFFF  }
0xad: {  	[dreg:$0x0] =	wrdreg $0x60  }
0xae: {  	[dreg:$0x2] =	wrdreg s2  }
0xaf: {  	[dreg:$0x3] =	wrdreg s24  }
0xb0: {  	[dreg:$0x4] =	wrdreg $0xA8000  }
0xb1: {  	[dreg:$0x5] =	wrdreg $0x9  }
0xb2: {  	_ =	task.clear_ibuf [dreg:s7], $0x6FFFF;
	_ =	strace $0x9000004C  }
0xb3: {  	s29 =	simm.s32 $0x9;
	_ =	strace $0x8000004E  }
0xb4: {  	_ =	swait.ge [sflag:s29], $0x1  }
0xb5: {  	[sflag:s29] =	ssyncadd.s32 $0xFFFFFFFF  }
0xb6: {  	_ =	strace $0x9000004E  }
0xb7: {  	_ =	sfence  }
0xb8: {  	s30 =	sld [smem:$0x0];
	_ =	sdelay $0x2  }
0xb9: {  	s31 =	sshll.u32 s1, $0xD;
	s1 =	sshrl.u32 s1, $0x2  }
0xba: {  	s3 =	sand.u32 $0x4000, s31;
	s1 =	sadd.s32 s1, s30  }
0xbb: {  	s0 =	sor.u32 s3, s0;
	s1 =	sshll.u32 s1, $0x11  }
0xbc: {  	s0 =	sor.u32 s1, s0  }
0xbd: {  	s0 =	sadd.s32 $0x8F2B, s0  }
0xbe: {  	[sflag:s0] =	ssyncadd.remote.s32 $0x1  }
0xbf: {  	_ =	sfence.sel $0xFFFF  }
0xc0: {  	[dreg:$0x0] =	wrdreg $0xFFFFFFFF;
	(pc) =	sbr.abs _section_cstart, $3  }
0xc1: {  	[dreg:$0x1] =	wrdreg $0xFFFFFFFF  }
0xc2: {  	_ =	task.clear_ibuf [dreg:s7], $0x2FFFF;
	_ =	strace $0x9FFFFFFF  }
0xc3: {  	(tm) =	ssettm $0x7FFFFFFF  }
tec
execute0_lowered:
.L_overlay_start_1:
0x0: {  	(tag) =	ssettag $0x1  }
0x1: {  	s1 =	rddreg [dreg:$0x0]  }
0x2: {  	s8 =	rddreg [dreg:$0x1]  }
0x3: {  	s2 =	rddreg [dreg:$0x2];
	s3 =	srdreg.scid  }
0x4: {  	s0 =	rddreg [dreg:$0x3];
	s4 =	simm.s32 $0x0;
	s14 =	simm.s32 $0x1400  }
0x5: {  	s15 =	simm.s32 $0x80;
	s16 =	simm.s32 $0x2800;
	s17 =	simm.s32 $0x6800  }
0x6: {  	s18 =	simm.s32 $0x1;
	s19 =	simm.s32 $0x2;
	s9 =	sand.u32 $0x1, s3  }
0x7: {  	s20 =	simm.s32 $0x2700;
	s3 =	stileid.u32;
	s10 =	smul.u32 $0x140000, s9  }
0x8: {  	s21 =	simm.s32 $0x2780;
	[smem:$0x7FF] =	sst s4;
	s11 =	smul.u32 $0x14000, s3  }
0x9: {  	s5 =	sadd.s32 $0x60A00, s8;
	s6 =	sadd.s32 $0x56A00, s8;
	s12 =	smul.u32 $0x28, s3  }
0xa: {  	s7 =	sadd.s32 $0x4200, s8;
	_ =	strace $0x8000004D;
	s13 =	smul.u32 $0x50000, s3  }
0xb: {  	s28 =	ssub.s32 $0x2, s9;
	p0 =	seq.s32 s9, $0x1;
	s9 =	smul.u32 $0x78, s3  }
0xc: {  	s31 =	sshll.u32 s3, $0x6;
	s29 =	sshrl.u32 s28, $0x1;
	s10 =	sadd.s32 s11, s10  }
0xd: {  	s11 =	ssub.s32 s28, s29;
	s30 =	sshrl.u32 s13, $0x2;
	s10 =	sshrl.u32 s10, $0x3  }
0xe: {  	s13 =	simm.s32 $0x3;
	s10 =	sadd.s32 s10, s8;
	s8 =	sadd.s32 $0x780, s12  }
0xf: {  	s11 =	smax.u32 s11, $0x1;
	s12 =	sadd.s32 s30, s2;
	s8 =	smov.u32 @p0 s9  }
0x10: {  	s9 =	sor.u32 $0x1C03, s31;
	s10 =	sadd.s32 $0x7EA00, s10;
	s12 =	sshrl.u32 s12, $0x3  }
.LBB2_1:
0x11: {  	[spmem:s12], [sflag:s9] =	dma.local [hbm:s7], $0x2800  }
0x12: {  	_ =	swait.ge [sflag:s13], $0x2800  }
0x13: {  	[sflag:s13] =	ssyncset.done $0x0  }
0x14: {  	[sflag:s13] =	ssyncadd.s32 $0xFFFFD800  }
0x15: {  	s22 =	simm.s32 $0x0;
	[bflag:$0x0] =	sbarrier.arrive $0xFFFF  }
.LBB2_2:
0x16: {  	s23 =	smul.u32 $0x28, s22;
	_ =	sdelay $0x1  }
0x17: {  	s23 =	sadd.s32 s8, s23  }
0x18: {  	s23 =	sshll.u32 s23, $0x4  }
0x19: {  	s25 =	simm.s32 $0x0;
	s24 =	sadd.s32 s5, s23  }
0x1a: {  	[tilespmem:s25], [sflag:$0x3] =	stream.linear.gather [hbm4b:s24+s25], $0x1400, $0x38;
	[tilespmem:$0x1E800] =	vst v63  }
0x1b: {  	_ =	swait.ge [sflag:s13], $0x1400  }
0x1c: {  	[sflag:s13] =	ssyncset.done $0x0  }
0x1d: {  	s23 =	sadd.s32 s6, s23;
	[sflag:s13] =	ssyncadd.s32 $0xFFFFEC00  }
0x1e: {  	[tilespmem:s14], [sflag:$0x3] =	stream.linear.gather [hbm4b:s23+s25], $0x1400, $0x38;
	[tilespmem:$0x1E800] =	vst v63  }
0x1f: {  	_ =	swait.ge [sflag:s13], $0x1400  }
0x20: {  	[sflag:s13] =	ssyncset.done $0x0  }
0x21: {  	[sflag:s13] =	ssyncadd.s32 $0xFFFFEC00  }
0x22: {  	[tilespmem:s16], [sflag:$0x1] =	stream.indirect.gather [hbm4b:s1+s15], $0x80, s25, s15, $0xb8;
	[tilespmem:$0x1E800] =	vst v63  }
0x23: {  	_ = 	snop  }
0x24: {  	[tilespmem:s17], [sflag:$0x2] =	stream.indirect.gather [hbm4b:s1+s15], $0x80, s15, s15, $0xb8;
	[tilespmem:$0x1E800] =	vst v63  }
0x25: {  	_ =	swait.ge [sflag:s18], $0x4000  }
0x26: {  	[sflag:s18] =	ssyncset.done $0x0  }
0x27: {  	s29 =	simm.s32 $0x1400;
	[sflag:s18] =	ssyncadd.s32 $0xFFFFC000  }
0x28: {  	[spmem:s2] =	stream.indirect.scatter.add.f32 [tilespmem:s16], [sflag:$0x3], $0x80, s29, s15, $0xb8;
	[tilespmem:$0x1E800] =	vst v63  }
0x29: {  	_ =	swait.ge [sflag:s13], $0x4000  }
0x2a: {  	[sflag:s13] =	ssyncset.done $0x0  }
0x2b: {  	s30 =	simm.s32 $0x100;
	[sflag:s13] =	ssyncadd.s32 $0xFFFFC000  }
0x2c: {  	[tilespmem:s16], [sflag:$0x1] =	stream.indirect.gather [hbm4b:s1+s15], $0x80, s30, s15, $0xb8;
	[tilespmem:$0x1E800] =	vst v63  }
0x2d: {  	_ =	swait.ge [sflag:s19], $0x4000  }
0x2e: {  	[sflag:s19] =	ssyncset.done $0x0  }
0x2f: {  	s31 =	simm.s32 $0x1480;
	[sflag:s19] =	ssyncadd.s32 $0xFFFFC000  }
0x30: {  	[spmem:s2] =	stream.indirect.scatter.add.f32 [tilespmem:s17], [sflag:$0x3], $0x80, s31, s15, $0xb8;
	[tilespmem:$0x1E800] =	vst v63  }
0x31: {  	_ =	swait.ge [sflag:s13], $0x4000  }
0x32: {  	[sflag:s13] =	ssyncset.done $0x0  }
0x33: {  	s24 =	simm.s32 $0x180;
	s23 =	simm.s32 $0x400;
	[sflag:s13] =	ssyncadd.s32 $0xFFFFC000  }
.LBB2_3:
0x34: {  	[tilespmem:s17], [sflag:$0x2] =	stream.indirect.gather [hbm4b:s1+s15], $0x80, s24, s15, $0xb8;
	[tilespmem:$0x1E800] =	vst v63  }
0x35: {  	s24 =	smov.u32 s23  }
0x36: {  	p1 =	sne.s32 s23, $0x4800;
	s23 =	sadd.s32 $0x400, s23;
	_ =	swait.ge [sflag:s18], $0x4000  }
0x37: {  	s24 =	sshra.s32 s24, $0x2;
	[sflag:s18] =	ssyncset.done $0x0  }
0x38: {  	s25 =	sadd.s32 $0x1400, s24;
	[sflag:s18] =	ssyncadd.s32 $0xFFFFC000  }
0x39: {  	[spmem:s2] =	stream.indirect.scatter.add.f32 [tilespmem:s16], [sflag:$0x3], $0x80, s25, s15, $0xb8;
	[tilespmem:$0x1E800] =	vst v63  }
0x3a: {  	_ =	swait.ge [sflag:s13], $0x4000  }
0x3b: {  	[sflag:s13] =	ssyncset.done $0x0  }
0x3c: {  	s25 =	sadd.s32 $0x100, s24;
	[sflag:s13] =	ssyncadd.s32 $0xFFFFC000  }
0x3d: {  	[tilespmem:s16], [sflag:$0x1] =	stream.indirect.gather [hbm4b:s1+s15], $0x80, s25, s15, $0xb8;
	[tilespmem:$0x1E800] =	vst v63  }
0x3e: {  	_ =	swait.ge [sflag:s19], $0x4000  }
0x3f: {  	[sflag:s19] =	ssyncset.done $0x0  }
.Ltmp0:
0x40: {  	s25 =	sadd.s32 $0x1480, s24;
	[sflag:s19] =	ssyncadd.s32 $0xFFFFC000;
	(pc) =	sbr.rel @p1 .LBB2_3-.Ltmp0, $4  }
0x41: {  	[spmem:s2] =	stream.indirect.scatter.add.f32 [tilespmem:s17], [sflag:$0x3], $0x80, s25, s15, $0xb8;
	[tilespmem:$0x1E800] =	vst v63  }
0x42: {  	_ =	swait.ge [sflag:s13], $0x4000  }
0x43: {  	[sflag:s13] =	ssyncset.done $0x0  }
0x44: {  	s24 =	sadd.s32 $0x180, s24;
	[sflag:s13] =	ssyncadd.s32 $0xFFFFC000  }
0x45: {  	[tilespmem:s17], [sflag:$0x2] =	stream.indirect.gather [hbm4b:s1+s15], $0x80, s24, s15, $0xb8;
	[tilespmem:$0x1E800] =	vst v63  }
0x46: {  	_ =	swait.ge [sflag:s18], $0x4000  }
0x47: {  	[sflag:s18] =	ssyncset.done $0x0  }
0x48: {  	[sflag:s18] =	ssyncadd.s32 $0xFFFFC000  }
0x49: {  	[spmem:s2] =	stream.indirect.scatter.add.f32 [tilespmem:s16], [sflag:$0x3], $0x80, s20, s15, $0xb8;
	[tilespmem:$0x1E800] =	vst v63  }
0x4a: {  	_ =	swait.ge [sflag:s13], $0x4000  }
0x4b: {  	[sflag:s13] =	ssyncset.done $0x0  }
0x4c: {  	p1 =	slt.u32 s22, $0x2;
	[sflag:s13] =	ssyncadd.s32 $0xFFFFC000  }
0x4d: {  	p1 =	por !p0, !p1;
	_ =	swait.ge [sflag:s19], $0x4000  }
0x4e: {  	p1 =	por !p1, !p1;
	[sflag:s19] =	ssyncset.done $0x0  }
.Ltmp1:
0x4f: {  	[sflag:s19] =	ssyncadd.s32 $0xFFFFC000;
	(pc) =	sbr.rel @p1 .LBB2_2-.Ltmp1, $4  }
0x50: {  	[spmem:s2] =	stream.indirect.scatter.add.f32 [tilespmem:s17], [sflag:$0x3], $0x80, s21, s15, $0xb8;
	[tilespmem:$0x1E800] =	vst v63  }
0x51: {  	_ =	swait.ge [sflag:s13], $0x4000  }
0x52: {  	[sflag:s13] =	ssyncset.done $0x0  }
0x53: {  	s22 =	sadd.s32 $0x1, s22;
	[sflag:s13] =	ssyncadd.s32 $0xFFFFC000  }
0x54: {  	s4 =	sadd.s32 $0x1, s4  }
0x55: {  	p1 =	sne.s32 s4, s11  }
.Ltmp2:
0x56: {  	[bflag:$0x0] =	sbarrier.arrive $0xFFFF;
	(pc) =	sbr.rel @p1 .LBB2_1-.Ltmp2, $4  }
0x57: {  	[hbm:s10], [sflag:s9] =	dma.local [spmem:s12], $0x2800  }
0x58: {  	_ =	swait.ge [sflag:s13], $0x2800  }
0x59: {  	[sflag:s13] =	ssyncset.done $0x0  }
0x5a: {  	[sflag:s13] =	ssyncadd.s32 $0xFFFFD800  }
0x5b: {  	_ =	sfence.sel $0x180000  }
0x5c: {  	[bflag:$0x0] =	sbarrier.arrive $0xFFFF  }
0x5d: {  	p0 =	sne.s32 s3, $0x0;
	_ =	strace $0x9000004D  }
0x5e: {  	s0 =	sadd.s32 @!p0 $0x100000, s0;
	[bflag:$0x2] =	sbarrier.arrive $0xFFFF  }
0x5f: {  	[sflag:s0] =	ssyncadd.tile.s32 @!p0 $0x1;
	_ =	shalt  }
.Lfunc_end2:
_tile_overlayer_lowered:
.L_overlay_start_2:
0x60: {  	(tag) =	ssettag $0x2  }
0x61: {  	s0 =	rddreg [dreg:$0x0];
	s2 =	stileid.u32  }
0x62: {  	s1 =	rddreg [dreg:$0x1];
	p0 =	sne.s32 s2, $0x0  }
0x63: {  	s3 =	rddreg [dreg:$0x2];
	[bflag:$0x3] =	sbarrier.arrive $0xFFFF;
	s2 =	simm.s32 @!p0 $0x1C03  }
0x64: {  	[timem:s3], [sflag:s2] =	dma.local @!p0 [hbm:s0], s1  }
0x65: {  	s0 =	simm.s32 @!p0 $0x3  }
0x66: {  	_ =	swait.ge @!p0 [sflag:s0], s1  }
0x67: {  	s1 =	ssub.s32 @!p0 $0x0, s1;
	[sflag:s0] =	ssyncset.done @!p0 $0x0  }
0x68: {  	[sflag:s0] =	ssyncadd.s32 @!p0 s1  }
0x69: {  	[bflag:$0x3] =	sbarrier.arrive $0xFFFF  }
0x6a: {  	_ =	shalt  }

// kernel: kernel.19.cloned.1.call-start
scs
__scs_entry_jumppad:
0x0: {  	(pc) =	sbr.rel $0x88, $3  }
0x1: {  	(tag) =	ssettag $0x0;
	lr =	simm.s32 $0x1  }
0x2: {  	[smem:$0x3F9B] =	sst lr;
	_ =	strace $0xD0000000  }
0x3: {  	_ = 	snop  }
0x4: {  	_ = 	snop  }
0x5: {  	_ = 	snop  }
0x6: {  	_ = 	snop  }
0x7: {  	_ = 	snop  }
__scs_overlays_trampoline_lowered:
0x8: {  	[smem:$0x3FAA] =	sst s0  }
0x9: {  	[smem:$0x3FAB] =	sst s1  }
0xa: {  	[smem:$0x3FAC] =	sst s2  }
0xb: {  	[smem:$0x3FAD] =	sst s3  }
0xc: {  	[smem:$0x3FAE] =	sst s4  }
0xd: {  	[smem:$0x3FAF] =	sst s5  }
0xe: {  	[smem:$0x3FB0] =	sst s6  }
0xf: {  	[smem:$0x3FB1] =	sst s7  }
0x10: {  	[smem:$0x3FB2] =	sst s8  }
0x11: {  	[smem:$0x3FB3] =	sst s9;
	s0 =	simm.s32 @!p0 $0x0  }
0x12: {  	s1 =	sld [smem:$0x3F99];
	s0 =	simm.s32 @p0 $0x1  }
0x13: {  	[smem:$0x3FB4] =	sst s0;
	s0 =	simm.s32 @!p1 $0x0  }
0x14: {  	s2 =	sld [smem:$0x3F98];
	s0 =	simm.s32 @p1 $0x1  }
0x15: {  	[smem:$0x3FB5] =	sst s0;
	s0 =	simm.s32 @!p2 $0x0  }
0x16: {  	s3 =	sld [smem:$0x3FDB];
	s0 =	simm.s32 @p2 $0x1  }
0x17: {  	s4 =	simm.s32 $0x1BF5;
	[smem:$0x3FB7] =	sst s0  }
0x18: {  	s0 =	sld [smem:$0x3F9A];
	_ =	swait.ge [sflag:s4], $0x0  }
0x19: {  	s7 =	sld [smem:$0x3F9B]  }
0x1a: {  	s8 =	sadd.s32 $0xFFFFE003, lr  }
0x1b: {  	s9 =	sadd.s32 $0xFFFFFEF7, lr;
	s5 =	simm.s32 $0xFFFFFFFF;
	p2 =	slt.u32 s8, $0xFFFFF086  }
0x1c: {  	p1 =	slt.u32 s9, $0xF7A;
	s5 =	simm.s32 @!p2 $0x0  }
0x1d: {  	s5 =	simm.s32 @p1 $0x1;
	p0 =	seq.s32 s7, s2  }
0x1e: {  	s7 =	smul.u32 @!p0 $0xF7A, s2;
	p2 =	seq.s32 @!p0 s5, $0x0  }
0x1f: {  	s9 =	smul.u32 $0xF7A, s1;
	s8 =	simm.s32 @!p0 $0x1BF5;
	p2 =	por !p2, p0  }
0x20: {  	[sflag:s8] =	ssyncset.s32 @!p0 $0xFFFFF086;
	s6 =	sadd.s32 @!p0 s3, s7;
	s7 =	simm.s32 @!p0 $0x108  }
0x21: {  	s3 =	sadd.s32 s3, s9;
	s6 =	sadd.s32 @!p0 $0x88, s6;
	s7 =	simm.s32 @p2 $0x1082  }
0x22: {  	[simem:s7], [sflag:s8] =	dma.local @!p0 [hbm:s6], $0xF7A  }
0x23: {  	s9 =	sor.u32 $0xD0000000, s2;
	s6 =	simm.s32 $0x108;
	_ =	swait.ge @!p0 [sflag:s8], $0x0  }
0x24: {  	s3 =	sadd.s32 $0x88, s3;
	s6 =	simm.s32 @!p1 $0x1082;
	[sflag:s4] =	ssyncset.s32 $0xFFFFF086  }
0x25: {  	[simem:s6], [sflag:s4] =	dma.local [hbm:s3], $0xF7A  }
0x26: {  	[smem:$0x3F9B] =	sst s1;
	(tag) =	ssettag s2;
	_ =	strace s9  }
0x27: {  	s1 =	sld [smem:$0x3FAB]  }
0x28: {  	s2 =	sld [smem:$0x3FAC]  }
0x29: {  	s4 =	sld [smem:$0x3FAE]  }
0x2a: {  	p0 =	seq.s32 s5, $0x0;
	s5 =	sld [smem:$0x3FAF]  }
0x2b: {  	s6 =	sld [smem:$0x3FB0]  }
0x2c: {  	s7 =	sld [smem:$0x3FB1]  }
0x2d: {  	s3 =	simm.s32 $0x108;
	s8 =	sld [smem:$0x3FB2]  }
0x2e: {  	s3 =	simm.s32 @!p0 $0x1082;
	s9 =	sld [smem:$0x3FB3]  }
0x2f: {  	lr =	sadd.s32 s0, s3;
	s0 =	sld [smem:$0x3FAA]  }
0x30: {  	s3 =	sld [smem:$0x3FAD]  }
0x31: {  	[smem:$0x3FB6] =	sst s10  }
0x32: {  	s10 =	sld [smem:$0x3FB4];
	_ =	sdelay $0x3  }
0x33: {  	p0 =	seq.s32 s10, $0x1;
	s10 =	sld [smem:$0x3FB6];
	_ =	sdelay $0x3  }
0x34: {  	[smem:$0x3FB6] =	sst s10  }
0x35: {  	s10 =	sld [smem:$0x3FB5];
	_ =	sdelay $0x3  }
0x36: {  	p1 =	seq.s32 s10, $0x1;
	s10 =	sld [smem:$0x3FB6];
	_ =	sdelay $0x3  }
0x37: {  	[smem:$0x3FB6] =	sst s10  }
0x38: {  	s10 =	sld [smem:$0x3FB7]  }
0x39: {  	_ = 	snop;
	(pc) =	sbr.ind lr, $3  }
0x3a: {  	_ = 	snop  }
0x3b: {  	_ = 	snop  }
0x3c: {  	p2 =	seq.s32 s10, $0x1;
	s10 =	sld [smem:$0x3FB6]  }
0x3d: {  	_ =	shalt  }
0x3e: {  	_ =	shalt  }
0x3f: {  	_ =	shalt  }
0x40: {  	_ =	shalt  }
0x41: {  	_ =	shalt  }
0x42: {  	_ =	shalt  }
0x43: {  	_ =	shalt  }
0x44: {  	_ =	shalt  }
0x45: {  	_ =	shalt  }
0x46: {  	_ =	shalt  }
0x47: {  	_ =	shalt  }
0x48: {  	_ =	shalt  }
0x49: {  	_ =	shalt  }
0x4a: {  	_ =	shalt  }
0x4b: {  	_ =	shalt  }
0x4c: {  	_ =	shalt  }
0x4d: {  	_ =	shalt  }
0x4e: {  	_ =	shalt  }
0x4f: {  	_ =	shalt  }
0x50: {  	_ =	shalt  }
0x51: {  	_ =	shalt  }
0x52: {  	_ =	shalt  }
0x53: {  	_ =	shalt  }
0x54: {  	_ =	shalt  }
0x55: {  	_ =	shalt  }
0x56: {  	_ =	shalt  }
0x57: {  	_ =	shalt  }
0x58: {  	_ =	shalt  }
0x59: {  	_ =	shalt  }
0x5a: {  	_ =	shalt  }
0x5b: {  	_ =	shalt  }
0x5c: {  	_ =	shalt  }
0x5d: {  	_ =	shalt  }
0x5e: {  	_ =	shalt  }
0x5f: {  	_ =	shalt  }
0x60: {  	_ =	shalt  }
0x61: {  	_ =	shalt  }
0x62: {  	_ =	shalt  }
0x63: {  	_ =	shalt  }
0x64: {  	_ =	shalt  }
0x65: {  	_ =	shalt  }
0x66: {  	_ =	shalt  }
0x67: {  	_ =	shalt  }
0x68: {  	_ =	shalt  }
0x69: {  	_ =	shalt  }
0x6a: {  	_ =	shalt  }
0x6b: {  	_ =	shalt  }
0x6c: {  	_ =	shalt  }
0x6d: {  	_ =	shalt  }
0x6e: {  	_ =	shalt  }
0x6f: {  	_ =	shalt  }
0x70: {  	_ =	shalt  }
0x71: {  	_ =	shalt  }
0x72: {  	_ =	shalt  }
0x73: {  	_ =	shalt  }
0x74: {  	_ =	shalt  }
0x75: {  	_ =	shalt  }
0x76: {  	_ =	shalt  }
0x77: {  	_ =	shalt  }
0x78: {  	_ =	shalt  }
0x79: {  	_ =	shalt  }
0x7a: {  	_ =	shalt  }
0x7b: {  	_ =	shalt  }
0x7c: {  	_ =	shalt  }
0x7d: {  	_ =	shalt  }
0x7e: {  	_ =	shalt  }
0x7f: {  	_ =	shalt  }
0x80: {  	_ =	shalt  }
0x81: {  	_ =	shalt  }
0x82: {  	_ =	shalt  }
0x83: {  	_ =	shalt  }
0x84: {  	_ =	shalt  }
0x85: {  	_ =	shalt  }
0x86: {  	_ =	shalt  }
0x87: {  	_ =	shalt  }
.Lfunc_end0:
.L_simem_size_0:
called_computation.3_lowered:
.L_overlay_start_0:
0x88: {  	s2 =	sld [smem:$0x3FD9]  }
0x89: {  	s3 =	sld [smem:$0x3FFE];
	_ =	sdelay $0x1  }
0x8a: {  	s1 =	srdreg.scid  }
0x8b: {  	s0 =	sand.u32 $0x1, s1  }
0x8c: {  	s17 =	sshll.u32 s0, $0xA;
	s2 =	sadd.s32 s3, s2  }
0x8d: {  	s2 =	sadd.s32 s2, s17  }
0x8e: {  	[smem:$0x3FC2] =	sst s2  }
0x8f: {  	_ = 	snop  }
0x90: {  	s2 =	sld [smem:$0x3FD0];
	(tm) =	ssettm $0x1  }
0x91: {  	s18 =	sld [smem:$0x3FFB];
	_ =	sdelay $0x3  }
0x92: {  	_ =	strace s18  }
0x93: {  	s3 =	sld [smem:$0x3FFC];
	_ =	sdelay $0x3  }
0x94: {  	_ =	strace s3  }
0x95: {  	s3 =	sld [smem:$0x3FFD];
	_ =	sdelay $0x3  }
0x96: {  	_ =	strace s3  }
0x97: {  	_ =	strace $0x8FFFFFFF  }
0x98: {  	s19 =	sld [smem:$0x3FDB];
	_ =	sdelay $0x1  }
0x99: {  	s4 =	simm.s32 $_scs_section_size  }
0x9a: {  	s5 =	simm.s32 $_size__tile_overlayer_lowered;
	s6 =	simm.s32 $_tile_overlayer_lowered  }
0x9b: {  	s22 =	simm.s32 $0x1BFF;
	s21 =	sshll.u32 s6, $0x1;
	s3 =	sadd.s32 s4, s19  }
0x9c: {  	s7 =	simm.s32 $0x0;
	s20 =	sshll.u32 s5, $0x1;
	s5 =	sadd.s32 s21, s3  }
0x9d: {  	[timem:s7], [sflag:s22] =	dma.local [hbm:s5], s20  }
0x9e: {  	_ =	swait.ge [sflag:s22], s20  }
0x9f: {  	s4 =	ssub.s32 $0x0, s20;
	[sflag:s22] =	ssyncset.done $0x0  }
0xa0: {  	[sflag:s22] =	ssyncadd.s32 s4;
	_ =	sdelay $0x1  }
0xa1: {  	s23 =	simm.s32 $0x1B8B  }
0xa2: {  	_ =	swait.ge [sflag:s23], $0x1  }
0xa3: {  	[sflag:s23] =	ssyncset.done $0x0  }
0xa4: {  	s25 =	simm.s32 $0x1B8E;
	s24 =	sld [smem:$0x3FFE];
	[sflag:s23] =	ssyncadd.s32 $0xFFFFFFFF  }
0xa5: {  	s26 =	simm.s32 $execute0_lowered;
	[smem:$0x3FD2] =	sst s25  }
0xa6: {  	s5 =	sshll.u32 s26, $0x1;
	_ =	strace $0x8000004F;
	[dreg:$0x1] =	wrdreg $0xFFFFFFFF  }
0xa7: {  	s28 =	simm.s32 $_size_execute0_lowered;
	s3 =	sadd.s32 s3, s5;
	[dreg:$0x0] =	wrdreg $0x0  }
0xa8: {  	s5 =	sshll.u32 s28, $0x1;
	[dreg:$0x2] =	wrdreg s3  }
0xa9: {  	[dreg:$0x3] =	wrdreg s5  }
0xaa: {  	[dreg:$0x4] =	wrdreg $0xC0  }
0xab: {  	_ =	task [dreg:s7], $0x5FFFF  }
0xac: {  	[dreg:$0x1] =	wrdreg $0xFFFFFFFF  }
0xad: {  	[dreg:$0x0] =	wrdreg $0x60  }
0xae: {  	[dreg:$0x2] =	wrdreg s2  }
0xaf: {  	[dreg:$0x3] =	wrdreg s24  }
0xb0: {  	[dreg:$0x4] =	wrdreg $0xA8000  }
0xb1: {  	[dreg:$0x5] =	wrdreg $0x9  }
0xb2: {  	_ =	task.clear_ibuf [dreg:s7], $0x6FFFF;
	_ =	strace $0x9000004F  }
0xb3: {  	s29 =	simm.s32 $0x9;
	_ =	strace $0x80000051  }
0xb4: {  	_ =	swait.ge [sflag:s29], $0x1  }
0xb5: {  	[sflag:s29] =	ssyncadd.s32 $0xFFFFFFFF  }
0xb6: {  	_ =	strace $0x90000051  }
0xb7: {  	_ =	sfence  }
0xb8: {  	s30 =	sld [smem:$0x0];
	_ =	sdelay $0x2  }
0xb9: {  	s31 =	sshll.u32 s1, $0xD;
	s1 =	sshrl.u32 s1, $0x2  }
0xba: {  	s3 =	sand.u32 $0x4000, s31;
	s1 =	sadd.s32 s1, s30  }
0xbb: {  	s0 =	sor.u32 s3, s0;
	s1 =	sshll.u32 s1, $0x11  }
0xbc: {  	s0 =	sor.u32 s1, s0  }
0xbd: {  	s0 =	sadd.s32 $0x8F2B, s0  }
0xbe: {  	[sflag:s0] =	ssyncadd.remote.s32 $0x1  }
0xbf: {  	_ =	sfence.sel $0xFFFF  }
0xc0: {  	[dreg:$0x0] =	wrdreg $0xFFFFFFFF;
	(pc) =	sbr.abs _section_cstart, $3  }
0xc1: {  	[dreg:$0x1] =	wrdreg $0xFFFFFFFF  }
0xc2: {  	_ =	task.clear_ibuf [dreg:s7], $0x2FFFF;
	_ =	strace $0x9FFFFFFF  }
0xc3: {  	(tm) =	ssettm $0x7FFFFFFF  }
tec
execute0_lowered:
.L_overlay_start_1:
0x0: {  	(tag) =	ssettag $0x1  }
0x1: {  	s1 =	rddreg [dreg:$0x0]  }
0x2: {  	s8 =	rddreg [dreg:$0x1]  }
0x3: {  	s2 =	rddreg [dreg:$0x2];
	s3 =	srdreg.scid  }
0x4: {  	s0 =	rddreg [dreg:$0x3];
	s4 =	simm.s32 $0x0;
	s14 =	simm.s32 $0x1400  }
0x5: {  	s15 =	simm.s32 $0x80;
	s16 =	simm.s32 $0x2800;
	s17 =	simm.s32 $0x6800  }
0x6: {  	s18 =	simm.s32 $0x1;
	s19 =	simm.s32 $0x2;
	s9 =	sand.u32 $0x1, s3  }
0x7: {  	s20 =	simm.s32 $0x2700;
	s3 =	stileid.u32;
	s10 =	smul.u32 $0x140000, s9  }
0x8: {  	s21 =	simm.s32 $0x2780;
	[smem:$0x7FF] =	sst s4;
	s11 =	smul.u32 $0x14000, s3  }
0x9: {  	s5 =	sadd.s32 $0x6AA00, s8;
	s6 =	sadd.s32 $0x74A00, s8;
	s12 =	smul.u32 $0x28, s3  }
0xa: {  	s7 =	sadd.s32 $0x4200, s8;
	_ =	strace $0x80000050;
	s13 =	smul.u32 $0x50000, s3  }
0xb: {  	s28 =	ssub.s32 $0x2, s9;
	p0 =	seq.s32 s9, $0x1;
	s9 =	smul.u32 $0x78, s3  }
0xc: {  	s31 =	sshll.u32 s3, $0x6;
	s29 =	sshrl.u32 s28, $0x1;
	s10 =	sadd.s32 s11, s10  }
0xd: {  	s11 =	ssub.s32 s28, s29;
	s30 =	sshrl.u32 s13, $0x2;
	s10 =	sshrl.u32 s10, $0x3  }
0xe: {  	s13 =	simm.s32 $0x3;
	s10 =	sadd.s32 s10, s8;
	s8 =	sadd.s32 $0x780, s12  }
0xf: {  	s11 =	smax.u32 s11, $0x1;
	s12 =	sadd.s32 s30, s2;
	s8 =	smov.u32 @p0 s9  }
0x10: {  	s9 =	sor.u32 $0x1C03, s31;
	s10 =	sadd.s32 $0x7EA00, s10;
	s12 =	sshrl.u32 s12, $0x3  }
.LBB2_1:
0x11: {  	[spmem:s12], [sflag:s9] =	dma.local [hbm:s7], $0x2800  }
0x12: {  	_ =	swait.ge [sflag:s13], $0x2800  }
0x13: {  	[sflag:s13] =	ssyncset.done $0x0  }
0x14: {  	[sflag:s13] =	ssyncadd.s32 $0xFFFFD800  }
0x15: {  	s22 =	simm.s32 $0x0;
	[bflag:$0x0] =	sbarrier.arrive $0xFFFF  }
.LBB2_2:
0x16: {  	s23 =	smul.u32 $0x28, s22;
	_ =	sdelay $0x1  }
0x17: {  	s23 =	sadd.s32 s8, s23  }
0x18: {  	s23 =	sshll.u32 s23, $0x4  }
0x19: {  	s25 =	simm.s32 $0x0;
	s24 =	sadd.s32 s5, s23  }
0x1a: {  	[tilespmem:s25], [sflag:$0x3] =	stream.linear.gather [hbm4b:s24+s25], $0x1400, $0x38;
	[tilespmem:$0x1E800] =	vst v63  }
0x1b: {  	_ =	swait.ge [sflag:s13], $0x1400  }
0x1c: {  	[sflag:s13] =	ssyncset.done $0x0  }
0x1d: {  	s23 =	sadd.s32 s6, s23;
	[sflag:s13] =	ssyncadd.s32 $0xFFFFEC00  }
0x1e: {  	[tilespmem:s14], [sflag:$0x3] =	stream.linear.gather [hbm4b:s23+s25], $0x1400, $0x38;
	[tilespmem:$0x1E800] =	vst v63  }
0x1f: {  	_ =	swait.ge [sflag:s13], $0x1400  }
0x20: {  	[sflag:s13] =	ssyncset.done $0x0  }
0x21: {  	[sflag:s13] =	ssyncadd.s32 $0xFFFFEC00  }
0x22: {  	[tilespmem:s16], [sflag:$0x1] =	stream.indirect.gather [hbm4b:s1+s15], $0x80, s25, s15, $0xb8;
	[tilespmem:$0x1E800] =	vst v63  }
0x23: {  	_ = 	snop  }
0x24: {  	[tilespmem:s17], [sflag:$0x2] =	stream.indirect.gather [hbm4b:s1+s15], $0x80, s15, s15, $0xb8;
	[tilespmem:$0x1E800] =	vst v63  }
0x25: {  	_ =	swait.ge [sflag:s18], $0x4000  }
0x26: {  	[sflag:s18] =	ssyncset.done $0x0  }
0x27: {  	s29 =	simm.s32 $0x1400;
	[sflag:s18] =	ssyncadd.s32 $0xFFFFC000  }
0x28: {  	[spmem:s2] =	stream.indirect.scatter.add.f32 [tilespmem:s16], [sflag:$0x3], $0x80, s29, s15, $0xb8;
	[tilespmem:$0x1E800] =	vst v63  }
0x29: {  	_ =	swait.ge [sflag:s13], $0x4000  }
0x2a: {  	[sflag:s13] =	ssyncset.done $0x0  }
0x2b: {  	s30 =	simm.s32 $0x100;
	[sflag:s13] =	ssyncadd.s32 $0xFFFFC000  }
0x2c: {  	[tilespmem:s16], [sflag:$0x1] =	stream.indirect.gather [hbm4b:s1+s15], $0x80, s30, s15, $0xb8;
	[tilespmem:$0x1E800] =	vst v63  }
0x2d: {  	_ =	swait.ge [sflag:s19], $0x4000  }
0x2e: {  	[sflag:s19] =	ssyncset.done $0x0  }
0x2f: {  	s31 =	simm.s32 $0x1480;
	[sflag:s19] =	ssyncadd.s32 $0xFFFFC000  }
0x30: {  	[spmem:s2] =	stream.indirect.scatter.add.f32 [tilespmem:s17], [sflag:$0x3], $0x80, s31, s15, $0xb8;
	[tilespmem:$0x1E800] =	vst v63  }
0x31: {  	_ =	swait.ge [sflag:s13], $0x4000  }
0x32: {  	[sflag:s13] =	ssyncset.done $0x0  }
0x33: {  	s24 =	simm.s32 $0x180;
	s23 =	simm.s32 $0x400;
	[sflag:s13] =	ssyncadd.s32 $0xFFFFC000  }
.LBB2_3:
0x34: {  	[tilespmem:s17], [sflag:$0x2] =	stream.indirect.gather [hbm4b:s1+s15], $0x80, s24, s15, $0xb8;
	[tilespmem:$0x1E800] =	vst v63  }
0x35: {  	s24 =	smov.u32 s23  }
0x36: {  	p1 =	sne.s32 s23, $0x4800;
	s23 =	sadd.s32 $0x400, s23;
	_ =	swait.ge [sflag:s18], $0x4000  }
0x37: {  	s24 =	sshra.s32 s24, $0x2;
	[sflag:s18] =	ssyncset.done $0x0  }
0x38: {  	s25 =	sadd.s32 $0x1400, s24;
	[sflag:s18] =	ssyncadd.s32 $0xFFFFC000  }
0x39: {  	[spmem:s2] =	stream.indirect.scatter.add.f32 [tilespmem:s16], [sflag:$0x3], $0x80, s25, s15, $0xb8;
	[tilespmem:$0x1E800] =	vst v63  }
0x3a: {  	_ =	swait.ge [sflag:s13], $0x4000  }
0x3b: {  	[sflag:s13] =	ssyncset.done $0x0  }
0x3c: {  	s25 =	sadd.s32 $0x100, s24;
	[sflag:s13] =	ssyncadd.s32 $0xFFFFC000  }
0x3d: {  	[tilespmem:s16], [sflag:$0x1] =	stream.indirect.gather [hbm4b:s1+s15], $0x80, s25, s15, $0xb8;
	[tilespmem:$0x1E800] =	vst v63  }
0x3e: {  	_ =	swait.ge [sflag:s19], $0x4000  }
0x3f: {  	[sflag:s19] =	ssyncset.done $0x0  }
.Ltmp0:
0x40: {  	s25 =	sadd.s32 $0x1480, s24;
	[sflag:s19] =	ssyncadd.s32 $0xFFFFC000;
	(pc) =	sbr.rel @p1 .LBB2_3-.Ltmp0, $4  }
0x41: {  	[spmem:s2] =	stream.indirect.scatter.add.f32 [tilespmem:s17], [sflag:$0x3], $0x80, s25, s15, $0xb8;
	[tilespmem:$0x1E800] =	vst v63  }
0x42: {  	_ =	swait.ge [sflag:s13], $0x4000  }
0x43: {  	[sflag:s13] =	ssyncset.done $0x0  }
0x44: {  	s24 =	sadd.s32 $0x180, s24;
	[sflag:s13] =	ssyncadd.s32 $0xFFFFC000  }
0x45: {  	[tilespmem:s17], [sflag:$0x2] =	stream.indirect.gather [hbm4b:s1+s15], $0x80, s24, s15, $0xb8;
	[tilespmem:$0x1E800] =	vst v63  }
0x46: {  	_ =	swait.ge [sflag:s18], $0x4000  }
0x47: {  	[sflag:s18] =	ssyncset.done $0x0  }
0x48: {  	[sflag:s18] =	ssyncadd.s32 $0xFFFFC000  }
0x49: {  	[spmem:s2] =	stream.indirect.scatter.add.f32 [tilespmem:s16], [sflag:$0x3], $0x80, s20, s15, $0xb8;
	[tilespmem:$0x1E800] =	vst v63  }
0x4a: {  	_ =	swait.ge [sflag:s13], $0x4000  }
0x4b: {  	[sflag:s13] =	ssyncset.done $0x0  }
0x4c: {  	p1 =	slt.u32 s22, $0x2;
	[sflag:s13] =	ssyncadd.s32 $0xFFFFC000  }
0x4d: {  	p1 =	por !p0, !p1;
	_ =	swait.ge [sflag:s19], $0x4000  }
0x4e: {  	p1 =	por !p1, !p1;
	[sflag:s19] =	ssyncset.done $0x0  }
.Ltmp1:
0x4f: {  	[sflag:s19] =	ssyncadd.s32 $0xFFFFC000;
	(pc) =	sbr.rel @p1 .LBB2_2-.Ltmp1, $4  }
0x50: {  	[spmem:s2] =	stream.indirect.scatter.add.f32 [tilespmem:s17], [sflag:$0x3], $0x80, s21, s15, $0xb8;
	[tilespmem:$0x1E800] =	vst v63  }
0x51: {  	_ =	swait.ge [sflag:s13], $0x4000  }
0x52: {  	[sflag:s13] =	ssyncset.done $0x0  }
0x53: {  	s22 =	sadd.s32 $0x1, s22;
	[sflag:s13] =	ssyncadd.s32 $0xFFFFC000  }
0x54: {  	s4 =	sadd.s32 $0x1, s4  }
0x55: {  	p1 =	sne.s32 s4, s11  }
.Ltmp2:
0x56: {  	[bflag:$0x0] =	sbarrier.arrive $0xFFFF;
	(pc) =	sbr.rel @p1 .LBB2_1-.Ltmp2, $4  }
0x57: {  	[hbm:s10], [sflag:s9] =	dma.local [spmem:s12], $0x2800  }
0x58: {  	_ =	swait.ge [sflag:s13], $0x2800  }
0x59: {  	[sflag:s13] =	ssyncset.done $0x0  }
0x5a: {  	[sflag:s13] =	ssyncadd.s32 $0xFFFFD800  }
0x5b: {  	_ =	sfence.sel $0x180000  }
0x5c: {  	[bflag:$0x0] =	sbarrier.arrive $0xFFFF  }
0x5d: {  	p0 =	sne.s32 s3, $0x0;
	_ =	strace $0x90000050  }
0x5e: {  	s0 =	sadd.s32 @!p0 $0x100000, s0;
	[bflag:$0x2] =	sbarrier.arrive $0xFFFF  }
0x5f: {  	[sflag:s0] =	ssyncadd.tile.s32 @!p0 $0x1;
	_ =	shalt  }
.Lfunc_end2:
_tile_overlayer_lowered:
.L_overlay_start_2:
0x60: {  	(tag) =	ssettag $0x2  }
0x61: {  	s0 =	rddreg [dreg:$0x0];
	s2 =	stileid.u32  }
0x62: {  	s1 =	rddreg [dreg:$0x1];
	p0 =	sne.s32 s2, $0x0  }
0x63: {  	s3 =	rddreg [dreg:$0x2];
	[bflag:$0x3] =	sbarrier.arrive $0xFFFF;
	s2 =	simm.s32 @!p0 $0x1C03  }
0x64: {  	[timem:s3], [sflag:s2] =	dma.local @!p0 [hbm:s0], s1  }
0x65: {  	s0 =	simm.s32 @!p0 $0x3  }
0x66: {  	_ =	swait.ge @!p0 [sflag:s0], s1  }
0x67: {  	s1 =	ssub.s32 @!p0 $0x0, s1;
	[sflag:s0] =	ssyncset.done @!p0 $0x0  }
0x68: {  	[sflag:s0] =	ssyncadd.s32 @!p0 s1  }
0x69: {  	[bflag:$0x3] =	sbarrier.arrive $0xFFFF  }
0x6a: {  	_ =	shalt  }

</sc_bundles>
